<compile_context>
chip_gen: v7x
topology: tpu7x:2x2x1
jax: 0.10.2.dev20260603
libtpu: 0.0.44.dev20260713+nightly
codegen_flags: <defaults>
</compile_context>

<pallas_src>
import dataclasses
import functools

import jax
import jax.numpy as jnp
from jax import lax
from jax.experimental import pallas as pl
from jax.experimental.pallas import tpu as pltpu
from jax.experimental.pallas import tpu_sc as plsc

N = 10000
E = 320000
D = 128
DW = 128
NCORES = 2
NSUB = 16
NTILES = NCORES * NSUB
CHUNK = 64
NCHUNKS = E // CHUNK
ROWS_PER_TILE = 624
TAIL_ROWS = N - NSUB * ROWS_PER_TILE
NEG_SLOPE = 0.2
ROW_BLOCK = 1000


def _prologue_body(x_ref, emb_ref, wt_ref, vix_ref, vie_ref, vjx_ref, vje_ref,
                   xlin_ref, ai_ref, aj_ref):
    xl = jnp.dot(x_ref[...], wt_ref[...], preferred_element_type=jnp.float32)
    xlin_ref[...] = xl
    emb = emb_ref[...]
    ai_ref[...] = (jnp.sum(xl * vix_ref[...], axis=1, keepdims=True)
                   + jnp.sum(emb * vie_ref[...], axis=1, keepdims=True))
    aj_ref[...] = (jnp.sum(xl * vjx_ref[...], axis=1, keepdims=True)
                   + jnp.sum(emb * vje_ref[...], axis=1, keepdims=True))


def _prologue(x, emb, wt, vix, vie, vjx, vje):
    grid = (N // ROW_BLOCK,)
    return pl.pallas_call(
        _prologue_body,
        grid=grid,
        in_specs=[
            pl.BlockSpec((ROW_BLOCK, D), lambda j: (j, 0)),
            pl.BlockSpec((ROW_BLOCK, D), lambda j: (j, 0)),
            pl.BlockSpec((D, D), lambda j: (0, 0)),
            pl.BlockSpec((1, D), lambda j: (0, 0)),
            pl.BlockSpec((1, D), lambda j: (0, 0)),
            pl.BlockSpec((1, D), lambda j: (0, 0)),
            pl.BlockSpec((1, D), lambda j: (0, 0)),
        ],
        out_specs=[
            pl.BlockSpec((ROW_BLOCK, D), lambda j: (j, 0)),
            pl.BlockSpec((ROW_BLOCK, 1), lambda j: (j, 0)),
            pl.BlockSpec((ROW_BLOCK, 1), lambda j: (j, 0)),
        ],
        out_shape=[
            jax.ShapeDtypeStruct((N, D), jnp.float32),
            jax.ShapeDtypeStruct((N, 1), jnp.float32),
            jax.ShapeDtypeStruct((N, 1), jnp.float32),
        ],
    )(x, emb, wt, vix, vie, vjx, vje)


def _sc_edge(xlin, src, dst, ai, aj):
    mesh = plsc.VectorSubcoreMesh(core_axis_name="c", subcore_axis_name="s")
    cp = pltpu.CompilerParams()
    if "needs_layout_passes" in pltpu.CompilerParams.__dataclass_fields__:
        cp = dataclasses.replace(cp, needs_layout_passes=False)

    @functools.partial(
        pl.kernel,
        compiler_params=cp,
        out_type=jax.ShapeDtypeStruct((NCORES, N, DW), jnp.float32),
        mesh=mesh,
        scratch_types=[
            pltpu.VMEM_SHARED((N, DW), jnp.float32),
            pltpu.VMEM((N,), jnp.float32),
            pltpu.VMEM((N,), jnp.float32),
            pltpu.VMEM((CHUNK,), jnp.int32),
            pltpu.VMEM((CHUNK,), jnp.int32),
            pltpu.VMEM((CHUNK, D), jnp.float32),
            pltpu.VMEM((CHUNK, DW), jnp.float32),
            pltpu.VMEM((CHUNK,), jnp.float32),
            pltpu.SemaphoreType.DMA,
        ],
    )
    def sc_kernel(xlin_hbm, src_hbm, dst_hbm, ai_hbm, aj_hbm, nd_hbm,
                  acc_sh, ai_v, aj_v, src_v, dst_v, rows_v, out_v, w_v, sem):
        cid = lax.axis_index("c")
        sid = lax.axis_index("s")
        wid = sid * NCORES + cid

        zeros16 = jnp.zeros((16,), jnp.float32)

        @pl.loop(0, CHUNK)
        def _(r):
            for k in range(DW // 16):
                out_v[r, pl.ds(k * 16, 16)] = zeros16

        base_r = sid * ROWS_PER_TILE
        nfull = ROWS_PER_TILE // CHUNK
        tail = ROWS_PER_TILE - nfull * CHUNK
        for q in range(nfull):
            pltpu.sync_copy(out_v, acc_sh.at[pl.ds(base_r + q * CHUNK, CHUNK)])
        pltpu.sync_copy(out_v.at[pl.ds(0, tail)],
                        acc_sh.at[pl.ds(base_r + nfull * CHUNK, tail)])

        @pl.when(sid == NSUB - 1)
        def _():
            pltpu.sync_copy(out_v.at[pl.ds(0, TAIL_ROWS)],
                            acc_sh.at[pl.ds(NSUB * ROWS_PER_TILE, TAIL_ROWS)])

        pltpu.sync_copy(ai_hbm, ai_v)
        pltpu.sync_copy(aj_hbm, aj_v)

        plsc.subcore_barrier()

        nchunks = jnp.where(wid < NCHUNKS - (NCHUNKS // NTILES) * NTILES,
                            NCHUNKS // NTILES + 1, NCHUNKS // NTILES)

        def chunk_body(k, _):
            chunk = k * NTILES + wid
            base = chunk * CHUNK
            pltpu.sync_copy(src_hbm.at[pl.ds(base, CHUNK)], src_v)
            pltpu.sync_copy(dst_hbm.at[pl.ds(base, CHUNK)], dst_v)
            gcopy = pltpu.async_copy(xlin_hbm.at[src_v], rows_v, sem)
            for b in range(CHUNK // 16):
                sl = pl.ds(b * 16, 16)
                si = src_v[sl]
                di = dst_v[sl]
                s = (plsc.load_gather(ai_v, [di])
                     + plsc.load_gather(aj_v, [si]))
                s = jnp.maximum(s, s * NEG_SLOPE)
                w = jnp.where(si == di, 0.0, jnp.exp(s))
                w_v[sl] = w
            gcopy.wait()

            @pl.loop(0, CHUNK)
            def _(e):
                wb = plsc.load_gather(w_v, [jnp.full((16,), e, jnp.int32)])
                for k2 in range(D // 16):
                    sle = pl.ds(k2 * 16, 16)
                    out_v[e, sle] = rows_v[e, sle] * wb

            pltpu.sync_copy(out_v, acc_sh.at[dst_v], add=True)
            return ()

        lax.fori_loop(0, nchunks, chunk_body, ())

        plsc.subcore_barrier()

        def flush(off, nrows):
            pltpu.sync_copy(acc_sh.at[pl.ds(off, nrows)],
                            out_v.at[pl.ds(0, nrows)])
            pltpu.sync_copy(out_v.at[pl.ds(0, nrows)],
                            nd_hbm.at[cid, pl.ds(off, nrows)])

        for q in range(nfull):
            flush(base_r + q * CHUNK, CHUNK)
        flush(base_r + nfull * CHUNK, tail)

        @pl.when(sid == NSUB - 1)
        def _():
            flush(NSUB * ROWS_PER_TILE, TAIL_ROWS)

    return sc_kernel(xlin, src, dst, ai, aj)


def _sc_denom(src, dst, ai, aj):
    mesh = plsc.VectorSubcoreMesh(core_axis_name="c", subcore_axis_name="s")
    cp = pltpu.CompilerParams()
    if "needs_layout_passes" in pltpu.CompilerParams.__dataclass_fields__:
        cp = dataclasses.replace(cp, needs_layout_passes=False)

    DR = 80

    @functools.partial(
        pl.kernel,
        compiler_params=cp,
        out_type=jax.ShapeDtypeStruct((NCORES, DR, D), jnp.float32),
        mesh=mesh,
        scratch_types=[
            pltpu.VMEM_SHARED((DR, D), jnp.float32),
            pltpu.VMEM((N,), jnp.float32),
            pltpu.VMEM((N,), jnp.float32),
            pltpu.VMEM((CHUNK,), jnp.int32),
            pltpu.VMEM((CHUNK,), jnp.int32),
            pltpu.VMEM((DR, D), jnp.float32),
            pltpu.VMEM((DR,), jnp.int32),
        ],
    )
    def den_kernel(src_hbm, dst_hbm, ai_hbm, aj_hbm, den_hbm,
                   den_sh, ai_v, aj_v, src_v, dst_v, dloc_v, ramp_v):
        cid = lax.axis_index("c")
        sid = lax.axis_index("s")
        wid = sid * NCORES + cid

        zeros16 = jnp.zeros((16,), jnp.float32)

        @pl.loop(0, DR)
        def _(r):
            for k in range(D // 16):
                dloc_v[r, pl.ds(k * 16, 16)] = zeros16

        for q in range(DR // 16):
            ramp_v[pl.ds(q * 16, 16)] = lax.iota(jnp.int32, 16) + q * 16

        @pl.when(sid == 0)
        def _():
            pltpu.sync_copy(dloc_v, den_sh)

        pltpu.sync_copy(ai_hbm, ai_v)
        pltpu.sync_copy(aj_hbm, aj_v)

        plsc.subcore_barrier()

        nchunks = jnp.where(wid < NCHUNKS - (NCHUNKS // NTILES) * NTILES,
                            NCHUNKS // NTILES + 1, NCHUNKS // NTILES)

        def chunk_body(k, _):
            chunk = k * NTILES + wid
            base = chunk * CHUNK
            pltpu.sync_copy(src_hbm.at[pl.ds(base, CHUNK)], src_v)
            pltpu.sync_copy(dst_hbm.at[pl.ds(base, CHUNK)], dst_v)
            for b in range(CHUNK // 16):
                sl = pl.ds(b * 16, 16)
                si = src_v[sl]
                di = dst_v[sl]
                s = (plsc.load_gather(ai_v, [di])
                     + plsc.load_gather(aj_v, [si]))
                s = jnp.maximum(s, s * NEG_SLOPE)
                w = jnp.where(si == di, 0.0, jnp.exp(s))
                plsc.addupdate_scatter(
                    dloc_v, [lax.shift_right_logical(di, 7), di & 127], w)
            return ()

        lax.fori_loop(0, nchunks, chunk_body, ())

        plsc.subcore_barrier()
        pltpu.sync_copy(dloc_v, den_sh.at[ramp_v], add=True)
        plsc.subcore_barrier()

        @pl.when(sid == 0)
        def _():
            pltpu.sync_copy(den_sh, dloc_v)
            pltpu.sync_copy(dloc_v, den_hbm.at[cid])

    return den_kernel(src, dst, ai, aj)


def _epilogue_body(xlin_ref, ai_ref, aj_ref, nd0_ref, nd1_ref,
                   d0_ref, d1_ref, bias_ref, gamma_ref, beta_ref, out_ref):
    s = ai_ref[...] + aj_ref[...]
    s = jnp.maximum(s, s * NEG_SLOPE)
    wself = jnp.exp(s)
    nd0 = nd0_ref[...]
    nd1 = nd1_ref[...]
    numer = nd0[:, :D] + nd1[:, :D] + wself * xlin_ref[...]
    den = d0_ref[...] + d1_ref[...] + wself
    out = numer / den
    inv_bn = 1.0 / jnp.sqrt(1.0 + 1e-5)
    out = (out + bias_ref[...]) * inv_bn * gamma_ref[...] + beta_ref[...]
    out_ref[...] = jnp.maximum(out, 0.0)


def _epilogue(xlin, ai, aj, nd0, nd1, d0, d1, bias, gamma, beta):
    grid = (N // ROW_BLOCK,)
    row_spec = pl.BlockSpec((ROW_BLOCK, D), lambda j: (j, 0))
    nd_spec = pl.BlockSpec((ROW_BLOCK, DW), lambda j: (j, 0))
    d_spec = pl.BlockSpec((ROW_BLOCK, 1), lambda j: (j, 0))
    col_spec = pl.BlockSpec((ROW_BLOCK, 1), lambda j: (j, 0))
    vec_spec = pl.BlockSpec((1, D), lambda j: (0, 0))
    return pl.pallas_call(
        _epilogue_body,
        grid=grid,
        in_specs=[row_spec, col_spec, col_spec, nd_spec, nd_spec,
                  d_spec, d_spec, vec_spec, vec_spec, vec_spec],
        out_specs=row_spec,
        out_shape=jax.ShapeDtypeStruct((N, D), jnp.float32),
    )(xlin, ai, aj, nd0, nd1, d0, d1, bias, gamma, beta)


def kernel(x, edge_index, embedding, W, att_i, att_j, att_em_i, att_em_j,
           bias, gamma, beta):
    wt = W.T
    vix = att_i.reshape(1, D)
    vie = att_em_i.reshape(1, D)
    vjx = att_j.reshape(1, D)
    vje = att_em_j.reshape(1, D)

    xlin, ai, aj = _prologue(x, embedding, wt, vix, vie, vjx, vje)

    src = edge_index[0]
    dst = edge_index[1]
    nd = _sc_edge(xlin, src, dst, ai.reshape(N), aj.reshape(N))
    den = _sc_denom(src, dst, ai.reshape(N), aj.reshape(N))
    denf = den.reshape(NCORES, 80 * D)[:, :N]

    out = _epilogue(xlin, ai, aj, nd[0], nd[1],
                    denf[0].reshape(N, 1), denf[1].reshape(N, 1),
                    bias.reshape(1, D), gamma.reshape(1, D),
                    beta.reshape(1, D))
    return out

# --- scband reference (transcript-rebuilt; emitter-appended) ---
"""Pipeline reference for scband-gnnlayer-11441792876554 (READ-ONLY COPY).

The authoritative reference and input builder live on the scoring server;
editing this copy changes nothing except your own understanding.
"""

import jax, jax.numpy as jnp
import numpy as np

N_NODES = 10000
N_EDGES = 320000
D = 128
H = 1
C = 128


def setup_inputs(seed: int = 0) -> dict:
    key = jax.random.key(seed)
    ks = jax.random.split(key, 12)
    x = jax.random.normal(ks[0], (N_NODES, D), dtype=jnp.float32)
    edge_index = jax.random.randint(ks[1], (2, N_EDGES), 0, N_NODES, dtype=jnp.int32)
    embedding = jax.random.normal(ks[2], (N_NODES, C), dtype=jnp.float32)
    scale = 1.0 / np.sqrt(D)
    W = jax.random.normal(ks[3], (H * C, D), dtype=jnp.float32) * scale
    att_i = jax.random.normal(ks[4], (1, H, C), dtype=jnp.float32) * 0.1
    att_j = jax.random.normal(ks[5], (1, H, C), dtype=jnp.float32) * 0.1
    att_em_i = jax.random.normal(ks[6], (1, H, C), dtype=jnp.float32) * 0.1
    att_em_j = jax.random.normal(ks[7], (1, H, C), dtype=jnp.float32) * 0.1
    bias = jax.random.normal(ks[8], (C,), dtype=jnp.float32) * 0.1
    gamma = jnp.ones((C,), dtype=jnp.float32)
    beta = jnp.zeros((C,), dtype=jnp.float32)
    return {"x": x, "edge_index": edge_index, "embedding": embedding, "W": W,
            "att_i": att_i, "att_j": att_j, "att_em_i": att_em_i, "att_em_j": att_em_j,
            "bias": bias, "gamma": gamma, "beta": beta}


def reference(x, edge_index, embedding, W, att_i, att_j, att_em_i, att_em_j, bias, gamma, beta):
    N = x.shape[0]
    negative_slope = 0.2
    # lin: x -> heads*out_channels (no bias)
    x_lin = x @ W.T  # [N, H*C]
    # remove self loops, then add self loops for all nodes
    mask = edge_index[0] != edge_index[1]
    sl = jnp.arange(N, dtype=edge_index.dtype)
    src0 = edge_index[0]
    dst0 = jnp.where(mask, edge_index[1], jnp.asarray(N, dtype=edge_index.dtype))
    src = jnp.concatenate([src0, sl], axis=0)
    dst = jnp.concatenate([dst0, sl], axis=0)  # j = src, i = dst
    x_i = x_lin[dst].reshape(-1, H, C)
    x_j = x_lin[src].reshape(-1, H, C)
    emb_i = jnp.tile(embedding[dst][:, None, :], (1, H, 1))
    emb_j = jnp.tile(embedding[src][:, None, :], (1, H, 1))
    key_i = jnp.concatenate([x_i, emb_i], axis=-1)
    key_j = jnp.concatenate([x_j, emb_j], axis=-1)
    cat_att_i = jnp.concatenate([att_i, att_em_i], axis=-1)
    cat_att_j = jnp.concatenate([att_j, att_em_j], axis=-1)
    alpha = (key_i * cat_att_i).sum(-1) + (key_j * cat_att_j).sum(-1)  # [E, H]
    alpha = alpha.reshape(-1, H, 1)
    alpha = jax.nn.leaky_relu(alpha, negative_slope=negative_slope)
    # segment softmax over destination nodes
    amax = jax.ops.segment_max(alpha, dst, num_segments=N + 1)
    alpha = jnp.exp(alpha - amax[dst])
    denom = jax.ops.segment_sum(alpha, dst, num_segments=N + 1)
    alpha = alpha / (denom[dst] + 1e-16)
    # dropout p=0 -> no-op
    msg = x_j * alpha  # [E, H, C]
    out = jax.ops.segment_sum(msg, dst, num_segments=N + 1)[:N]  # [N, H, C]
    out = out.mean(axis=1)  # concat=False -> mean over heads
    out = out + bias
    # BatchNorm1d (eval mode: running_mean=0, running_var=1)
    out = (out - 0.0) / jnp.sqrt(1.0 + 1e-5) * gamma + beta
    return jax.nn.relu(out)

if __name__ == "__main__":
    import jax
    _d = setup_inputs()
    print(jax.jit(kernel)(*tuple(_d.values())))

</pallas_src>

<mosaic_0001>
#map = affine_map<(d0, d1) -> (0, 0)>
#map1 = affine_map<(d0, d1) -> (0)>
#map2 = affine_map<(d0, d1) -> (0, 0, 0)>
module attributes {stable_mosaic.version = 14 : i64} {
  func.func @sc_kernel(%arg0: i32, %arg1: i32, %arg2: memref<10000x128xf32, #tpu.memory_space<hbm>>, %arg3: memref<320000xi32, #tpu.memory_space<hbm>>, %arg4: memref<320000xi32, #tpu.memory_space<hbm>>, %arg5: memref<10000xf32, #tpu.memory_space<hbm>>, %arg6: memref<10000xf32, #tpu.memory_space<hbm>>, %arg7: memref<2x10000x128xf32, #tpu.memory_space<hbm>>, %arg8: memref<10000x128xf32, #tpu.memory_space<vmem_shared>>, %arg9: memref<10000xf32, #tpu.memory_space<vmem>>, %arg10: memref<10000xf32, #tpu.memory_space<vmem>>, %arg11: memref<64xi32, #tpu.memory_space<vmem>>, %arg12: memref<64xi32, #tpu.memory_space<vmem>>, %arg13: memref<64x128xf32, #tpu.memory_space<vmem>>, %arg14: memref<64x128xf32, #tpu.memory_space<vmem>>, %arg15: memref<64xf32, #tpu.memory_space<vmem>>, %arg16: memref<!tpu.dma_semaphore, #tpu.memory_space<semaphore_mem>>) attributes {dimension_semantics = [#tpu.dimension_semantics<core_parallel>, #tpu.dimension_semantics<subcore_parallel>], iteration_bounds = array<i64: 2, 16>, scalar_prefetch = 0 : i64, scratch_operands = 9 : i64, tpu.core_type = #tpu.core_type<sc_vector_subcore>, window_params = [{transform_indices = #map}, {transform_indices = #map1}, {transform_indices = #map1}, {transform_indices = #map1}, {transform_indices = #map1}, {transform_indices = #map2}]} {
    %mul3A = arith.constant 2 : i32
    %mul3A_0 = arith.muli %arg1, %mul3A : i32
    %add3A = arith.addi %mul3A_0, %arg0 : i32
    %broadcast_in_dim3A = arith.constant 0.000000e+00 : f32
    %broadcast_in_dim3A_1 = vector.broadcast %broadcast_in_dim3A : f32 to vector<16xf32>
    %scan3A = arith.constant 0 : i32
    %scan3A_2 = arith.constant 64 : i32
    %scan3A_3 = arith.addi %scan3A, %scan3A_2 : i32
    %scan3A_4 = arith.constant 1 : i32
    scf.for %scan3A_66 = %scan3A to %scan3A_3 step %scan3A_4  : i32 {
      %mul3A_67 = arith.constant 1 : i32
      %mul3A_68 = arith.muli %scan3A_66, %mul3A_67 : i32
      %add3A_69 = arith.constant 0 : i32
      %add3A_70 = arith.addi %add3A_69, %mul3A_68 : i32
      %swap3A = arith.index_cast %add3A_70 : i32 to index
      %swap3A_71 = arith.constant 0 : index
      %swap3A_72 = tpu.vector_load %arg14[%swap3A, %swap3A_71] {strides = array<i32>} : memref<64x128xf32, #tpu.memory_space<vmem>>, vector<16xf32>,
      tpu.vector_store %arg14[%swap3A, %swap3A_71], %broadcast_in_dim3A_1 {strides = array<i32>} : memref<64x128xf32, #tpu.memory_space<vmem>>, vector<16xf32>,
      %swap3A_73 = arith.index_cast %add3A_70 : i32 to index
      %swap3A_74 = arith.constant 16 : index
      %swap3A_75 = tpu.vector_load %arg14[%swap3A_73, %swap3A_74] {strides = array<i32>} : memref<64x128xf32, #tpu.memory_space<vmem>>, vector<16xf32>,
      tpu.vector_store %arg14[%swap3A_73, %swap3A_74], %broadcast_in_dim3A_1 {strides = array<i32>} : memref<64x128xf32, #tpu.memory_space<vmem>>, vector<16xf32>,
      %swap3A_76 = arith.index_cast %add3A_70 : i32 to index
      %swap3A_77 = arith.constant 32 : index
      %swap3A_78 = tpu.vector_load %arg14[%swap3A_76, %swap3A_77] {strides = array<i32>} : memref<64x128xf32, #tpu.memory_space<vmem>>, vector<16xf32>,
      tpu.vector_store %arg14[%swap3A_76, %swap3A_77], %broadcast_in_dim3A_1 {strides = array<i32>} : memref<64x128xf32, #tpu.memory_space<vmem>>, vector<16xf32>,
      %swap3A_79 = arith.index_cast %add3A_70 : i32 to index
      %swap3A_80 = arith.constant 48 : index
      %swap3A_81 = tpu.vector_load %arg14[%swap3A_79, %swap3A_80] {strides = array<i32>} : memref<64x128xf32, #tpu.memory_space<vmem>>, vector<16xf32>,
      tpu.vector_store %arg14[%swap3A_79, %swap3A_80], %broadcast_in_dim3A_1 {strides = array<i32>} : memref<64x128xf32, #tpu.memory_space<vmem>>, vector<16xf32>,
      %swap3A_82 = arith.index_cast %add3A_70 : i32 to index
      %swap3A_83 = arith.constant 64 : index
      %swap3A_84 = tpu.vector_load %arg14[%swap3A_82, %swap3A_83] {strides = array<i32>} : memref<64x128xf32, #tpu.memory_space<vmem>>, vector<16xf32>,
      tpu.vector_store %arg14[%swap3A_82, %swap3A_83], %broadcast_in_dim3A_1 {strides = array<i32>} : memref<64x128xf32, #tpu.memory_space<vmem>>, vector<16xf32>,
      %swap3A_85 = arith.index_cast %add3A_70 : i32 to index
      %swap3A_86 = arith.constant 80 : index
      %swap3A_87 = tpu.vector_load %arg14[%swap3A_85, %swap3A_86] {strides = array<i32>} : memref<64x128xf32, #tpu.memory_space<vmem>>, vector<16xf32>,
      tpu.vector_store %arg14[%swap3A_85, %swap3A_86], %broadcast_in_dim3A_1 {strides = array<i32>} : memref<64x128xf32, #tpu.memory_space<vmem>>, vector<16xf32>,
      %swap3A_88 = arith.index_cast %add3A_70 : i32 to index
      %swap3A_89 = arith.constant 96 : index
      %swap3A_90 = tpu.vector_load %arg14[%swap3A_88, %swap3A_89] {strides = array<i32>} : memref<64x128xf32, #tpu.memory_space<vmem>>, vector<16xf32>,
      tpu.vector_store %arg14[%swap3A_88, %swap3A_89], %broadcast_in_dim3A_1 {strides = array<i32>} : memref<64x128xf32, #tpu.memory_space<vmem>>, vector<16xf32>,
      %swap3A_91 = arith.index_cast %add3A_70 : i32 to index
      %swap3A_92 = arith.constant 112 : index
      %swap3A_93 = tpu.vector_load %arg14[%swap3A_91, %swap3A_92] {strides = array<i32>} : memref<64x128xf32, #tpu.memory_space<vmem>>, vector<16xf32>,
      tpu.vector_store %arg14[%swap3A_91, %swap3A_92], %broadcast_in_dim3A_1 {strides = array<i32>} : memref<64x128xf32, #tpu.memory_space<vmem>>, vector<16xf32>,
    }
    %scan3A_5 = arith.constant 64 : i32
    %mul3A_6 = arith.constant 624 : i32
    %mul3A_7 = arith.muli %arg1, %mul3A_6 : i32
    %add3A_8 = arith.constant 0 : i32
    %add3A_9 = arith.addi %mul3A_7, %add3A_8 : i32
    "tpu.region"() ({
      %run_scoped3A = tpu.sem_alloc : memref<!tpu.dma_semaphore, #tpu.memory_space<semaphore_mem>>
      %dma_start3A = arith.constant 0 : i32
      %dma_start3A_66 = tpu.memref_slice %arg8[%add3A_9, %dma_start3A] : memref<10000x128xf32, #tpu.memory_space<vmem_shared>> -> memref<64x128xf32, #tpu.memory_space<vmem_shared>>
      %dma_start3A_67 = arith.constant 0 : i32
      %dma_start3A_68 = tpu.memref_slice %arg8[%add3A_9, %dma_start3A_67] : memref<10000x128xf32, #tpu.memory_space<vmem_shared>> -> memref<64x128xf32, #tpu.memory_space<vmem_shared>>
      tpu.enqueue_dma source(%arg14 : memref<64x128xf32, #tpu.memory_space<vmem>>) target(%dma_start3A_68 : memref<64x128xf32, #tpu.memory_space<vmem_shared>>) target_semaphore(%run_scoped3A : memref<!tpu.dma_semaphore, #tpu.memory_space<semaphore_mem>>)
      %dma_wait3A = arith.constant 0 : i32
      %dma_wait3A_69 = tpu.memref_slice %arg8[%add3A_9, %dma_wait3A] : memref<10000x128xf32, #tpu.memory_space<vmem_shared>> -> memref<64x128xf32, #tpu.memory_space<vmem_shared>>
      %dma_wait3A_70 = arith.constant 0 : i32
      %dma_wait3A_71 = tpu.memref_slice %arg8[%add3A_9, %dma_wait3A_70] : memref<10000x128xf32, #tpu.memory_space<vmem_shared>> -> memref<64x128xf32, #tpu.memory_space<vmem_shared>>
      tpu.wait_dma2 semaphore(%run_scoped3A : memref<!tpu.dma_semaphore, #tpu.memory_space<semaphore_mem>>) src(%arg14 : memref<64x128xf32, #tpu.memory_space<vmem>>) dst(%dma_wait3A_71 : memref<64x128xf32, #tpu.memory_space<vmem_shared>>)
      tpu.yield
    }) : () -> ()
    %add3A_10 = arith.constant 64 : i32
    %add3A_11 = arith.addi %mul3A_7, %add3A_10 : i32
    "tpu.region"() ({
      %run_scoped3A = tpu.sem_alloc : memref<!tpu.dma_semaphore, #tpu.memory_space<semaphore_mem>>
      %dma_start3A = arith.constant 0 : i32
      %dma_start3A_66 = tpu.memref_slice %arg8[%add3A_11, %dma_start3A] : memref<10000x128xf32, #tpu.memory_space<vmem_shared>> -> memref<64x128xf32, #tpu.memory_space<vmem_shared>>
      %dma_start3A_67 = arith.constant 0 : i32
      %dma_start3A_68 = tpu.memref_slice %arg8[%add3A_11, %dma_start3A_67] : memref<10000x128xf32, #tpu.memory_space<vmem_shared>> -> memref<64x128xf32, #tpu.memory_space<vmem_shared>>
      tpu.enqueue_dma source(%arg14 : memref<64x128xf32, #tpu.memory_space<vmem>>) target(%dma_start3A_68 : memref<64x128xf32, #tpu.memory_space<vmem_shared>>) target_semaphore(%run_scoped3A : memref<!tpu.dma_semaphore, #tpu.memory_space<semaphore_mem>>)
      %dma_wait3A = arith.constant 0 : i32
      %dma_wait3A_69 = tpu.memref_slice %arg8[%add3A_11, %dma_wait3A] : memref<10000x128xf32, #tpu.memory_space<vmem_shared>> -> memref<64x128xf32, #tpu.memory_space<vmem_shared>>
      %dma_wait3A_70 = arith.constant 0 : i32
      %dma_wait3A_71 = tpu.memref_slice %arg8[%add3A_11, %dma_wait3A_70] : memref<10000x128xf32, #tpu.memory_space<vmem_shared>> -> memref<64x128xf32, #tpu.memory_space<vmem_shared>>
      tpu.wait_dma2 semaphore(%run_scoped3A : memref<!tpu.dma_semaphore, #tpu.memory_space<semaphore_mem>>) src(%arg14 : memref<64x128xf32, #tpu.memory_space<vmem>>) dst(%dma_wait3A_71 : memref<64x128xf32, #tpu.memory_space<vmem_shared>>)
      tpu.yield
    }) : () -> ()
    %add3A_12 = arith.constant 128 : i32
    %add3A_13 = arith.addi %mul3A_7, %add3A_12 : i32
    "tpu.region"() ({
      %run_scoped3A = tpu.sem_alloc : memref<!tpu.dma_semaphore, #tpu.memory_space<semaphore_mem>>
      %dma_start3A = arith.constant 0 : i32
      %dma_start3A_66 = tpu.memref_slice %arg8[%add3A_13, %dma_start3A] : memref<10000x128xf32, #tpu.memory_space<vmem_shared>> -> memref<64x128xf32, #tpu.memory_space<vmem_shared>>
      %dma_start3A_67 = arith.constant 0 : i32
      %dma_start3A_68 = tpu.memref_slice %arg8[%add3A_13, %dma_start3A_67] : memref<10000x128xf32, #tpu.memory_space<vmem_shared>> -> memref<64x128xf32, #tpu.memory_space<vmem_shared>>
      tpu.enqueue_dma source(%arg14 : memref<64x128xf32, #tpu.memory_space<vmem>>) target(%dma_start3A_68 : memref<64x128xf32, #tpu.memory_space<vmem_shared>>) target_semaphore(%run_scoped3A : memref<!tpu.dma_semaphore, #tpu.memory_space<semaphore_mem>>)
      %dma_wait3A = arith.constant 0 : i32
      %dma_wait3A_69 = tpu.memref_slice %arg8[%add3A_13, %dma_wait3A] : memref<10000x128xf32, #tpu.memory_space<vmem_shared>> -> memref<64x128xf32, #tpu.memory_space<vmem_shared>>
      %dma_wait3A_70 = arith.constant 0 : i32
      %dma_wait3A_71 = tpu.memref_slice %arg8[%add3A_13, %dma_wait3A_70] : memref<10000x128xf32, #tpu.memory_space<vmem_shared>> -> memref<64x128xf32, #tpu.memory_space<vmem_shared>>
      tpu.wait_dma2 semaphore(%run_scoped3A : memref<!tpu.dma_semaphore, #tpu.memory_space<semaphore_mem>>) src(%arg14 : memref<64x128xf32, #tpu.memory_space<vmem>>) dst(%dma_wait3A_71 : memref<64x128xf32, #tpu.memory_space<vmem_shared>>)
      tpu.yield
    }) : () -> ()
    %add3A_14 = arith.constant 192 : i32
    %add3A_15 = arith.addi %mul3A_7, %add3A_14 : i32
    "tpu.region"() ({
      %run_scoped3A = tpu.sem_alloc : memref<!tpu.dma_semaphore, #tpu.memory_space<semaphore_mem>>
      %dma_start3A = arith.constant 0 : i32
      %dma_start3A_66 = tpu.memref_slice %arg8[%add3A_15, %dma_start3A] : memref<10000x128xf32, #tpu.memory_space<vmem_shared>> -> memref<64x128xf32, #tpu.memory_space<vmem_shared>>
      %dma_start3A_67 = arith.constant 0 : i32
      %dma_start3A_68 = tpu.memref_slice %arg8[%add3A_15, %dma_start3A_67] : memref<10000x128xf32, #tpu.memory_space<vmem_shared>> -> memref<64x128xf32, #tpu.memory_space<vmem_shared>>
      tpu.enqueue_dma source(%arg14 : memref<64x128xf32, #tpu.memory_space<vmem>>) target(%dma_start3A_68 : memref<64x128xf32, #tpu.memory_space<vmem_shared>>) target_semaphore(%run_scoped3A : memref<!tpu.dma_semaphore, #tpu.memory_space<semaphore_mem>>)
      %dma_wait3A = arith.constant 0 : i32
      %dma_wait3A_69 = tpu.memref_slice %arg8[%add3A_15, %dma_wait3A] : memref<10000x128xf32, #tpu.memory_space<vmem_shared>> -> memref<64x128xf32, #tpu.memory_space<vmem_shared>>
      %dma_wait3A_70 = arith.constant 0 : i32
      %dma_wait3A_71 = tpu.memref_slice %arg8[%add3A_15, %dma_wait3A_70] : memref<10000x128xf32, #tpu.memory_space<vmem_shared>> -> memref<64x128xf32, #tpu.memory_space<vmem_shared>>
      tpu.wait_dma2 semaphore(%run_scoped3A : memref<!tpu.dma_semaphore, #tpu.memory_space<semaphore_mem>>) src(%arg14 : memref<64x128xf32, #tpu.memory_space<vmem>>) dst(%dma_wait3A_71 : memref<64x128xf32, #tpu.memory_space<vmem_shared>>)
      tpu.yield
    }) : () -> ()
    %add3A_16 = arith.constant 256 : i32
    %add3A_17 = arith.addi %mul3A_7, %add3A_16 : i32
    "tpu.region"() ({
      %run_scoped3A = tpu.sem_alloc : memref<!tpu.dma_semaphore, #tpu.memory_space<semaphore_mem>>
      %dma_start3A = arith.constant 0 : i32
      %dma_start3A_66 = tpu.memref_slice %arg8[%add3A_17, %dma_start3A] : memref<10000x128xf32, #tpu.memory_space<vmem_shared>> -> memref<64x128xf32, #tpu.memory_space<vmem_shared>>
      %dma_start3A_67 = arith.constant 0 : i32
      %dma_start3A_68 = tpu.memref_slice %arg8[%add3A_17, %dma_start3A_67] : memref<10000x128xf32, #tpu.memory_space<vmem_shared>> -> memref<64x128xf32, #tpu.memory_space<vmem_shared>>
      tpu.enqueue_dma source(%arg14 : memref<64x128xf32, #tpu.memory_space<vmem>>) target(%dma_start3A_68 : memref<64x128xf32, #tpu.memory_space<vmem_shared>>) target_semaphore(%run_scoped3A : memref<!tpu.dma_semaphore, #tpu.memory_space<semaphore_mem>>)
      %dma_wait3A = arith.constant 0 : i32
      %dma_wait3A_69 = tpu.memref_slice %arg8[%add3A_17, %dma_wait3A] : memref<10000x128xf32, #tpu.memory_space<vmem_shared>> -> memref<64x128xf32, #tpu.memory_space<vmem_shared>>
      %dma_wait3A_70 = arith.constant 0 : i32
      %dma_wait3A_71 = tpu.memref_slice %arg8[%add3A_17, %dma_wait3A_70] : memref<10000x128xf32, #tpu.memory_space<vmem_shared>> -> memref<64x128xf32, #tpu.memory_space<vmem_shared>>
      tpu.wait_dma2 semaphore(%run_scoped3A : memref<!tpu.dma_semaphore, #tpu.memory_space<semaphore_mem>>) src(%arg14 : memref<64x128xf32, #tpu.memory_space<vmem>>) dst(%dma_wait3A_71 : memref<64x128xf32, #tpu.memory_space<vmem_shared>>)
      tpu.yield
    }) : () -> ()
    %add3A_18 = arith.constant 320 : i32
    %add3A_19 = arith.addi %mul3A_7, %add3A_18 : i32
    "tpu.region"() ({
      %run_scoped3A = tpu.sem_alloc : memref<!tpu.dma_semaphore, #tpu.memory_space<semaphore_mem>>
      %dma_start3A = arith.constant 0 : i32
      %dma_start3A_66 = tpu.memref_slice %arg8[%add3A_19, %dma_start3A] : memref<10000x128xf32, #tpu.memory_space<vmem_shared>> -> memref<64x128xf32, #tpu.memory_space<vmem_shared>>
      %dma_start3A_67 = arith.constant 0 : i32
      %dma_start3A_68 = tpu.memref_slice %arg8[%add3A_19, %dma_start3A_67] : memref<10000x128xf32, #tpu.memory_space<vmem_shared>> -> memref<64x128xf32, #tpu.memory_space<vmem_shared>>
      tpu.enqueue_dma source(%arg14 : memref<64x128xf32, #tpu.memory_space<vmem>>) target(%dma_start3A_68 : memref<64x128xf32, #tpu.memory_space<vmem_shared>>) target_semaphore(%run_scoped3A : memref<!tpu.dma_semaphore, #tpu.memory_space<semaphore_mem>>)
      %dma_wait3A = arith.constant 0 : i32
      %dma_wait3A_69 = tpu.memref_slice %arg8[%add3A_19, %dma_wait3A] : memref<10000x128xf32, #tpu.memory_space<vmem_shared>> -> memref<64x128xf32, #tpu.memory_space<vmem_shared>>
      %dma_wait3A_70 = arith.constant 0 : i32
      %dma_wait3A_71 = tpu.memref_slice %arg8[%add3A_19, %dma_wait3A_70] : memref<10000x128xf32, #tpu.memory_space<vmem_shared>> -> memref<64x128xf32, #tpu.memory_space<vmem_shared>>
      tpu.wait_dma2 semaphore(%run_scoped3A : memref<!tpu.dma_semaphore, #tpu.memory_space<semaphore_mem>>) src(%arg14 : memref<64x128xf32, #tpu.memory_space<vmem>>) dst(%dma_wait3A_71 : memref<64x128xf32, #tpu.memory_space<vmem_shared>>)
      tpu.yield
    }) : () -> ()
    %add3A_20 = arith.constant 384 : i32
    %add3A_21 = arith.addi %mul3A_7, %add3A_20 : i32
    "tpu.region"() ({
      %run_scoped3A = tpu.sem_alloc : memref<!tpu.dma_semaphore, #tpu.memory_space<semaphore_mem>>
      %dma_start3A = arith.constant 0 : i32
      %dma_start3A_66 = tpu.memref_slice %arg8[%add3A_21, %dma_start3A] : memref<10000x128xf32, #tpu.memory_space<vmem_shared>> -> memref<64x128xf32, #tpu.memory_space<vmem_shared>>
      %dma_start3A_67 = arith.constant 0 : i32
      %dma_start3A_68 = tpu.memref_slice %arg8[%add3A_21, %dma_start3A_67] : memref<10000x128xf32, #tpu.memory_space<vmem_shared>> -> memref<64x128xf32, #tpu.memory_space<vmem_shared>>
      tpu.enqueue_dma source(%arg14 : memref<64x128xf32, #tpu.memory_space<vmem>>) target(%dma_start3A_68 : memref<64x128xf32, #tpu.memory_space<vmem_shared>>) target_semaphore(%run_scoped3A : memref<!tpu.dma_semaphore, #tpu.memory_space<semaphore_mem>>)
      %dma_wait3A = arith.constant 0 : i32
      %dma_wait3A_69 = tpu.memref_slice %arg8[%add3A_21, %dma_wait3A] : memref<10000x128xf32, #tpu.memory_space<vmem_shared>> -> memref<64x128xf32, #tpu.memory_space<vmem_shared>>
      %dma_wait3A_70 = arith.constant 0 : i32
      %dma_wait3A_71 = tpu.memref_slice %arg8[%add3A_21, %dma_wait3A_70] : memref<10000x128xf32, #tpu.memory_space<vmem_shared>> -> memref<64x128xf32, #tpu.memory_space<vmem_shared>>
      tpu.wait_dma2 semaphore(%run_scoped3A : memref<!tpu.dma_semaphore, #tpu.memory_space<semaphore_mem>>) src(%arg14 : memref<64x128xf32, #tpu.memory_space<vmem>>) dst(%dma_wait3A_71 : memref<64x128xf32, #tpu.memory_space<vmem_shared>>)
      tpu.yield
    }) : () -> ()
    %add3A_22 = arith.constant 448 : i32
    %add3A_23 = arith.addi %mul3A_7, %add3A_22 : i32
    "tpu.region"() ({
      %run_scoped3A = tpu.sem_alloc : memref<!tpu.dma_semaphore, #tpu.memory_space<semaphore_mem>>
      %dma_start3A = arith.constant 0 : i32
      %dma_start3A_66 = tpu.memref_slice %arg8[%add3A_23, %dma_start3A] : memref<10000x128xf32, #tpu.memory_space<vmem_shared>> -> memref<64x128xf32, #tpu.memory_space<vmem_shared>>
      %dma_start3A_67 = arith.constant 0 : i32
      %dma_start3A_68 = tpu.memref_slice %arg8[%add3A_23, %dma_start3A_67] : memref<10000x128xf32, #tpu.memory_space<vmem_shared>> -> memref<64x128xf32, #tpu.memory_space<vmem_shared>>
      tpu.enqueue_dma source(%arg14 : memref<64x128xf32, #tpu.memory_space<vmem>>) target(%dma_start3A_68 : memref<64x128xf32, #tpu.memory_space<vmem_shared>>) target_semaphore(%run_scoped3A : memref<!tpu.dma_semaphore, #tpu.memory_space<semaphore_mem>>)
      %dma_wait3A = arith.constant 0 : i32
      %dma_wait3A_69 = tpu.memref_slice %arg8[%add3A_23, %dma_wait3A] : memref<10000x128xf32, #tpu.memory_space<vmem_shared>> -> memref<64x128xf32, #tpu.memory_space<vmem_shared>>
      %dma_wait3A_70 = arith.constant 0 : i32
      %dma_wait3A_71 = tpu.memref_slice %arg8[%add3A_23, %dma_wait3A_70] : memref<10000x128xf32, #tpu.memory_space<vmem_shared>> -> memref<64x128xf32, #tpu.memory_space<vmem_shared>>
      tpu.wait_dma2 semaphore(%run_scoped3A : memref<!tpu.dma_semaphore, #tpu.memory_space<semaphore_mem>>) src(%arg14 : memref<64x128xf32, #tpu.memory_space<vmem>>) dst(%dma_wait3A_71 : memref<64x128xf32, #tpu.memory_space<vmem_shared>>)
      tpu.yield
    }) : () -> ()
    %add3A_24 = arith.constant 512 : i32
    %add3A_25 = arith.addi %mul3A_7, %add3A_24 : i32
    "tpu.region"() ({
      %run_scoped3A = tpu.sem_alloc : memref<!tpu.dma_semaphore, #tpu.memory_space<semaphore_mem>>
      %dma_start3A = arith.constant 0 : i32
      %dma_start3A_66 = tpu.memref_slice %arg8[%add3A_25, %dma_start3A] : memref<10000x128xf32, #tpu.memory_space<vmem_shared>> -> memref<64x128xf32, #tpu.memory_space<vmem_shared>>
      %dma_start3A_67 = arith.constant 0 : i32
      %dma_start3A_68 = tpu.memref_slice %arg8[%add3A_25, %dma_start3A_67] : memref<10000x128xf32, #tpu.memory_space<vmem_shared>> -> memref<64x128xf32, #tpu.memory_space<vmem_shared>>
      tpu.enqueue_dma source(%arg14 : memref<64x128xf32, #tpu.memory_space<vmem>>) target(%dma_start3A_68 : memref<64x128xf32, #tpu.memory_space<vmem_shared>>) target_semaphore(%run_scoped3A : memref<!tpu.dma_semaphore, #tpu.memory_space<semaphore_mem>>)
      %dma_wait3A = arith.constant 0 : i32
      %dma_wait3A_69 = tpu.memref_slice %arg8[%add3A_25, %dma_wait3A] : memref<10000x128xf32, #tpu.memory_space<vmem_shared>> -> memref<64x128xf32, #tpu.memory_space<vmem_shared>>
      %dma_wait3A_70 = arith.constant 0 : i32
      %dma_wait3A_71 = tpu.memref_slice %arg8[%add3A_25, %dma_wait3A_70] : memref<10000x128xf32, #tpu.memory_space<vmem_shared>> -> memref<64x128xf32, #tpu.memory_space<vmem_shared>>
      tpu.wait_dma2 semaphore(%run_scoped3A : memref<!tpu.dma_semaphore, #tpu.memory_space<semaphore_mem>>) src(%arg14 : memref<64x128xf32, #tpu.memory_space<vmem>>) dst(%dma_wait3A_71 : memref<64x128xf32, #tpu.memory_space<vmem_shared>>)
      tpu.yield
    }) : () -> ()
    %add3A_26 = arith.constant 576 : i32
    %add3A_27 = arith.addi %mul3A_7, %add3A_26 : i32
    "tpu.region"() ({
      %run_scoped3A = tpu.sem_alloc : memref<!tpu.dma_semaphore, #tpu.memory_space<semaphore_mem>>
      %dma_start3A = arith.constant 0 : i32
      %dma_start3A_66 = arith.constant 0 : i32
      %dma_start3A_67 = tpu.memref_slice %arg14[%dma_start3A, %dma_start3A_66] : memref<64x128xf32, #tpu.memory_space<vmem>> -> memref<48x128xf32, #tpu.memory_space<vmem>>
      %dma_start3A_68 = arith.constant 0 : i32
      %dma_start3A_69 = tpu.memref_slice %arg8[%add3A_27, %dma_start3A_68] : memref<10000x128xf32, #tpu.memory_space<vmem_shared>> -> memref<48x128xf32, #tpu.memory_space<vmem_shared>>
      %dma_start3A_70 = arith.constant 0 : i32
      %dma_start3A_71 = tpu.memref_slice %arg8[%add3A_27, %dma_start3A_70] : memref<10000x128xf32, #tpu.memory_space<vmem_shared>> -> memref<48x128xf32, #tpu.memory_space<vmem_shared>>
      %dma_start3A_72 = arith.constant 0 : i32
      %dma_start3A_73 = arith.constant 0 : i32
      %dma_start3A_74 = tpu.memref_slice %arg14[%dma_start3A_72, %dma_start3A_73] : memref<64x128xf32, #tpu.memory_space<vmem>> -> memref<48x128xf32, #tpu.memory_space<vmem>>
      tpu.enqueue_dma source(%dma_start3A_74 : memref<48x128xf32, #tpu.memory_space<vmem>>) target(%dma_start3A_71 : memref<48x128xf32, #tpu.memory_space<vmem_shared>>) target_semaphore(%run_scoped3A : memref<!tpu.dma_semaphore, #tpu.memory_space<semaphore_mem>>)
      %dma_wait3A = arith.constant 0 : i32
      %dma_wait3A_75 = arith.constant 0 : i32
      %dma_wait3A_76 = tpu.memref_slice %arg14[%dma_wait3A, %dma_wait3A_75] : memref<64x128xf32, #tpu.memory_space<vmem>> -> memref<48x128xf32, #tpu.memory_space<vmem>>
      %dma_wait3A_77 = arith.constant 0 : i32
      %dma_wait3A_78 = tpu.memref_slice %arg8[%add3A_27, %dma_wait3A_77] : memref<10000x128xf32, #tpu.memory_space<vmem_shared>> -> memref<48x128xf32, #tpu.memory_space<vmem_shared>>
      %dma_wait3A_79 = arith.constant 0 : i32
      %dma_wait3A_80 = tpu.memref_slice %arg8[%add3A_27, %dma_wait3A_79] : memref<10000x128xf32, #tpu.memory_space<vmem_shared>> -> memref<48x128xf32, #tpu.memory_space<vmem_shared>>
      %dma_wait3A_81 = arith.constant 0 : i32
      %dma_wait3A_82 = arith.constant 0 : i32
      %dma_wait3A_83 = tpu.memref_slice %arg14[%dma_wait3A_81, %dma_wait3A_82] : memref<64x128xf32, #tpu.memory_space<vmem>> -> memref<48x128xf32, #tpu.memory_space<vmem>>
      tpu.wait_dma2 semaphore(%run_scoped3A : memref<!tpu.dma_semaphore, #tpu.memory_space<semaphore_mem>>) src(%dma_wait3A_83 : memref<48x128xf32, #tpu.memory_space<vmem>>) dst(%dma_wait3A_80 : memref<48x128xf32, #tpu.memory_space<vmem_shared>>)
      tpu.yield
    }) : () -> ()
    %eq3A = arith.constant 15 : i32
    %eq3A_28 = arith.cmpi eq, %arg1, %eq3A : i32
    %convert_element_type3A = arith.extui %eq3A_28 : i1 to i32
    %cond3A = arith.constant 0 : i32
    %cond3A_29 = arith.cmpi ne, %convert_element_type3A, %cond3A : i32
    scf.if %cond3A_29 {
      "tpu.region"() ({
        %run_scoped3A = tpu.sem_alloc : memref<!tpu.dma_semaphore, #tpu.memory_space<semaphore_mem>>
        %dma_start3A = arith.constant 0 : i32
        %dma_start3A_66 = arith.constant 0 : i32
        %dma_start3A_67 = tpu.memref_slice %arg14[%dma_start3A, %dma_start3A_66] : memref<64x128xf32, #tpu.memory_space<vmem>> -> memref<16x128xf32, #tpu.memory_space<vmem>>
        %dma_start3A_68 = arith.constant 9984 : i32
        %dma_start3A_69 = arith.constant 0 : i32
        %dma_start3A_70 = tpu.memref_slice %arg8[%dma_start3A_68, %dma_start3A_69] : memref<10000x128xf32, #tpu.memory_space<vmem_shared>> -> memref<16x128xf32, #tpu.memory_space<vmem_shared>>
        %dma_start3A_71 = arith.constant 9984 : i32
        %dma_start3A_72 = arith.constant 0 : i32
        %dma_start3A_73 = tpu.memref_slice %arg8[%dma_start3A_71, %dma_start3A_72] : memref<10000x128xf32, #tpu.memory_space<vmem_shared>> -> memref<16x128xf32, #tpu.memory_space<vmem_shared>>
        %dma_start3A_74 = arith.constant 0 : i32
        %dma_start3A_75 = arith.constant 0 : i32
        %dma_start3A_76 = tpu.memref_slice %arg14[%dma_start3A_74, %dma_start3A_75] : memref<64x128xf32, #tpu.memory_space<vmem>> -> memref<16x128xf32, #tpu.memory_space<vmem>>
        tpu.enqueue_dma source(%dma_start3A_76 : memref<16x128xf32, #tpu.memory_space<vmem>>) target(%dma_start3A_73 : memref<16x128xf32, #tpu.memory_space<vmem_shared>>) target_semaphore(%run_scoped3A : memref<!tpu.dma_semaphore, #tpu.memory_space<semaphore_mem>>)
        %dma_wait3A = arith.constant 0 : i32
        %dma_wait3A_77 = arith.constant 0 : i32
        %dma_wait3A_78 = tpu.memref_slice %arg14[%dma_wait3A, %dma_wait3A_77] : memref<64x128xf32, #tpu.memory_space<vmem>> -> memref<16x128xf32, #tpu.memory_space<vmem>>
        %dma_wait3A_79 = arith.constant 9984 : i32
        %dma_wait3A_80 = arith.constant 0 : i32
        %dma_wait3A_81 = tpu.memref_slice %arg8[%dma_wait3A_79, %dma_wait3A_80] : memref<10000x128xf32, #tpu.memory_space<vmem_shared>> -> memref<16x128xf32, #tpu.memory_space<vmem_shared>>
        %dma_wait3A_82 = arith.constant 9984 : i32
        %dma_wait3A_83 = arith.constant 0 : i32
        %dma_wait3A_84 = tpu.memref_slice %arg8[%dma_wait3A_82, %dma_wait3A_83] : memref<10000x128xf32, #tpu.memory_space<vmem_shared>> -> memref<16x128xf32, #tpu.memory_space<vmem_shared>>
        %dma_wait3A_85 = arith.constant 0 : i32
        %dma_wait3A_86 = arith.constant 0 : i32
        %dma_wait3A_87 = tpu.memref_slice %arg14[%dma_wait3A_85, %dma_wait3A_86] : memref<64x128xf32, #tpu.memory_space<vmem>> -> memref<16x128xf32, #tpu.memory_space<vmem>>
        tpu.wait_dma2 semaphore(%run_scoped3A : memref<!tpu.dma_semaphore, #tpu.memory_space<semaphore_mem>>) src(%dma_wait3A_87 : memref<16x128xf32, #tpu.memory_space<vmem>>) dst(%dma_wait3A_84 : memref<16x128xf32, #tpu.memory_space<vmem_shared>>)
        tpu.yield
      }) : () -> ()
    } else {
    }
    "tpu.region"() ({
      %run_scoped3A = tpu.sem_alloc : memref<!tpu.dma_semaphore, #tpu.memory_space<semaphore_mem>>
      tpu.enqueue_dma source(%arg5 : memref<10000xf32, #tpu.memory_space<hbm>>) target(%arg9 : memref<10000xf32, #tpu.memory_space<vmem>>) target_semaphore(%run_scoped3A : memref<!tpu.dma_semaphore, #tpu.memory_space<semaphore_mem>>)
      tpu.wait_dma2 semaphore(%run_scoped3A : memref<!tpu.dma_semaphore, #tpu.memory_space<semaphore_mem>>) src(%arg5 : memref<10000xf32, #tpu.memory_space<hbm>>) dst(%arg9 : memref<10000xf32, #tpu.memory_space<vmem>>)
      tpu.yield
    }) : () -> ()
    "tpu.region"() ({
      %run_scoped3A = tpu.sem_alloc : memref<!tpu.dma_semaphore, #tpu.memory_space<semaphore_mem>>
      tpu.enqueue_dma source(%arg6 : memref<10000xf32, #tpu.memory_space<hbm>>) target(%arg10 : memref<10000xf32, #tpu.memory_space<vmem>>) target_semaphore(%run_scoped3A : memref<!tpu.dma_semaphore, #tpu.memory_space<semaphore_mem>>)
      tpu.wait_dma2 semaphore(%run_scoped3A : memref<!tpu.dma_semaphore, #tpu.memory_space<semaphore_mem>>) src(%arg6 : memref<10000xf32, #tpu.memory_space<hbm>>) dst(%arg10 : memref<10000xf32, #tpu.memory_space<vmem>>)
      tpu.yield
    }) : () -> ()
    %barrier3A = arith.constant 0 : index
    tpu.barrier barrier_id(%barrier3A)
    %lt3A = arith.constant 8 : i32
    %lt3A_30 = arith.cmpi slt, %add3A, %lt3A : i32
    %jit3A = arith.constant 157 : i32
    %jit3A_31 = arith.constant 156 : i32
    %select_n3A = arith.select %lt3A_30, %jit3A, %jit3A_31 : i32
    %while3A = arith.constant 0 : i32
    %while3A_32 = arith.subi %select_n3A, %while3A : i32
    %while3A_33 = arith.addi %while3A, %while3A_32 : i32
    %while3A_34 = arith.constant 1 : i32
    %while3A_35 = arith.divsi %while3A_32, %while3A_34 : i32
    %while3A_36 = arith.muli %while3A_35, %while3A_34 : i32
    %while3A_37 = arith.addi %while3A, %while3A_36 : i32
    %while3A_38 = arith.constant 1 : i32
    scf.for %while3A_66 = %while3A to %while3A_37 step %while3A_38  : i32 {
      %mul3A_67 = arith.constant 32 : i32
      %mul3A_68 = arith.muli %while3A_66, %mul3A_67 : i32
      %add3A_69 = arith.addi %mul3A_68, %add3A : i32
      %mul3A_70 = arith.constant 64 : i32
      %mul3A_71 = arith.muli %add3A_69, %mul3A_70 : i32
      "tpu.region"() ({
        %run_scoped3A = tpu.sem_alloc : memref<!tpu.dma_semaphore, #tpu.memory_space<semaphore_mem>>
        %dma_start3A_148 = tpu.memref_slice %arg3[%mul3A_71] : memref<320000xi32, #tpu.memory_space<hbm>> -> memref<64xi32, #tpu.memory_space<hbm>>
        %dma_start3A_149 = tpu.memref_slice %arg3[%mul3A_71] : memref<320000xi32, #tpu.memory_space<hbm>> -> memref<64xi32, #tpu.memory_space<hbm>>
        tpu.enqueue_dma source(%dma_start3A_149 : memref<64xi32, #tpu.memory_space<hbm>>) target(%arg11 : memref<64xi32, #tpu.memory_space<vmem>>) target_semaphore(%run_scoped3A : memref<!tpu.dma_semaphore, #tpu.memory_space<semaphore_mem>>)
        %dma_wait3A_150 = tpu.memref_slice %arg3[%mul3A_71] : memref<320000xi32, #tpu.memory_space<hbm>> -> memref<64xi32, #tpu.memory_space<hbm>>
        %dma_wait3A_151 = tpu.memref_slice %arg3[%mul3A_71] : memref<320000xi32, #tpu.memory_space<hbm>> -> memref<64xi32, #tpu.memory_space<hbm>>
        tpu.wait_dma2 semaphore(%run_scoped3A : memref<!tpu.dma_semaphore, #tpu.memory_space<semaphore_mem>>) src(%dma_wait3A_151 : memref<64xi32, #tpu.memory_space<hbm>>) dst(%arg11 : memref<64xi32, #tpu.memory_space<vmem>>)
        tpu.yield
      }) : () -> ()
      "tpu.region"() ({
        %run_scoped3A = tpu.sem_alloc : memref<!tpu.dma_semaphore, #tpu.memory_space<semaphore_mem>>
        %dma_start3A_148 = tpu.memref_slice %arg4[%mul3A_71] : memref<320000xi32, #tpu.memory_space<hbm>> -> memref<64xi32, #tpu.memory_space<hbm>>
        %dma_start3A_149 = tpu.memref_slice %arg4[%mul3A_71] : memref<320000xi32, #tpu.memory_space<hbm>> -> memref<64xi32, #tpu.memory_space<hbm>>
        tpu.enqueue_dma source(%dma_start3A_149 : memref<64xi32, #tpu.memory_space<hbm>>) target(%arg12 : memref<64xi32, #tpu.memory_space<vmem>>) target_semaphore(%run_scoped3A : memref<!tpu.dma_semaphore, #tpu.memory_space<semaphore_mem>>)
        %dma_wait3A_150 = tpu.memref_slice %arg4[%mul3A_71] : memref<320000xi32, #tpu.memory_space<hbm>> -> memref<64xi32, #tpu.memory_space<hbm>>
        %dma_wait3A_151 = tpu.memref_slice %arg4[%mul3A_71] : memref<320000xi32, #tpu.memory_space<hbm>> -> memref<64xi32, #tpu.memory_space<hbm>>
        tpu.wait_dma2 semaphore(%run_scoped3A : memref<!tpu.dma_semaphore, #tpu.memory_space<semaphore_mem>>) src(%dma_wait3A_151 : memref<64xi32, #tpu.memory_space<hbm>>) dst(%arg12 : memref<64xi32, #tpu.memory_space<vmem>>)
        tpu.yield
      }) : () -> ()
      %dma_start3A = arith.constant 0 : i32
      %dma_start3A_72 = arith.constant 0 : i32
      %dma_start3A_73 = tpu.memref_slice %arg2[%dma_start3A, %dma_start3A_72] : memref<10000x128xf32, #tpu.memory_space<hbm>> -> memref<10000x128xf32, #tpu.memory_space<hbm>>
      tpu.enqueue_indirect_dma source(%dma_start3A_73 : memref<10000x128xf32, #tpu.memory_space<hbm>>) target(%arg13 : memref<64x128xf32, #tpu.memory_space<vmem>>) offsets(%arg11 : memref<64xi32, #tpu.memory_space<vmem>>) semaphore(%arg16 : memref<!tpu.dma_semaphore, #tpu.memory_space<semaphore_mem>>)
      %get3A = arith.constant 0 : index
      %get3A_74 = tpu.vector_load %arg11[%get3A] {strides = array<i32>} : memref<64xi32, #tpu.memory_space<vmem>>, vector<16xi32>,
      %get3A_75 = arith.constant 0 : index
      %get3A_76 = tpu.vector_load %arg12[%get3A_75] {strides = array<i32>} : memref<64xi32, #tpu.memory_space<vmem>>, vector<16xi32>,
      %gather3A = tpu.vector_load_idx %arg9[%get3A_76] : memref<10000xf32, #tpu.memory_space<vmem>>[vector<16xi32>], vector<16xf32>,
      %gather3A_77 = tpu.vector_load_idx %arg10[%get3A_74] : memref<10000xf32, #tpu.memory_space<vmem>>[vector<16xi32>], vector<16xf32>,
      %add3A_78 = arith.addf %gather3A, %gather3A_77 : vector<16xf32>
      %mul3A_79 = arith.constant 2.000000e-01 : f32
      %mul3A_80 = vector.broadcast %mul3A_79 : f32 to vector<16xf32>
      %mul3A_81 = arith.mulf %add3A_78, %mul3A_80 : vector<16xf32>
      %max3A = arith.maximumf %add3A_78, %mul3A_81 : vector<16xf32>
      %eq3A_82 = arith.cmpi eq, %get3A_74, %get3A_76 : vector<16xi32>
      %exp3A = math.exp %max3A : vector<16xf32>
      %jit3A_83 = arith.constant 0.000000e+00 : f32
      %broadcast_in_dim3A_84 = vector.broadcast %jit3A_83 : f32 to vector<16xf32>
      %select_n3A_85 = arith.select %eq3A_82, %broadcast_in_dim3A_84, %exp3A : vector<16xi1>, vector<16xf32>
      %swap3A = arith.constant 0 : index
      %swap3A_86 = tpu.vector_load %arg15[%swap3A] {strides = array<i32>} : memref<64xf32, #tpu.memory_space<vmem>>, vector<16xf32>,
      tpu.vector_store %arg15[%swap3A], %select_n3A_85 {strides = array<i32>} : memref<64xf32, #tpu.memory_space<vmem>>, vector<16xf32>,
      %get3A_87 = arith.constant 16 : index
      %get3A_88 = tpu.vector_load %arg11[%get3A_87] {strides = array<i32>} : memref<64xi32, #tpu.memory_space<vmem>>, vector<16xi32>,
      %get3A_89 = arith.constant 16 : index
      %get3A_90 = tpu.vector_load %arg12[%get3A_89] {strides = array<i32>} : memref<64xi32, #tpu.memory_space<vmem>>, vector<16xi32>,
      %gather3A_91 = tpu.vector_load_idx %arg9[%get3A_90] : memref<10000xf32, #tpu.memory_space<vmem>>[vector<16xi32>], vector<16xf32>,
      %gather3A_92 = tpu.vector_load_idx %arg10[%get3A_88] : memref<10000xf32, #tpu.memory_space<vmem>>[vector<16xi32>], vector<16xf32>,
      %add3A_93 = arith.addf %gather3A_91, %gather3A_92 : vector<16xf32>
      %mul3A_94 = arith.constant 2.000000e-01 : f32
      %mul3A_95 = vector.broadcast %mul3A_94 : f32 to vector<16xf32>
      %mul3A_96 = arith.mulf %add3A_93, %mul3A_95 : vector<16xf32>
      %max3A_97 = arith.maximumf %add3A_93, %mul3A_96 : vector<16xf32>
      %eq3A_98 = arith.cmpi eq, %get3A_88, %get3A_90 : vector<16xi32>
      %exp3A_99 = math.exp %max3A_97 : vector<16xf32>
      %jit3A_100 = arith.constant 0.000000e+00 : f32
      %broadcast_in_dim3A_101 = vector.broadcast %jit3A_100 : f32 to vector<16xf32>
      %select_n3A_102 = arith.select %eq3A_98, %broadcast_in_dim3A_101, %exp3A_99 : vector<16xi1>, vector<16xf32>
      %swap3A_103 = arith.constant 16 : index
      %swap3A_104 = tpu.vector_load %arg15[%swap3A_103] {strides = array<i32>} : memref<64xf32, #tpu.memory_space<vmem>>, vector<16xf32>,
      tpu.vector_store %arg15[%swap3A_103], %select_n3A_102 {strides = array<i32>} : memref<64xf32, #tpu.memory_space<vmem>>, vector<16xf32>,
      %get3A_105 = arith.constant 32 : index
      %get3A_106 = tpu.vector_load %arg11[%get3A_105] {strides = array<i32>} : memref<64xi32, #tpu.memory_space<vmem>>, vector<16xi32>,
      %get3A_107 = arith.constant 32 : index
      %get3A_108 = tpu.vector_load %arg12[%get3A_107] {strides = array<i32>} : memref<64xi32, #tpu.memory_space<vmem>>, vector<16xi32>,
      %gather3A_109 = tpu.vector_load_idx %arg9[%get3A_108] : memref<10000xf32, #tpu.memory_space<vmem>>[vector<16xi32>], vector<16xf32>,
      %gather3A_110 = tpu.vector_load_idx %arg10[%get3A_106] : memref<10000xf32, #tpu.memory_space<vmem>>[vector<16xi32>], vector<16xf32>,
      %add3A_111 = arith.addf %gather3A_109, %gather3A_110 : vector<16xf32>
      %mul3A_112 = arith.constant 2.000000e-01 : f32
      %mul3A_113 = vector.broadcast %mul3A_112 : f32 to vector<16xf32>
      %mul3A_114 = arith.mulf %add3A_111, %mul3A_113 : vector<16xf32>
      %max3A_115 = arith.maximumf %add3A_111, %mul3A_114 : vector<16xf32>
      %eq3A_116 = arith.cmpi eq, %get3A_106, %get3A_108 : vector<16xi32>
      %exp3A_117 = math.exp %max3A_115 : vector<16xf32>
      %jit3A_118 = arith.constant 0.000000e+00 : f32
      %broadcast_in_dim3A_119 = vector.broadcast %jit3A_118 : f32 to vector<16xf32>
      %select_n3A_120 = arith.select %eq3A_116, %broadcast_in_dim3A_119, %exp3A_117 : vector<16xi1>, vector<16xf32>
      %swap3A_121 = arith.constant 32 : index
      %swap3A_122 = tpu.vector_load %arg15[%swap3A_121] {strides = array<i32>} : memref<64xf32, #tpu.memory_space<vmem>>, vector<16xf32>,
      tpu.vector_store %arg15[%swap3A_121], %select_n3A_120 {strides = array<i32>} : memref<64xf32, #tpu.memory_space<vmem>>, vector<16xf32>,
      %get3A_123 = arith.constant 48 : index
      %get3A_124 = tpu.vector_load %arg11[%get3A_123] {strides = array<i32>} : memref<64xi32, #tpu.memory_space<vmem>>, vector<16xi32>,
      %get3A_125 = arith.constant 48 : index
      %get3A_126 = tpu.vector_load %arg12[%get3A_125] {strides = array<i32>} : memref<64xi32, #tpu.memory_space<vmem>>, vector<16xi32>,
      %gather3A_127 = tpu.vector_load_idx %arg9[%get3A_126] : memref<10000xf32, #tpu.memory_space<vmem>>[vector<16xi32>], vector<16xf32>,
      %gather3A_128 = tpu.vector_load_idx %arg10[%get3A_124] : memref<10000xf32, #tpu.memory_space<vmem>>[vector<16xi32>], vector<16xf32>,
      %add3A_129 = arith.addf %gather3A_127, %gather3A_128 : vector<16xf32>
      %mul3A_130 = arith.constant 2.000000e-01 : f32
      %mul3A_131 = vector.broadcast %mul3A_130 : f32 to vector<16xf32>
      %mul3A_132 = arith.mulf %add3A_129, %mul3A_131 : vector<16xf32>
      %max3A_133 = arith.maximumf %add3A_129, %mul3A_132 : vector<16xf32>
      %eq3A_134 = arith.cmpi eq, %get3A_124, %get3A_126 : vector<16xi32>
      %exp3A_135 = math.exp %max3A_133 : vector<16xf32>
      %jit3A_136 = arith.constant 0.000000e+00 : f32
      %broadcast_in_dim3A_137 = vector.broadcast %jit3A_136 : f32 to vector<16xf32>
      %select_n3A_138 = arith.select %eq3A_134, %broadcast_in_dim3A_137, %exp3A_135 : vector<16xi1>, vector<16xf32>
      %swap3A_139 = arith.constant 48 : index
      %swap3A_140 = tpu.vector_load %arg15[%swap3A_139] {strides = array<i32>} : memref<64xf32, #tpu.memory_space<vmem>>, vector<16xf32>,
      tpu.vector_store %arg15[%swap3A_139], %select_n3A_138 {strides = array<i32>} : memref<64xf32, #tpu.memory_space<vmem>>, vector<16xf32>,
      %dma_wait3A = arith.constant 0 : i32
      %dma_wait3A_141 = arith.constant 0 : i32
      %dma_wait3A_142 = tpu.memref_slice %arg2[%dma_wait3A, %dma_wait3A_141] : memref<10000x128xf32, #tpu.memory_space<hbm>> -> memref<10000x128xf32, #tpu.memory_space<hbm>>
      tpu.wait_indirect_dma semaphore(%arg16 : memref<!tpu.dma_semaphore, #tpu.memory_space<semaphore_mem>>) src(%dma_wait3A_142 : memref<10000x128xf32, #tpu.memory_space<hbm>>) dst(%arg13 : memref<64x128xf32, #tpu.memory_space<vmem>>)
      %scan3A_143 = arith.constant 0 : i32
      %scan3A_144 = arith.constant 64 : i32
      %scan3A_145 = arith.addi %scan3A_143, %scan3A_144 : i32
      %scan3A_146 = arith.constant 1 : i32
      scf.for %scan3A_148 = %scan3A_143 to %scan3A_145 step %scan3A_146  : i32 {
        %mul3A_149 = arith.constant 1 : i32
        %mul3A_150 = arith.muli %scan3A_148, %mul3A_149 : i32
        %add3A_151 = arith.constant 0 : i32
        %add3A_152 = arith.addi %add3A_151, %mul3A_150 : i32
        %broadcast_in_dim3A_153 = vector.broadcast %add3A_152 : i32 to vector<16xi32>
        %gather3A_154 = tpu.vector_load_idx %arg15[%broadcast_in_dim3A_153] : memref<64xf32, #tpu.memory_space<vmem>>[vector<16xi32>], vector<16xf32>,
        %get3A_155 = arith.index_cast %add3A_152 : i32 to index
        %get3A_156 = arith.constant 0 : index
        %get3A_157 = tpu.vector_load %arg13[%get3A_155, %get3A_156] {strides = array<i32>} : memref<64x128xf32, #tpu.memory_space<vmem>>, vector<16xf32>,
        %mul3A_158 = arith.mulf %get3A_157, %gather3A_154 : vector<16xf32>
        %swap3A_159 = arith.index_cast %add3A_152 : i32 to index
        %swap3A_160 = arith.constant 0 : index
        %swap3A_161 = tpu.vector_load %arg14[%swap3A_159, %swap3A_160] {strides = array<i32>} : memref<64x128xf32, #tpu.memory_space<vmem>>, vector<16xf32>,
        tpu.vector_store %arg14[%swap3A_159, %swap3A_160], %mul3A_158 {strides = array<i32>} : memref<64x128xf32, #tpu.memory_space<vmem>>, vector<16xf32>,
        %get3A_162 = arith.index_cast %add3A_152 : i32 to index
        %get3A_163 = arith.constant 16 : index
        %get3A_164 = tpu.vector_load %arg13[%get3A_162, %get3A_163] {strides = array<i32>} : memref<64x128xf32, #tpu.memory_space<vmem>>, vector<16xf32>,
        %mul3A_165 = arith.mulf %get3A_164, %gather3A_154 : vector<16xf32>
        %swap3A_166 = arith.index_cast %add3A_152 : i32 to index
        %swap3A_167 = arith.constant 16 : index
        %swap3A_168 = tpu.vector_load %arg14[%swap3A_166, %swap3A_167] {strides = array<i32>} : memref<64x128xf32, #tpu.memory_space<vmem>>, vector<16xf32>,
        tpu.vector_store %arg14[%swap3A_166, %swap3A_167], %mul3A_165 {strides = array<i32>} : memref<64x128xf32, #tpu.memory_space<vmem>>, vector<16xf32>,
        %get3A_169 = arith.index_cast %add3A_152 : i32 to index
        %get3A_170 = arith.constant 32 : index
        %get3A_171 = tpu.vector_load %arg13[%get3A_169, %get3A_170] {strides = array<i32>} : memref<64x128xf32, #tpu.memory_space<vmem>>, vector<16xf32>,
        %mul3A_172 = arith.mulf %get3A_171, %gather3A_154 : vector<16xf32>
        %swap3A_173 = arith.index_cast %add3A_152 : i32 to index
        %swap3A_174 = arith.constant 32 : index
        %swap3A_175 = tpu.vector_load %arg14[%swap3A_173, %swap3A_174] {strides = array<i32>} : memref<64x128xf32, #tpu.memory_space<vmem>>, vector<16xf32>,
        tpu.vector_store %arg14[%swap3A_173, %swap3A_174], %mul3A_172 {strides = array<i32>} : memref<64x128xf32, #tpu.memory_space<vmem>>, vector<16xf32>,
        %get3A_176 = arith.index_cast %add3A_152 : i32 to index
        %get3A_177 = arith.constant 48 : index
        %get3A_178 = tpu.vector_load %arg13[%get3A_176, %get3A_177] {strides = array<i32>} : memref<64x128xf32, #tpu.memory_space<vmem>>, vector<16xf32>,
        %mul3A_179 = arith.mulf %get3A_178, %gather3A_154 : vector<16xf32>
        %swap3A_180 = arith.index_cast %add3A_152 : i32 to index
        %swap3A_181 = arith.constant 48 : index
        %swap3A_182 = tpu.vector_load %arg14[%swap3A_180, %swap3A_181] {strides = array<i32>} : memref<64x128xf32, #tpu.memory_space<vmem>>, vector<16xf32>,
        tpu.vector_store %arg14[%swap3A_180, %swap3A_181], %mul3A_179 {strides = array<i32>} : memref<64x128xf32, #tpu.memory_space<vmem>>, vector<16xf32>,
        %get3A_183 = arith.index_cast %add3A_152 : i32 to index
        %get3A_184 = arith.constant 64 : index
        %get3A_185 = tpu.vector_load %arg13[%get3A_183, %get3A_184] {strides = array<i32>} : memref<64x128xf32, #tpu.memory_space<vmem>>, vector<16xf32>,
        %mul3A_186 = arith.mulf %get3A_185, %gather3A_154 : vector<16xf32>
        %swap3A_187 = arith.index_cast %add3A_152 : i32 to index
        %swap3A_188 = arith.constant 64 : index
        %swap3A_189 = tpu.vector_load %arg14[%swap3A_187, %swap3A_188] {strides = array<i32>} : memref<64x128xf32, #tpu.memory_space<vmem>>, vector<16xf32>,
        tpu.vector_store %arg14[%swap3A_187, %swap3A_188], %mul3A_186 {strides = array<i32>} : memref<64x128xf32, #tpu.memory_space<vmem>>, vector<16xf32>,
        %get3A_190 = arith.index_cast %add3A_152 : i32 to index
        %get3A_191 = arith.constant 80 : index
        %get3A_192 = tpu.vector_load %arg13[%get3A_190, %get3A_191] {strides = array<i32>} : memref<64x128xf32, #tpu.memory_space<vmem>>, vector<16xf32>,
        %mul3A_193 = arith.mulf %get3A_192, %gather3A_154 : vector<16xf32>
        %swap3A_194 = arith.index_cast %add3A_152 : i32 to index
        %swap3A_195 = arith.constant 80 : index
        %swap3A_196 = tpu.vector_load %arg14[%swap3A_194, %swap3A_195] {strides = array<i32>} : memref<64x128xf32, #tpu.memory_space<vmem>>, vector<16xf32>,
        tpu.vector_store %arg14[%swap3A_194, %swap3A_195], %mul3A_193 {strides = array<i32>} : memref<64x128xf32, #tpu.memory_space<vmem>>, vector<16xf32>,
        %get3A_197 = arith.index_cast %add3A_152 : i32 to index
        %get3A_198 = arith.constant 96 : index
        %get3A_199 = tpu.vector_load %arg13[%get3A_197, %get3A_198] {strides = array<i32>} : memref<64x128xf32, #tpu.memory_space<vmem>>, vector<16xf32>,
        %mul3A_200 = arith.mulf %get3A_199, %gather3A_154 : vector<16xf32>
        %swap3A_201 = arith.index_cast %add3A_152 : i32 to index
        %swap3A_202 = arith.constant 96 : index
        %swap3A_203 = tpu.vector_load %arg14[%swap3A_201, %swap3A_202] {strides = array<i32>} : memref<64x128xf32, #tpu.memory_space<vmem>>, vector<16xf32>,
        tpu.vector_store %arg14[%swap3A_201, %swap3A_202], %mul3A_200 {strides = array<i32>} : memref<64x128xf32, #tpu.memory_space<vmem>>, vector<16xf32>,
        %get3A_204 = arith.index_cast %add3A_152 : i32 to index
        %get3A_205 = arith.constant 112 : index
        %get3A_206 = tpu.vector_load %arg13[%get3A_204, %get3A_205] {strides = array<i32>} : memref<64x128xf32, #tpu.memory_space<vmem>>, vector<16xf32>,
        %mul3A_207 = arith.mulf %get3A_206, %gather3A_154 : vector<16xf32>
        %swap3A_208 = arith.index_cast %add3A_152 : i32 to index
        %swap3A_209 = arith.constant 112 : index
        %swap3A_210 = tpu.vector_load %arg14[%swap3A_208, %swap3A_209] {strides = array<i32>} : memref<64x128xf32, #tpu.memory_space<vmem>>, vector<16xf32>,
        tpu.vector_store %arg14[%swap3A_208, %swap3A_209], %mul3A_207 {strides = array<i32>} : memref<64x128xf32, #tpu.memory_space<vmem>>, vector<16xf32>,
      }
      %scan3A_147 = arith.constant 64 : i32
      "tpu.region"() ({
        %run_scoped3A = tpu.sem_alloc : memref<!tpu.dma_semaphore, #tpu.memory_space<semaphore_mem>>
        %dma_start3A_148 = arith.constant 0 : i32
        %dma_start3A_149 = arith.constant 0 : i32
        %dma_start3A_150 = tpu.memref_slice %arg8[%dma_start3A_148, %dma_start3A_149] : memref<10000x128xf32, #tpu.memory_space<vmem_shared>> -> memref<10000x128xf32, #tpu.memory_space<vmem_shared>>
        tpu.enqueue_indirect_dma source(%arg14 : memref<64x128xf32, #tpu.memory_space<vmem>>) target(%dma_start3A_150 : memref<10000x128xf32, #tpu.memory_space<vmem_shared>>) offsets(%arg12 : memref<64xi32, #tpu.memory_space<vmem>>) semaphore(%run_scoped3A : memref<!tpu.dma_semaphore, #tpu.memory_space<semaphore_mem>>) {add = true}
        %dma_wait3A_151 = arith.constant 0 : i32
        %dma_wait3A_152 = arith.constant 0 : i32
        %dma_wait3A_153 = tpu.memref_slice %arg8[%dma_wait3A_151, %dma_wait3A_152] : memref<10000x128xf32, #tpu.memory_space<vmem_shared>> -> memref<10000x128xf32, #tpu.memory_space<vmem_shared>>
        tpu.wait_indirect_dma semaphore(%run_scoped3A : memref<!tpu.dma_semaphore, #tpu.memory_space<semaphore_mem>>) src(%arg14 : memref<64x128xf32, #tpu.memory_space<vmem>>) dst(%dma_wait3A_153 : memref<10000x128xf32, #tpu.memory_space<vmem_shared>>)
        tpu.yield
      }) : () -> ()
    }
    %while3A_39 = arith.constant 1 : i32
    scf.for %while3A_66 = %while3A_37 to %while3A_33 step %while3A_39  : i32 {
      %mul3A_67 = arith.constant 32 : i32
      %mul3A_68 = arith.muli %while3A_66, %mul3A_67 : i32
      %add3A_69 = arith.addi %mul3A_68, %add3A : i32
      %mul3A_70 = arith.constant 64 : i32
      %mul3A_71 = arith.muli %add3A_69, %mul3A_70 : i32
      "tpu.region"() ({
        %run_scoped3A = tpu.sem_alloc : memref<!tpu.dma_semaphore, #tpu.memory_space<semaphore_mem>>
        %dma_start3A_148 = tpu.memref_slice %arg3[%mul3A_71] : memref<320000xi32, #tpu.memory_space<hbm>> -> memref<64xi32, #tpu.memory_space<hbm>>
        %dma_start3A_149 = tpu.memref_slice %arg3[%mul3A_71] : memref<320000xi32, #tpu.memory_space<hbm>> -> memref<64xi32, #tpu.memory_space<hbm>>
        tpu.enqueue_dma source(%dma_start3A_149 : memref<64xi32, #tpu.memory_space<hbm>>) target(%arg11 : memref<64xi32, #tpu.memory_space<vmem>>) target_semaphore(%run_scoped3A : memref<!tpu.dma_semaphore, #tpu.memory_space<semaphore_mem>>)
        %dma_wait3A_150 = tpu.memref_slice %arg3[%mul3A_71] : memref<320000xi32, #tpu.memory_space<hbm>> -> memref<64xi32, #tpu.memory_space<hbm>>
        %dma_wait3A_151 = tpu.memref_slice %arg3[%mul3A_71] : memref<320000xi32, #tpu.memory_space<hbm>> -> memref<64xi32, #tpu.memory_space<hbm>>
        tpu.wait_dma2 semaphore(%run_scoped3A : memref<!tpu.dma_semaphore, #tpu.memory_space<semaphore_mem>>) src(%dma_wait3A_151 : memref<64xi32, #tpu.memory_space<hbm>>) dst(%arg11 : memref<64xi32, #tpu.memory_space<vmem>>)
        tpu.yield
      }) : () -> ()
      "tpu.region"() ({
        %run_scoped3A = tpu.sem_alloc : memref<!tpu.dma_semaphore, #tpu.memory_space<semaphore_mem>>
        %dma_start3A_148 = tpu.memref_slice %arg4[%mul3A_71] : memref<320000xi32, #tpu.memory_space<hbm>> -> memref<64xi32, #tpu.memory_space<hbm>>
        %dma_start3A_149 = tpu.memref_slice %arg4[%mul3A_71] : memref<320000xi32, #tpu.memory_space<hbm>> -> memref<64xi32, #tpu.memory_space<hbm>>
        tpu.enqueue_dma source(%dma_start3A_149 : memref<64xi32, #tpu.memory_space<hbm>>) target(%arg12 : memref<64xi32, #tpu.memory_space<vmem>>) target_semaphore(%run_scoped3A : memref<!tpu.dma_semaphore, #tpu.memory_space<semaphore_mem>>)
        %dma_wait3A_150 = tpu.memref_slice %arg4[%mul3A_71] : memref<320000xi32, #tpu.memory_space<hbm>> -> memref<64xi32, #tpu.memory_space<hbm>>
        %dma_wait3A_151 = tpu.memref_slice %arg4[%mul3A_71] : memref<320000xi32, #tpu.memory_space<hbm>> -> memref<64xi32, #tpu.memory_space<hbm>>
        tpu.wait_dma2 semaphore(%run_scoped3A : memref<!tpu.dma_semaphore, #tpu.memory_space<semaphore_mem>>) src(%dma_wait3A_151 : memref<64xi32, #tpu.memory_space<hbm>>) dst(%arg12 : memref<64xi32, #tpu.memory_space<vmem>>)
        tpu.yield
      }) : () -> ()
      %dma_start3A = arith.constant 0 : i32
      %dma_start3A_72 = arith.constant 0 : i32
      %dma_start3A_73 = tpu.memref_slice %arg2[%dma_start3A, %dma_start3A_72] : memref<10000x128xf32, #tpu.memory_space<hbm>> -> memref<10000x128xf32, #tpu.memory_space<hbm>>
      tpu.enqueue_indirect_dma source(%dma_start3A_73 : memref<10000x128xf32, #tpu.memory_space<hbm>>) target(%arg13 : memref<64x128xf32, #tpu.memory_space<vmem>>) offsets(%arg11 : memref<64xi32, #tpu.memory_space<vmem>>) semaphore(%arg16 : memref<!tpu.dma_semaphore, #tpu.memory_space<semaphore_mem>>)
      %get3A = arith.constant 0 : index
      %get3A_74 = tpu.vector_load %arg11[%get3A] {strides = array<i32>} : memref<64xi32, #tpu.memory_space<vmem>>, vector<16xi32>,
      %get3A_75 = arith.constant 0 : index
      %get3A_76 = tpu.vector_load %arg12[%get3A_75] {strides = array<i32>} : memref<64xi32, #tpu.memory_space<vmem>>, vector<16xi32>,
      %gather3A = tpu.vector_load_idx %arg9[%get3A_76] : memref<10000xf32, #tpu.memory_space<vmem>>[vector<16xi32>], vector<16xf32>,
      %gather3A_77 = tpu.vector_load_idx %arg10[%get3A_74] : memref<10000xf32, #tpu.memory_space<vmem>>[vector<16xi32>], vector<16xf32>,
      %add3A_78 = arith.addf %gather3A, %gather3A_77 : vector<16xf32>
      %mul3A_79 = arith.constant 2.000000e-01 : f32
      %mul3A_80 = vector.broadcast %mul3A_79 : f32 to vector<16xf32>
      %mul3A_81 = arith.mulf %add3A_78, %mul3A_80 : vector<16xf32>
      %max3A = arith.maximumf %add3A_78, %mul3A_81 : vector<16xf32>
      %eq3A_82 = arith.cmpi eq, %get3A_74, %get3A_76 : vector<16xi32>
      %exp3A = math.exp %max3A : vector<16xf32>
      %jit3A_83 = arith.constant 0.000000e+00 : f32
      %broadcast_in_dim3A_84 = vector.broadcast %jit3A_83 : f32 to vector<16xf32>
      %select_n3A_85 = arith.select %eq3A_82, %broadcast_in_dim3A_84, %exp3A : vector<16xi1>, vector<16xf32>
      %swap3A = arith.constant 0 : index
      %swap3A_86 = tpu.vector_load %arg15[%swap3A] {strides = array<i32>} : memref<64xf32, #tpu.memory_space<vmem>>, vector<16xf32>,
      tpu.vector_store %arg15[%swap3A], %select_n3A_85 {strides = array<i32>} : memref<64xf32, #tpu.memory_space<vmem>>, vector<16xf32>,
      %get3A_87 = arith.constant 16 : index
      %get3A_88 = tpu.vector_load %arg11[%get3A_87] {strides = array<i32>} : memref<64xi32, #tpu.memory_space<vmem>>, vector<16xi32>,
      %get3A_89 = arith.constant 16 : index
      %get3A_90 = tpu.vector_load %arg12[%get3A_89] {strides = array<i32>} : memref<64xi32, #tpu.memory_space<vmem>>, vector<16xi32>,
      %gather3A_91 = tpu.vector_load_idx %arg9[%get3A_90] : memref<10000xf32, #tpu.memory_space<vmem>>[vector<16xi32>], vector<16xf32>,
      %gather3A_92 = tpu.vector_load_idx %arg10[%get3A_88] : memref<10000xf32, #tpu.memory_space<vmem>>[vector<16xi32>], vector<16xf32>,
      %add3A_93 = arith.addf %gather3A_91, %gather3A_92 : vector<16xf32>
      %mul3A_94 = arith.constant 2.000000e-01 : f32
      %mul3A_95 = vector.broadcast %mul3A_94 : f32 to vector<16xf32>
      %mul3A_96 = arith.mulf %add3A_93, %mul3A_95 : vector<16xf32>
      %max3A_97 = arith.maximumf %add3A_93, %mul3A_96 : vector<16xf32>
      %eq3A_98 = arith.cmpi eq, %get3A_88, %get3A_90 : vector<16xi32>
      %exp3A_99 = math.exp %max3A_97 : vector<16xf32>
      %jit3A_100 = arith.constant 0.000000e+00 : f32
      %broadcast_in_dim3A_101 = vector.broadcast %jit3A_100 : f32 to vector<16xf32>
      %select_n3A_102 = arith.select %eq3A_98, %broadcast_in_dim3A_101, %exp3A_99 : vector<16xi1>, vector<16xf32>
      %swap3A_103 = arith.constant 16 : index
      %swap3A_104 = tpu.vector_load %arg15[%swap3A_103] {strides = array<i32>} : memref<64xf32, #tpu.memory_space<vmem>>, vector<16xf32>,
      tpu.vector_store %arg15[%swap3A_103], %select_n3A_102 {strides = array<i32>} : memref<64xf32, #tpu.memory_space<vmem>>, vector<16xf32>,
      %get3A_105 = arith.constant 32 : index
      %get3A_106 = tpu.vector_load %arg11[%get3A_105] {strides = array<i32>} : memref<64xi32, #tpu.memory_space<vmem>>, vector<16xi32>,
      %get3A_107 = arith.constant 32 : index
      %get3A_108 = tpu.vector_load %arg12[%get3A_107] {strides = array<i32>} : memref<64xi32, #tpu.memory_space<vmem>>, vector<16xi32>,
      %gather3A_109 = tpu.vector_load_idx %arg9[%get3A_108] : memref<10000xf32, #tpu.memory_space<vmem>>[vector<16xi32>], vector<16xf32>,
      %gather3A_110 = tpu.vector_load_idx %arg10[%get3A_106] : memref<10000xf32, #tpu.memory_space<vmem>>[vector<16xi32>], vector<16xf32>,
      %add3A_111 = arith.addf %gather3A_109, %gather3A_110 : vector<16xf32>
      %mul3A_112 = arith.constant 2.000000e-01 : f32
      %mul3A_113 = vector.broadcast %mul3A_112 : f32 to vector<16xf32>
      %mul3A_114 = arith.mulf %add3A_111, %mul3A_113 : vector<16xf32>
      %max3A_115 = arith.maximumf %add3A_111, %mul3A_114 : vector<16xf32>
      %eq3A_116 = arith.cmpi eq, %get3A_106, %get3A_108 : vector<16xi32>
      %exp3A_117 = math.exp %max3A_115 : vector<16xf32>
      %jit3A_118 = arith.constant 0.000000e+00 : f32
      %broadcast_in_dim3A_119 = vector.broadcast %jit3A_118 : f32 to vector<16xf32>
      %select_n3A_120 = arith.select %eq3A_116, %broadcast_in_dim3A_119, %exp3A_117 : vector<16xi1>, vector<16xf32>
      %swap3A_121 = arith.constant 32 : index
      %swap3A_122 = tpu.vector_load %arg15[%swap3A_121] {strides = array<i32>} : memref<64xf32, #tpu.memory_space<vmem>>, vector<16xf32>,
      tpu.vector_store %arg15[%swap3A_121], %select_n3A_120 {strides = array<i32>} : memref<64xf32, #tpu.memory_space<vmem>>, vector<16xf32>,
      %get3A_123 = arith.constant 48 : index
      %get3A_124 = tpu.vector_load %arg11[%get3A_123] {strides = array<i32>} : memref<64xi32, #tpu.memory_space<vmem>>, vector<16xi32>,
      %get3A_125 = arith.constant 48 : index
      %get3A_126 = tpu.vector_load %arg12[%get3A_125] {strides = array<i32>} : memref<64xi32, #tpu.memory_space<vmem>>, vector<16xi32>,
      %gather3A_127 = tpu.vector_load_idx %arg9[%get3A_126] : memref<10000xf32, #tpu.memory_space<vmem>>[vector<16xi32>], vector<16xf32>,
      %gather3A_128 = tpu.vector_load_idx %arg10[%get3A_124] : memref<10000xf32, #tpu.memory_space<vmem>>[vector<16xi32>], vector<16xf32>,
      %add3A_129 = arith.addf %gather3A_127, %gather3A_128 : vector<16xf32>
      %mul3A_130 = arith.constant 2.000000e-01 : f32
      %mul3A_131 = vector.broadcast %mul3A_130 : f32 to vector<16xf32>
      %mul3A_132 = arith.mulf %add3A_129, %mul3A_131 : vector<16xf32>
      %max3A_133 = arith.maximumf %add3A_129, %mul3A_132 : vector<16xf32>
      %eq3A_134 = arith.cmpi eq, %get3A_124, %get3A_126 : vector<16xi32>
      %exp3A_135 = math.exp %max3A_133 : vector<16xf32>
      %jit3A_136 = arith.constant 0.000000e+00 : f32
      %broadcast_in_dim3A_137 = vector.broadcast %jit3A_136 : f32 to vector<16xf32>
      %select_n3A_138 = arith.select %eq3A_134, %broadcast_in_dim3A_137, %exp3A_135 : vector<16xi1>, vector<16xf32>
      %swap3A_139 = arith.constant 48 : index
      %swap3A_140 = tpu.vector_load %arg15[%swap3A_139] {strides = array<i32>} : memref<64xf32, #tpu.memory_space<vmem>>, vector<16xf32>,
      tpu.vector_store %arg15[%swap3A_139], %select_n3A_138 {strides = array<i32>} : memref<64xf32, #tpu.memory_space<vmem>>, vector<16xf32>,
      %dma_wait3A = arith.constant 0 : i32
      %dma_wait3A_141 = arith.constant 0 : i32
      %dma_wait3A_142 = tpu.memref_slice %arg2[%dma_wait3A, %dma_wait3A_141] : memref<10000x128xf32, #tpu.memory_space<hbm>> -> memref<10000x128xf32, #tpu.memory_space<hbm>>
      tpu.wait_indirect_dma semaphore(%arg16 : memref<!tpu.dma_semaphore, #tpu.memory_space<semaphore_mem>>) src(%dma_wait3A_142 : memref<10000x128xf32, #tpu.memory_space<hbm>>) dst(%arg13 : memref<64x128xf32, #tpu.memory_space<vmem>>)
      %scan3A_143 = arith.constant 0 : i32
      %scan3A_144 = arith.constant 64 : i32
      %scan3A_145 = arith.addi %scan3A_143, %scan3A_144 : i32
      %scan3A_146 = arith.constant 1 : i32
      scf.for %scan3A_148 = %scan3A_143 to %scan3A_145 step %scan3A_146  : i32 {
        %mul3A_149 = arith.constant 1 : i32
        %mul3A_150 = arith.muli %scan3A_148, %mul3A_149 : i32
        %add3A_151 = arith.constant 0 : i32
        %add3A_152 = arith.addi %add3A_151, %mul3A_150 : i32
        %broadcast_in_dim3A_153 = vector.broadcast %add3A_152 : i32 to vector<16xi32>
        %gather3A_154 = tpu.vector_load_idx %arg15[%broadcast_in_dim3A_153] : memref<64xf32, #tpu.memory_space<vmem>>[vector<16xi32>], vector<16xf32>,
        %get3A_155 = arith.index_cast %add3A_152 : i32 to index
        %get3A_156 = arith.constant 0 : index
        %get3A_157 = tpu.vector_load %arg13[%get3A_155, %get3A_156] {strides = array<i32>} : memref<64x128xf32, #tpu.memory_space<vmem>>, vector<16xf32>,
        %mul3A_158 = arith.mulf %get3A_157, %gather3A_154 : vector<16xf32>
        %swap3A_159 = arith.index_cast %add3A_152 : i32 to index
        %swap3A_160 = arith.constant 0 : index
        %swap3A_161 = tpu.vector_load %arg14[%swap3A_159, %swap3A_160] {strides = array<i32>} : memref<64x128xf32, #tpu.memory_space<vmem>>, vector<16xf32>,
        tpu.vector_store %arg14[%swap3A_159, %swap3A_160], %mul3A_158 {strides = array<i32>} : memref<64x128xf32, #tpu.memory_space<vmem>>, vector<16xf32>,
        %get3A_162 = arith.index_cast %add3A_152 : i32 to index
        %get3A_163 = arith.constant 16 : index
        %get3A_164 = tpu.vector_load %arg13[%get3A_162, %get3A_163] {strides = array<i32>} : memref<64x128xf32, #tpu.memory_space<vmem>>, vector<16xf32>,
        %mul3A_165 = arith.mulf %get3A_164, %gather3A_154 : vector<16xf32>
        %swap3A_166 = arith.index_cast %add3A_152 : i32 to index
        %swap3A_167 = arith.constant 16 : index
        %swap3A_168 = tpu.vector_load %arg14[%swap3A_166, %swap3A_167] {strides = array<i32>} : memref<64x128xf32, #tpu.memory_space<vmem>>, vector<16xf32>,
        tpu.vector_store %arg14[%swap3A_166, %swap3A_167], %mul3A_165 {strides = array<i32>} : memref<64x128xf32, #tpu.memory_space<vmem>>, vector<16xf32>,
        %get3A_169 = arith.index_cast %add3A_152 : i32 to index
        %get3A_170 = arith.constant 32 : index
        %get3A_171 = tpu.vector_load %arg13[%get3A_169, %get3A_170] {strides = array<i32>} : memref<64x128xf32, #tpu.memory_space<vmem>>, vector<16xf32>,
        %mul3A_172 = arith.mulf %get3A_171, %gather3A_154 : vector<16xf32>
        %swap3A_173 = arith.index_cast %add3A_152 : i32 to index
        %swap3A_174 = arith.constant 32 : index
        %swap3A_175 = tpu.vector_load %arg14[%swap3A_173, %swap3A_174] {strides = array<i32>} : memref<64x128xf32, #tpu.memory_space<vmem>>, vector<16xf32>,
        tpu.vector_store %arg14[%swap3A_173, %swap3A_174], %mul3A_172 {strides = array<i32>} : memref<64x128xf32, #tpu.memory_space<vmem>>, vector<16xf32>,
        %get3A_176 = arith.index_cast %add3A_152 : i32 to index
        %get3A_177 = arith.constant 48 : index
        %get3A_178 = tpu.vector_load %arg13[%get3A_176, %get3A_177] {strides = array<i32>} : memref<64x128xf32, #tpu.memory_space<vmem>>, vector<16xf32>,
        %mul3A_179 = arith.mulf %get3A_178, %gather3A_154 : vector<16xf32>
        %swap3A_180 = arith.index_cast %add3A_152 : i32 to index
        %swap3A_181 = arith.constant 48 : index
        %swap3A_182 = tpu.vector_load %arg14[%swap3A_180, %swap3A_181] {strides = array<i32>} : memref<64x128xf32, #tpu.memory_space<vmem>>, vector<16xf32>,
        tpu.vector_store %arg14[%swap3A_180, %swap3A_181], %mul3A_179 {strides = array<i32>} : memref<64x128xf32, #tpu.memory_space<vmem>>, vector<16xf32>,
        %get3A_183 = arith.index_cast %add3A_152 : i32 to index
        %get3A_184 = arith.constant 64 : index
        %get3A_185 = tpu.vector_load %arg13[%get3A_183, %get3A_184] {strides = array<i32>} : memref<64x128xf32, #tpu.memory_space<vmem>>, vector<16xf32>,
        %mul3A_186 = arith.mulf %get3A_185, %gather3A_154 : vector<16xf32>
        %swap3A_187 = arith.index_cast %add3A_152 : i32 to index
        %swap3A_188 = arith.constant 64 : index
        %swap3A_189 = tpu.vector_load %arg14[%swap3A_187, %swap3A_188] {strides = array<i32>} : memref<64x128xf32, #tpu.memory_space<vmem>>, vector<16xf32>,
        tpu.vector_store %arg14[%swap3A_187, %swap3A_188], %mul3A_186 {strides = array<i32>} : memref<64x128xf32, #tpu.memory_space<vmem>>, vector<16xf32>,
        %get3A_190 = arith.index_cast %add3A_152 : i32 to index
        %get3A_191 = arith.constant 80 : index
        %get3A_192 = tpu.vector_load %arg13[%get3A_190, %get3A_191] {strides = array<i32>} : memref<64x128xf32, #tpu.memory_space<vmem>>, vector<16xf32>,
        %mul3A_193 = arith.mulf %get3A_192, %gather3A_154 : vector<16xf32>
        %swap3A_194 = arith.index_cast %add3A_152 : i32 to index
        %swap3A_195 = arith.constant 80 : index
        %swap3A_196 = tpu.vector_load %arg14[%swap3A_194, %swap3A_195] {strides = array<i32>} : memref<64x128xf32, #tpu.memory_space<vmem>>, vector<16xf32>,
        tpu.vector_store %arg14[%swap3A_194, %swap3A_195], %mul3A_193 {strides = array<i32>} : memref<64x128xf32, #tpu.memory_space<vmem>>, vector<16xf32>,
        %get3A_197 = arith.index_cast %add3A_152 : i32 to index
        %get3A_198 = arith.constant 96 : index
        %get3A_199 = tpu.vector_load %arg13[%get3A_197, %get3A_198] {strides = array<i32>} : memref<64x128xf32, #tpu.memory_space<vmem>>, vector<16xf32>,
        %mul3A_200 = arith.mulf %get3A_199, %gather3A_154 : vector<16xf32>
        %swap3A_201 = arith.index_cast %add3A_152 : i32 to index
        %swap3A_202 = arith.constant 96 : index
        %swap3A_203 = tpu.vector_load %arg14[%swap3A_201, %swap3A_202] {strides = array<i32>} : memref<64x128xf32, #tpu.memory_space<vmem>>, vector<16xf32>,
        tpu.vector_store %arg14[%swap3A_201, %swap3A_202], %mul3A_200 {strides = array<i32>} : memref<64x128xf32, #tpu.memory_space<vmem>>, vector<16xf32>,
        %get3A_204 = arith.index_cast %add3A_152 : i32 to index
        %get3A_205 = arith.constant 112 : index
        %get3A_206 = tpu.vector_load %arg13[%get3A_204, %get3A_205] {strides = array<i32>} : memref<64x128xf32, #tpu.memory_space<vmem>>, vector<16xf32>,
        %mul3A_207 = arith.mulf %get3A_206, %gather3A_154 : vector<16xf32>
        %swap3A_208 = arith.index_cast %add3A_152 : i32 to index
        %swap3A_209 = arith.constant 112 : index
        %swap3A_210 = tpu.vector_load %arg14[%swap3A_208, %swap3A_209] {strides = array<i32>} : memref<64x128xf32, #tpu.memory_space<vmem>>, vector<16xf32>,
        tpu.vector_store %arg14[%swap3A_208, %swap3A_209], %mul3A_207 {strides = array<i32>} : memref<64x128xf32, #tpu.memory_space<vmem>>, vector<16xf32>,
      }
      %scan3A_147 = arith.constant 64 : i32
      "tpu.region"() ({
        %run_scoped3A = tpu.sem_alloc : memref<!tpu.dma_semaphore, #tpu.memory_space<semaphore_mem>>
        %dma_start3A_148 = arith.constant 0 : i32
        %dma_start3A_149 = arith.constant 0 : i32
        %dma_start3A_150 = tpu.memref_slice %arg8[%dma_start3A_148, %dma_start3A_149] : memref<10000x128xf32, #tpu.memory_space<vmem_shared>> -> memref<10000x128xf32, #tpu.memory_space<vmem_shared>>
        tpu.enqueue_indirect_dma source(%arg14 : memref<64x128xf32, #tpu.memory_space<vmem>>) target(%dma_start3A_150 : memref<10000x128xf32, #tpu.memory_space<vmem_shared>>) offsets(%arg12 : memref<64xi32, #tpu.memory_space<vmem>>) semaphore(%run_scoped3A : memref<!tpu.dma_semaphore, #tpu.memory_space<semaphore_mem>>) {add = true}
        %dma_wait3A_151 = arith.constant 0 : i32
        %dma_wait3A_152 = arith.constant 0 : i32
        %dma_wait3A_153 = tpu.memref_slice %arg8[%dma_wait3A_151, %dma_wait3A_152] : memref<10000x128xf32, #tpu.memory_space<vmem_shared>> -> memref<10000x128xf32, #tpu.memory_space<vmem_shared>>
        tpu.wait_indirect_dma semaphore(%run_scoped3A : memref<!tpu.dma_semaphore, #tpu.memory_space<semaphore_mem>>) src(%arg14 : memref<64x128xf32, #tpu.memory_space<vmem>>) dst(%dma_wait3A_153 : memref<10000x128xf32, #tpu.memory_space<vmem_shared>>)
        tpu.yield
      }) : () -> ()
    }
    %barrier3A_40 = arith.constant 0 : index
    tpu.barrier barrier_id(%barrier3A_40)
    %add3A_41 = arith.constant 0 : i32
    %add3A_42 = arith.addi %mul3A_7, %add3A_41 : i32
    "tpu.region"() ({
      %run_scoped3A = tpu.sem_alloc : memref<!tpu.dma_semaphore, #tpu.memory_space<semaphore_mem>>
      %dma_start3A = arith.constant 0 : i32
      %dma_start3A_66 = arith.constant 0 : i32
      %dma_start3A_67 = tpu.memref_slice %arg14[%dma_start3A, %dma_start3A_66] : memref<64x128xf32, #tpu.memory_space<vmem>> -> memref<64x128xf32, #tpu.memory_space<vmem>>
      %dma_start3A_68 = arith.constant 0 : i32
      %dma_start3A_69 = tpu.memref_slice %arg8[%add3A_42, %dma_start3A_68] : memref<10000x128xf32, #tpu.memory_space<vmem_shared>> -> memref<64x128xf32, #tpu.memory_space<vmem_shared>>
      %dma_start3A_70 = arith.constant 0 : i32
      %dma_start3A_71 = arith.constant 0 : i32
      %dma_start3A_72 = tpu.memref_slice %arg14[%dma_start3A_70, %dma_start3A_71] : memref<64x128xf32, #tpu.memory_space<vmem>> -> memref<64x128xf32, #tpu.memory_space<vmem>>
      %dma_start3A_73 = arith.constant 0 : i32
      %dma_start3A_74 = tpu.memref_slice %arg8[%add3A_42, %dma_start3A_73] : memref<10000x128xf32, #tpu.memory_space<vmem_shared>> -> memref<64x128xf32, #tpu.memory_space<vmem_shared>>
      tpu.enqueue_dma source(%dma_start3A_74 : memref<64x128xf32, #tpu.memory_space<vmem_shared>>) target(%dma_start3A_72 : memref<64x128xf32, #tpu.memory_space<vmem>>) target_semaphore(%run_scoped3A : memref<!tpu.dma_semaphore, #tpu.memory_space<semaphore_mem>>)
      %dma_wait3A = arith.constant 0 : i32
      %dma_wait3A_75 = arith.constant 0 : i32
      %dma_wait3A_76 = tpu.memref_slice %arg14[%dma_wait3A, %dma_wait3A_75] : memref<64x128xf32, #tpu.memory_space<vmem>> -> memref<64x128xf32, #tpu.memory_space<vmem>>
      %dma_wait3A_77 = arith.constant 0 : i32
      %dma_wait3A_78 = tpu.memref_slice %arg8[%add3A_42, %dma_wait3A_77] : memref<10000x128xf32, #tpu.memory_space<vmem_shared>> -> memref<64x128xf32, #tpu.memory_space<vmem_shared>>
      %dma_wait3A_79 = arith.constant 0 : i32
      %dma_wait3A_80 = arith.constant 0 : i32
      %dma_wait3A_81 = tpu.memref_slice %arg14[%dma_wait3A_79, %dma_wait3A_80] : memref<64x128xf32, #tpu.memory_space<vmem>> -> memref<64x128xf32, #tpu.memory_space<vmem>>
      %dma_wait3A_82 = arith.constant 0 : i32
      %dma_wait3A_83 = tpu.memref_slice %arg8[%add3A_42, %dma_wait3A_82] : memref<10000x128xf32, #tpu.memory_space<vmem_shared>> -> memref<64x128xf32, #tpu.memory_space<vmem_shared>>
      tpu.wait_dma2 semaphore(%run_scoped3A : memref<!tpu.dma_semaphore, #tpu.memory_space<semaphore_mem>>) src(%dma_wait3A_83 : memref<64x128xf32, #tpu.memory_space<vmem_shared>>) dst(%dma_wait3A_81 : memref<64x128xf32, #tpu.memory_space<vmem>>)
      tpu.yield
    }) : () -> ()
    "tpu.region"() ({
      %run_scoped3A = tpu.sem_alloc : memref<!tpu.dma_semaphore, #tpu.memory_space<semaphore_mem>>
      %dma_start3A = arith.constant 0 : i32
      %dma_start3A_66 = arith.constant 0 : i32
      %dma_start3A_67 = tpu.memref_slice %arg14[%dma_start3A, %dma_start3A_66] : memref<64x128xf32, #tpu.memory_space<vmem>> -> memref<64x128xf32, #tpu.memory_space<vmem>>
      %dma_start3A_68 = arith.constant 0 : i32
      %dma_start3A_69 = tpu.memref_slice %arg7[%arg0, %add3A_42, %dma_start3A_68] : memref<2x10000x128xf32, #tpu.memory_space<hbm>> -> memref<1x64x128xf32, #tpu.memory_space<hbm>>
      %dma_start3A_70 = tpu.memref_squeeze %dma_start3A_69 : memref<1x64x128xf32, #tpu.memory_space<hbm>> -> memref<64x128xf32, #tpu.memory_space<hbm>>
      %dma_start3A_71 = arith.constant 0 : i32
      %dma_start3A_72 = tpu.memref_slice %arg7[%arg0, %add3A_42, %dma_start3A_71] : memref<2x10000x128xf32, #tpu.memory_space<hbm>> -> memref<1x64x128xf32, #tpu.memory_space<hbm>>
      %dma_start3A_73 = tpu.memref_squeeze %dma_start3A_72 : memref<1x64x128xf32, #tpu.memory_space<hbm>> -> memref<64x128xf32, #tpu.memory_space<hbm>>
      %dma_start3A_74 = arith.constant 0 : i32
      %dma_start3A_75 = arith.constant 0 : i32
      %dma_start3A_76 = tpu.memref_slice %arg14[%dma_start3A_74, %dma_start3A_75] : memref<64x128xf32, #tpu.memory_space<vmem>> -> memref<64x128xf32, #tpu.memory_space<vmem>>
      tpu.enqueue_dma source(%dma_start3A_76 : memref<64x128xf32, #tpu.memory_space<vmem>>) target(%dma_start3A_73 : memref<64x128xf32, #tpu.memory_space<hbm>>) target_semaphore(%run_scoped3A : memref<!tpu.dma_semaphore, #tpu.memory_space<semaphore_mem>>)
      %dma_wait3A = arith.constant 0 : i32
      %dma_wait3A_77 = arith.constant 0 : i32
      %dma_wait3A_78 = tpu.memref_slice %arg14[%dma_wait3A, %dma_wait3A_77] : memref<64x128xf32, #tpu.memory_space<vmem>> -> memref<64x128xf32, #tpu.memory_space<vmem>>
      %dma_wait3A_79 = arith.constant 0 : i32
      %dma_wait3A_80 = tpu.memref_slice %arg7[%arg0, %add3A_42, %dma_wait3A_79] : memref<2x10000x128xf32, #tpu.memory_space<hbm>> -> memref<1x64x128xf32, #tpu.memory_space<hbm>>
      %dma_wait3A_81 = tpu.memref_squeeze %dma_wait3A_80 : memref<1x64x128xf32, #tpu.memory_space<hbm>> -> memref<64x128xf32, #tpu.memory_space<hbm>>
      %dma_wait3A_82 = arith.constant 0 : i32
      %dma_wait3A_83 = tpu.memref_slice %arg7[%arg0, %add3A_42, %dma_wait3A_82] : memref<2x10000x128xf32, #tpu.memory_space<hbm>> -> memref<1x64x128xf32, #tpu.memory_space<hbm>>
      %dma_wait3A_84 = tpu.memref_squeeze %dma_wait3A_83 : memref<1x64x128xf32, #tpu.memory_space<hbm>> -> memref<64x128xf32, #tpu.memory_space<hbm>>
      %dma_wait3A_85 = arith.constant 0 : i32
      %dma_wait3A_86 = arith.constant 0 : i32
      %dma_wait3A_87 = tpu.memref_slice %arg14[%dma_wait3A_85, %dma_wait3A_86] : memref<64x128xf32, #tpu.memory_space<vmem>> -> memref<64x128xf32, #tpu.memory_space<vmem>>
      tpu.wait_dma2 semaphore(%run_scoped3A : memref<!tpu.dma_semaphore, #tpu.memory_space<semaphore_mem>>) src(%dma_wait3A_87 : memref<64x128xf32, #tpu.memory_space<vmem>>) dst(%dma_wait3A_84 : memref<64x128xf32, #tpu.memory_space<hbm>>)
      tpu.yield
    }) : () -> ()
    %add3A_43 = arith.constant 64 : i32
    %add3A_44 = arith.addi %mul3A_7, %add3A_43 : i32
    "tpu.region"() ({
      %run_scoped3A = tpu.sem_alloc : memref<!tpu.dma_semaphore, #tpu.memory_space<semaphore_mem>>
      %dma_start3A = arith.constant 0 : i32
      %dma_start3A_66 = arith.constant 0 : i32
      %dma_start3A_67 = tpu.memref_slice %arg14[%dma_start3A, %dma_start3A_66] : memref<64x128xf32, #tpu.memory_space<vmem>> -> memref<64x128xf32, #tpu.memory_space<vmem>>
      %dma_start3A_68 = arith.constant 0 : i32
      %dma_start3A_69 = tpu.memref_slice %arg8[%add3A_44, %dma_start3A_68] : memref<10000x128xf32, #tpu.memory_space<vmem_shared>> -> memref<64x128xf32, #tpu.memory_space<vmem_shared>>
      %dma_start3A_70 = arith.constant 0 : i32
      %dma_start3A_71 = arith.constant 0 : i32
      %dma_start3A_72 = tpu.memref_slice %arg14[%dma_start3A_70, %dma_start3A_71] : memref<64x128xf32, #tpu.memory_space<vmem>> -> memref<64x128xf32, #tpu.memory_space<vmem>>
      %dma_start3A_73 = arith.constant 0 : i32
      %dma_start3A_74 = tpu.memref_slice %arg8[%add3A_44, %dma_start3A_73] : memref<10000x128xf32, #tpu.memory_space<vmem_shared>> -> memref<64x128xf32, #tpu.memory_space<vmem_shared>>
      tpu.enqueue_dma source(%dma_start3A_74 : memref<64x128xf32, #tpu.memory_space<vmem_shared>>) target(%dma_start3A_72 : memref<64x128xf32, #tpu.memory_space<vmem>>) target_semaphore(%run_scoped3A : memref<!tpu.dma_semaphore, #tpu.memory_space<semaphore_mem>>)
      %dma_wait3A = arith.constant 0 : i32
      %dma_wait3A_75 = arith.constant 0 : i32
      %dma_wait3A_76 = tpu.memref_slice %arg14[%dma_wait3A, %dma_wait3A_75] : memref<64x128xf32, #tpu.memory_space<vmem>> -> memref<64x128xf32, #tpu.memory_space<vmem>>
      %dma_wait3A_77 = arith.constant 0 : i32
      %dma_wait3A_78 = tpu.memref_slice %arg8[%add3A_44, %dma_wait3A_77] : memref<10000x128xf32, #tpu.memory_space<vmem_shared>> -> memref<64x128xf32, #tpu.memory_space<vmem_shared>>
      %dma_wait3A_79 = arith.constant 0 : i32
      %dma_wait3A_80 = arith.constant 0 : i32
      %dma_wait3A_81 = tpu.memref_slice %arg14[%dma_wait3A_79, %dma_wait3A_80] : memref<64x128xf32, #tpu.memory_space<vmem>> -> memref<64x128xf32, #tpu.memory_space<vmem>>
      %dma_wait3A_82 = arith.constant 0 : i32
      %dma_wait3A_83 = tpu.memref_slice %arg8[%add3A_44, %dma_wait3A_82] : memref<10000x128xf32, #tpu.memory_space<vmem_shared>> -> memref<64x128xf32, #tpu.memory_space<vmem_shared>>
      tpu.wait_dma2 semaphore(%run_scoped3A : memref<!tpu.dma_semaphore, #tpu.memory_space<semaphore_mem>>) src(%dma_wait3A_83 : memref<64x128xf32, #tpu.memory_space<vmem_shared>>) dst(%dma_wait3A_81 : memref<64x128xf32, #tpu.memory_space<vmem>>)
      tpu.yield
    }) : () -> ()
    "tpu.region"() ({
      %run_scoped3A = tpu.sem_alloc : memref<!tpu.dma_semaphore, #tpu.memory_space<semaphore_mem>>
      %dma_start3A = arith.constant 0 : i32
      %dma_start3A_66 = arith.constant 0 : i32
      %dma_start3A_67 = tpu.memref_slice %arg14[%dma_start3A, %dma_start3A_66] : memref<64x128xf32, #tpu.memory_space<vmem>> -> memref<64x128xf32, #tpu.memory_space<vmem>>
      %dma_start3A_68 = arith.constant 0 : i32
      %dma_start3A_69 = tpu.memref_slice %arg7[%arg0, %add3A_44, %dma_start3A_68] : memref<2x10000x128xf32, #tpu.memory_space<hbm>> -> memref<1x64x128xf32, #tpu.memory_space<hbm>>
      %dma_start3A_70 = tpu.memref_squeeze %dma_start3A_69 : memref<1x64x128xf32, #tpu.memory_space<hbm>> -> memref<64x128xf32, #tpu.memory_space<hbm>>
      %dma_start3A_71 = arith.constant 0 : i32
      %dma_start3A_72 = tpu.memref_slice %arg7[%arg0, %add3A_44, %dma_start3A_71] : memref<2x10000x128xf32, #tpu.memory_space<hbm>> -> memref<1x64x128xf32, #tpu.memory_space<hbm>>
      %dma_start3A_73 = tpu.memref_squeeze %dma_start3A_72 : memref<1x64x128xf32, #tpu.memory_space<hbm>> -> memref<64x128xf32, #tpu.memory_space<hbm>>
      %dma_start3A_74 = arith.constant 0 : i32
      %dma_start3A_75 = arith.constant 0 : i32
      %dma_start3A_76 = tpu.memref_slice %arg14[%dma_start3A_74, %dma_start3A_75] : memref<64x128xf32, #tpu.memory_space<vmem>> -> memref<64x128xf32, #tpu.memory_space<vmem>>
      tpu.enqueue_dma source(%dma_start3A_76 : memref<64x128xf32, #tpu.memory_space<vmem>>) target(%dma_start3A_73 : memref<64x128xf32, #tpu.memory_space<hbm>>) target_semaphore(%run_scoped3A : memref<!tpu.dma_semaphore, #tpu.memory_space<semaphore_mem>>)
      %dma_wait3A = arith.constant 0 : i32
      %dma_wait3A_77 = arith.constant 0 : i32
      %dma_wait3A_78 = tpu.memref_slice %arg14[%dma_wait3A, %dma_wait3A_77] : memref<64x128xf32, #tpu.memory_space<vmem>> -> memref<64x128xf32, #tpu.memory_space<vmem>>
      %dma_wait3A_79 = arith.constant 0 : i32
      %dma_wait3A_80 = tpu.memref_slice %arg7[%arg0, %add3A_44, %dma_wait3A_79] : memref<2x10000x128xf32, #tpu.memory_space<hbm>> -> memref<1x64x128xf32, #tpu.memory_space<hbm>>
      %dma_wait3A_81 = tpu.memref_squeeze %dma_wait3A_80 : memref<1x64x128xf32, #tpu.memory_space<hbm>> -> memref<64x128xf32, #tpu.memory_space<hbm>>
      %dma_wait3A_82 = arith.constant 0 : i32
      %dma_wait3A_83 = tpu.memref_slice %arg7[%arg0, %add3A_44, %dma_wait3A_82] : memref<2x10000x128xf32, #tpu.memory_space<hbm>> -> memref<1x64x128xf32, #tpu.memory_space<hbm>>
      %dma_wait3A_84 = tpu.memref_squeeze %dma_wait3A_83 : memref<1x64x128xf32, #tpu.memory_space<hbm>> -> memref<64x128xf32, #tpu.memory_space<hbm>>
      %dma_wait3A_85 = arith.constant 0 : i32
      %dma_wait3A_86 = arith.constant 0 : i32
      %dma_wait3A_87 = tpu.memref_slice %arg14[%dma_wait3A_85, %dma_wait3A_86] : memref<64x128xf32, #tpu.memory_space<vmem>> -> memref<64x128xf32, #tpu.memory_space<vmem>>
      tpu.wait_dma2 semaphore(%run_scoped3A : memref<!tpu.dma_semaphore, #tpu.memory_space<semaphore_mem>>) src(%dma_wait3A_87 : memref<64x128xf32, #tpu.memory_space<vmem>>) dst(%dma_wait3A_84 : memref<64x128xf32, #tpu.memory_space<hbm>>)
      tpu.yield
    }) : () -> ()
    %add3A_45 = arith.constant 128 : i32
    %add3A_46 = arith.addi %mul3A_7, %add3A_45 : i32
    "tpu.region"() ({
      %run_scoped3A = tpu.sem_alloc : memref<!tpu.dma_semaphore, #tpu.memory_space<semaphore_mem>>
      %dma_start3A = arith.constant 0 : i32
      %dma_start3A_66 = arith.constant 0 : i32
      %dma_start3A_67 = tpu.memref_slice %arg14[%dma_start3A, %dma_start3A_66] : memref<64x128xf32, #tpu.memory_space<vmem>> -> memref<64x128xf32, #tpu.memory_space<vmem>>
      %dma_start3A_68 = arith.constant 0 : i32
      %dma_start3A_69 = tpu.memref_slice %arg8[%add3A_46, %dma_start3A_68] : memref<10000x128xf32, #tpu.memory_space<vmem_shared>> -> memref<64x128xf32, #tpu.memory_space<vmem_shared>>
      %dma_start3A_70 = arith.constant 0 : i32
      %dma_start3A_71 = arith.constant 0 : i32
      %dma_start3A_72 = tpu.memref_slice %arg14[%dma_start3A_70, %dma_start3A_71] : memref<64x128xf32, #tpu.memory_space<vmem>> -> memref<64x128xf32, #tpu.memory_space<vmem>>
      %dma_start3A_73 = arith.constant 0 : i32
      %dma_start3A_74 = tpu.memref_slice %arg8[%add3A_46, %dma_start3A_73] : memref<10000x128xf32, #tpu.memory_space<vmem_shared>> -> memref<64x128xf32, #tpu.memory_space<vmem_shared>>
      tpu.enqueue_dma source(%dma_start3A_74 : memref<64x128xf32, #tpu.memory_space<vmem_shared>>) target(%dma_start3A_72 : memref<64x128xf32, #tpu.memory_space<vmem>>) target_semaphore(%run_scoped3A : memref<!tpu.dma_semaphore, #tpu.memory_space<semaphore_mem>>)
      %dma_wait3A = arith.constant 0 : i32
      %dma_wait3A_75 = arith.constant 0 : i32
      %dma_wait3A_76 = tpu.memref_slice %arg14[%dma_wait3A, %dma_wait3A_75] : memref<64x128xf32, #tpu.memory_space<vmem>> -> memref<64x128xf32, #tpu.memory_space<vmem>>
      %dma_wait3A_77 = arith.constant 0 : i32
      %dma_wait3A_78 = tpu.memref_slice %arg8[%add3A_46, %dma_wait3A_77] : memref<10000x128xf32, #tpu.memory_space<vmem_shared>> -> memref<64x128xf32, #tpu.memory_space<vmem_shared>>
      %dma_wait3A_79 = arith.constant 0 : i32
      %dma_wait3A_80 = arith.constant 0 : i32
      %dma_wait3A_81 = tpu.memref_slice %arg14[%dma_wait3A_79, %dma_wait3A_80] : memref<64x128xf32, #tpu.memory_space<vmem>> -> memref<64x128xf32, #tpu.memory_space<vmem>>
      %dma_wait3A_82 = arith.constant 0 : i32
      %dma_wait3A_83 = tpu.memref_slice %arg8[%add3A_46, %dma_wait3A_82] : memref<10000x128xf32, #tpu.memory_space<vmem_shared>> -> memref<64x128xf32, #tpu.memory_space<vmem_shared>>
      tpu.wait_dma2 semaphore(%run_scoped3A : memref<!tpu.dma_semaphore, #tpu.memory_space<semaphore_mem>>) src(%dma_wait3A_83 : memref<64x128xf32, #tpu.memory_space<vmem_shared>>) dst(%dma_wait3A_81 : memref<64x128xf32, #tpu.memory_space<vmem>>)
      tpu.yield
    }) : () -> ()
    "tpu.region"() ({
      %run_scoped3A = tpu.sem_alloc : memref<!tpu.dma_semaphore, #tpu.memory_space<semaphore_mem>>
      %dma_start3A = arith.constant 0 : i32
      %dma_start3A_66 = arith.constant 0 : i32
      %dma_start3A_67 = tpu.memref_slice %arg14[%dma_start3A, %dma_start3A_66] : memref<64x128xf32, #tpu.memory_space<vmem>> -> memref<64x128xf32, #tpu.memory_space<vmem>>
      %dma_start3A_68 = arith.constant 0 : i32
      %dma_start3A_69 = tpu.memref_slice %arg7[%arg0, %add3A_46, %dma_start3A_68] : memref<2x10000x128xf32, #tpu.memory_space<hbm>> -> memref<1x64x128xf32, #tpu.memory_space<hbm>>
      %dma_start3A_70 = tpu.memref_squeeze %dma_start3A_69 : memref<1x64x128xf32, #tpu.memory_space<hbm>> -> memref<64x128xf32, #tpu.memory_space<hbm>>
      %dma_start3A_71 = arith.constant 0 : i32
      %dma_start3A_72 = tpu.memref_slice %arg7[%arg0, %add3A_46, %dma_start3A_71] : memref<2x10000x128xf32, #tpu.memory_space<hbm>> -> memref<1x64x128xf32, #tpu.memory_space<hbm>>
      %dma_start3A_73 = tpu.memref_squeeze %dma_start3A_72 : memref<1x64x128xf32, #tpu.memory_space<hbm>> -> memref<64x128xf32, #tpu.memory_space<hbm>>
      %dma_start3A_74 = arith.constant 0 : i32
      %dma_start3A_75 = arith.constant 0 : i32
      %dma_start3A_76 = tpu.memref_slice %arg14[%dma_start3A_74, %dma_start3A_75] : memref<64x128xf32, #tpu.memory_space<vmem>> -> memref<64x128xf32, #tpu.memory_space<vmem>>
      tpu.enqueue_dma source(%dma_start3A_76 : memref<64x128xf32, #tpu.memory_space<vmem>>) target(%dma_start3A_73 : memref<64x128xf32, #tpu.memory_space<hbm>>) target_semaphore(%run_scoped3A : memref<!tpu.dma_semaphore, #tpu.memory_space<semaphore_mem>>)
      %dma_wait3A = arith.constant 0 : i32
      %dma_wait3A_77 = arith.constant 0 : i32
      %dma_wait3A_78 = tpu.memref_slice %arg14[%dma_wait3A, %dma_wait3A_77] : memref<64x128xf32, #tpu.memory_space<vmem>> -> memref<64x128xf32, #tpu.memory_space<vmem>>
      %dma_wait3A_79 = arith.constant 0 : i32
      %dma_wait3A_80 = tpu.memref_slice %arg7[%arg0, %add3A_46, %dma_wait3A_79] : memref<2x10000x128xf32, #tpu.memory_space<hbm>> -> memref<1x64x128xf32, #tpu.memory_space<hbm>>
      %dma_wait3A_81 = tpu.memref_squeeze %dma_wait3A_80 : memref<1x64x128xf32, #tpu.memory_space<hbm>> -> memref<64x128xf32, #tpu.memory_space<hbm>>
      %dma_wait3A_82 = arith.constant 0 : i32
      %dma_wait3A_83 = tpu.memref_slice %arg7[%arg0, %add3A_46, %dma_wait3A_82] : memref<2x10000x128xf32, #tpu.memory_space<hbm>> -> memref<1x64x128xf32, #tpu.memory_space<hbm>>
      %dma_wait3A_84 = tpu.memref_squeeze %dma_wait3A_83 : memref<1x64x128xf32, #tpu.memory_space<hbm>> -> memref<64x128xf32, #tpu.memory_space<hbm>>
      %dma_wait3A_85 = arith.constant 0 : i32
      %dma_wait3A_86 = arith.constant 0 : i32
      %dma_wait3A_87 = tpu.memref_slice %arg14[%dma_wait3A_85, %dma_wait3A_86] : memref<64x128xf32, #tpu.memory_space<vmem>> -> memref<64x128xf32, #tpu.memory_space<vmem>>
      tpu.wait_dma2 semaphore(%run_scoped3A : memref<!tpu.dma_semaphore, #tpu.memory_space<semaphore_mem>>) src(%dma_wait3A_87 : memref<64x128xf32, #tpu.memory_space<vmem>>) dst(%dma_wait3A_84 : memref<64x128xf32, #tpu.memory_space<hbm>>)
      tpu.yield
    }) : () -> ()
    %add3A_47 = arith.constant 192 : i32
    %add3A_48 = arith.addi %mul3A_7, %add3A_47 : i32
    "tpu.region"() ({
      %run_scoped3A = tpu.sem_alloc : memref<!tpu.dma_semaphore, #tpu.memory_space<semaphore_mem>>
      %dma_start3A = arith.constant 0 : i32
      %dma_start3A_66 = arith.constant 0 : i32
      %dma_start3A_67 = tpu.memref_slice %arg14[%dma_start3A, %dma_start3A_66] : memref<64x128xf32, #tpu.memory_space<vmem>> -> memref<64x128xf32, #tpu.memory_space<vmem>>
      %dma_start3A_68 = arith.constant 0 : i32
      %dma_start3A_69 = tpu.memref_slice %arg8[%add3A_48, %dma_start3A_68] : memref<10000x128xf32, #tpu.memory_space<vmem_shared>> -> memref<64x128xf32, #tpu.memory_space<vmem_shared>>
      %dma_start3A_70 = arith.constant 0 : i32
      %dma_start3A_71 = arith.constant 0 : i32
      %dma_start3A_72 = tpu.memref_slice %arg14[%dma_start3A_70, %dma_start3A_71] : memref<64x128xf32, #tpu.memory_space<vmem>> -> memref<64x128xf32, #tpu.memory_space<vmem>>
      %dma_start3A_73 = arith.constant 0 : i32
      %dma_start3A_74 = tpu.memref_slice %arg8[%add3A_48, %dma_start3A_73] : memref<10000x128xf32, #tpu.memory_space<vmem_shared>> -> memref<64x128xf32, #tpu.memory_space<vmem_shared>>
      tpu.enqueue_dma source(%dma_start3A_74 : memref<64x128xf32, #tpu.memory_space<vmem_shared>>) target(%dma_start3A_72 : memref<64x128xf32, #tpu.memory_space<vmem>>) target_semaphore(%run_scoped3A : memref<!tpu.dma_semaphore, #tpu.memory_space<semaphore_mem>>)
      %dma_wait3A = arith.constant 0 : i32
      %dma_wait3A_75 = arith.constant 0 : i32
      %dma_wait3A_76 = tpu.memref_slice %arg14[%dma_wait3A, %dma_wait3A_75] : memref<64x128xf32, #tpu.memory_space<vmem>> -> memref<64x128xf32, #tpu.memory_space<vmem>>
      %dma_wait3A_77 = arith.constant 0 : i32
      %dma_wait3A_78 = tpu.memref_slice %arg8[%add3A_48, %dma_wait3A_77] : memref<10000x128xf32, #tpu.memory_space<vmem_shared>> -> memref<64x128xf32, #tpu.memory_space<vmem_shared>>
      %dma_wait3A_79 = arith.constant 0 : i32
      %dma_wait3A_80 = arith.constant 0 : i32
      %dma_wait3A_81 = tpu.memref_slice %arg14[%dma_wait3A_79, %dma_wait3A_80] : memref<64x128xf32, #tpu.memory_space<vmem>> -> memref<64x128xf32, #tpu.memory_space<vmem>>
      %dma_wait3A_82 = arith.constant 0 : i32
      %dma_wait3A_83 = tpu.memref_slice %arg8[%add3A_48, %dma_wait3A_82] : memref<10000x128xf32, #tpu.memory_space<vmem_shared>> -> memref<64x128xf32, #tpu.memory_space<vmem_shared>>
      tpu.wait_dma2 semaphore(%run_scoped3A : memref<!tpu.dma_semaphore, #tpu.memory_space<semaphore_mem>>) src(%dma_wait3A_83 : memref<64x128xf32, #tpu.memory_space<vmem_shared>>) dst(%dma_wait3A_81 : memref<64x128xf32, #tpu.memory_space<vmem>>)
      tpu.yield
    }) : () -> ()
    "tpu.region"() ({
      %run_scoped3A = tpu.sem_alloc : memref<!tpu.dma_semaphore, #tpu.memory_space<semaphore_mem>>
      %dma_start3A = arith.constant 0 : i32
      %dma_start3A_66 = arith.constant 0 : i32
      %dma_start3A_67 = tpu.memref_slice %arg14[%dma_start3A, %dma_start3A_66] : memref<64x128xf32, #tpu.memory_space<vmem>> -> memref<64x128xf32, #tpu.memory_space<vmem>>
      %dma_start3A_68 = arith.constant 0 : i32
      %dma_start3A_69 = tpu.memref_slice %arg7[%arg0, %add3A_48, %dma_start3A_68] : memref<2x10000x128xf32, #tpu.memory_space<hbm>> -> memref<1x64x128xf32, #tpu.memory_space<hbm>>
      %dma_start3A_70 = tpu.memref_squeeze %dma_start3A_69 : memref<1x64x128xf32, #tpu.memory_space<hbm>> -> memref<64x128xf32, #tpu.memory_space<hbm>>
      %dma_start3A_71 = arith.constant 0 : i32
      %dma_start3A_72 = tpu.memref_slice %arg7[%arg0, %add3A_48, %dma_start3A_71] : memref<2x10000x128xf32, #tpu.memory_space<hbm>> -> memref<1x64x128xf32, #tpu.memory_space<hbm>>
      %dma_start3A_73 = tpu.memref_squeeze %dma_start3A_72 : memref<1x64x128xf32, #tpu.memory_space<hbm>> -> memref<64x128xf32, #tpu.memory_space<hbm>>
      %dma_start3A_74 = arith.constant 0 : i32
      %dma_start3A_75 = arith.constant 0 : i32
      %dma_start3A_76 = tpu.memref_slice %arg14[%dma_start3A_74, %dma_start3A_75] : memref<64x128xf32, #tpu.memory_space<vmem>> -> memref<64x128xf32, #tpu.memory_space<vmem>>
      tpu.enqueue_dma source(%dma_start3A_76 : memref<64x128xf32, #tpu.memory_space<vmem>>) target(%dma_start3A_73 : memref<64x128xf32, #tpu.memory_space<hbm>>) target_semaphore(%run_scoped3A : memref<!tpu.dma_semaphore, #tpu.memory_space<semaphore_mem>>)
      %dma_wait3A = arith.constant 0 : i32
      %dma_wait3A_77 = arith.constant 0 : i32
      %dma_wait3A_78 = tpu.memref_slice %arg14[%dma_wait3A, %dma_wait3A_77] : memref<64x128xf32, #tpu.memory_space<vmem>> -> memref<64x128xf32, #tpu.memory_space<vmem>>
      %dma_wait3A_79 = arith.constant 0 : i32
      %dma_wait3A_80 = tpu.memref_slice %arg7[%arg0, %add3A_48, %dma_wait3A_79] : memref<2x10000x128xf32, #tpu.memory_space<hbm>> -> memref<1x64x128xf32, #tpu.memory_space<hbm>>
      %dma_wait3A_81 = tpu.memref_squeeze %dma_wait3A_80 : memref<1x64x128xf32, #tpu.memory_space<hbm>> -> memref<64x128xf32, #tpu.memory_space<hbm>>
      %dma_wait3A_82 = arith.constant 0 : i32
      %dma_wait3A_83 = tpu.memref_slice %arg7[%arg0, %add3A_48, %dma_wait3A_82] : memref<2x10000x128xf32, #tpu.memory_space<hbm>> -> memref<1x64x128xf32, #tpu.memory_space<hbm>>
      %dma_wait3A_84 = tpu.memref_squeeze %dma_wait3A_83 : memref<1x64x128xf32, #tpu.memory_space<hbm>> -> memref<64x128xf32, #tpu.memory_space<hbm>>
      %dma_wait3A_85 = arith.constant 0 : i32
      %dma_wait3A_86 = arith.constant 0 : i32
      %dma_wait3A_87 = tpu.memref_slice %arg14[%dma_wait3A_85, %dma_wait3A_86] : memref<64x128xf32, #tpu.memory_space<vmem>> -> memref<64x128xf32, #tpu.memory_space<vmem>>
      tpu.wait_dma2 semaphore(%run_scoped3A : memref<!tpu.dma_semaphore, #tpu.memory_space<semaphore_mem>>) src(%dma_wait3A_87 : memref<64x128xf32, #tpu.memory_space<vmem>>) dst(%dma_wait3A_84 : memref<64x128xf32, #tpu.memory_space<hbm>>)
      tpu.yield
    }) : () -> ()
    %add3A_49 = arith.constant 256 : i32
    %add3A_50 = arith.addi %mul3A_7, %add3A_49 : i32
    "tpu.region"() ({
      %run_scoped3A = tpu.sem_alloc : memref<!tpu.dma_semaphore, #tpu.memory_space<semaphore_mem>>
      %dma_start3A = arith.constant 0 : i32
      %dma_start3A_66 = arith.constant 0 : i32
      %dma_start3A_67 = tpu.memref_slice %arg14[%dma_start3A, %dma_start3A_66] : memref<64x128xf32, #tpu.memory_space<vmem>> -> memref<64x128xf32, #tpu.memory_space<vmem>>
      %dma_start3A_68 = arith.constant 0 : i32
      %dma_start3A_69 = tpu.memref_slice %arg8[%add3A_50, %dma_start3A_68] : memref<10000x128xf32, #tpu.memory_space<vmem_shared>> -> memref<64x128xf32, #tpu.memory_space<vmem_shared>>
      %dma_start3A_70 = arith.constant 0 : i32
      %dma_start3A_71 = arith.constant 0 : i32
      %dma_start3A_72 = tpu.memref_slice %arg14[%dma_start3A_70, %dma_start3A_71] : memref<64x128xf32, #tpu.memory_space<vmem>> -> memref<64x128xf32, #tpu.memory_space<vmem>>
      %dma_start3A_73 = arith.constant 0 : i32
      %dma_start3A_74 = tpu.memref_slice %arg8[%add3A_50, %dma_start3A_73] : memref<10000x128xf32, #tpu.memory_space<vmem_shared>> -> memref<64x128xf32, #tpu.memory_space<vmem_shared>>
      tpu.enqueue_dma source(%dma_start3A_74 : memref<64x128xf32, #tpu.memory_space<vmem_shared>>) target(%dma_start3A_72 : memref<64x128xf32, #tpu.memory_space<vmem>>) target_semaphore(%run_scoped3A : memref<!tpu.dma_semaphore, #tpu.memory_space<semaphore_mem>>)
      %dma_wait3A = arith.constant 0 : i32
      %dma_wait3A_75 = arith.constant 0 : i32
      %dma_wait3A_76 = tpu.memref_slice %arg14[%dma_wait3A, %dma_wait3A_75] : memref<64x128xf32, #tpu.memory_space<vmem>> -> memref<64x128xf32, #tpu.memory_space<vmem>>
      %dma_wait3A_77 = arith.constant 0 : i32
      %dma_wait3A_78 = tpu.memref_slice %arg8[%add3A_50, %dma_wait3A_77] : memref<10000x128xf32, #tpu.memory_space<vmem_shared>> -> memref<64x128xf32, #tpu.memory_space<vmem_shared>>
      %dma_wait3A_79 = arith.constant 0 : i32
      %dma_wait3A_80 = arith.constant 0 : i32
      %dma_wait3A_81 = tpu.memref_slice %arg14[%dma_wait3A_79, %dma_wait3A_80] : memref<64x128xf32, #tpu.memory_space<vmem>> -> memref<64x128xf32, #tpu.memory_space<vmem>>
      %dma_wait3A_82 = arith.constant 0 : i32
      %dma_wait3A_83 = tpu.memref_slice %arg8[%add3A_50, %dma_wait3A_82] : memref<10000x128xf32, #tpu.memory_space<vmem_shared>> -> memref<64x128xf32, #tpu.memory_space<vmem_shared>>
      tpu.wait_dma2 semaphore(%run_scoped3A : memref<!tpu.dma_semaphore, #tpu.memory_space<semaphore_mem>>) src(%dma_wait3A_83 : memref<64x128xf32, #tpu.memory_space<vmem_shared>>) dst(%dma_wait3A_81 : memref<64x128xf32, #tpu.memory_space<vmem>>)
      tpu.yield
    }) : () -> ()
    "tpu.region"() ({
      %run_scoped3A = tpu.sem_alloc : memref<!tpu.dma_semaphore, #tpu.memory_space<semaphore_mem>>
      %dma_start3A = arith.constant 0 : i32
      %dma_start3A_66 = arith.constant 0 : i32
      %dma_start3A_67 = tpu.memref_slice %arg14[%dma_start3A, %dma_start3A_66] : memref<64x128xf32, #tpu.memory_space<vmem>> -> memref<64x128xf32, #tpu.memory_space<vmem>>
      %dma_start3A_68 = arith.constant 0 : i32
      %dma_start3A_69 = tpu.memref_slice %arg7[%arg0, %add3A_50, %dma_start3A_68] : memref<2x10000x128xf32, #tpu.memory_space<hbm>> -> memref<1x64x128xf32, #tpu.memory_space<hbm>>
      %dma_start3A_70 = tpu.memref_squeeze %dma_start3A_69 : memref<1x64x128xf32, #tpu.memory_space<hbm>> -> memref<64x128xf32, #tpu.memory_space<hbm>>
      %dma_start3A_71 = arith.constant 0 : i32
      %dma_start3A_72 = tpu.memref_slice %arg7[%arg0, %add3A_50, %dma_start3A_71] : memref<2x10000x128xf32, #tpu.memory_space<hbm>> -> memref<1x64x128xf32, #tpu.memory_space<hbm>>
      %dma_start3A_73 = tpu.memref_squeeze %dma_start3A_72 : memref<1x64x128xf32, #tpu.memory_space<hbm>> -> memref<64x128xf32, #tpu.memory_space<hbm>>
      %dma_start3A_74 = arith.constant 0 : i32
      %dma_start3A_75 = arith.constant 0 : i32
      %dma_start3A_76 = tpu.memref_slice %arg14[%dma_start3A_74, %dma_start3A_75] : memref<64x128xf32, #tpu.memory_space<vmem>> -> memref<64x128xf32, #tpu.memory_space<vmem>>
      tpu.enqueue_dma source(%dma_start3A_76 : memref<64x128xf32, #tpu.memory_space<vmem>>) target(%dma_start3A_73 : memref<64x128xf32, #tpu.memory_space<hbm>>) target_semaphore(%run_scoped3A : memref<!tpu.dma_semaphore, #tpu.memory_space<semaphore_mem>>)
      %dma_wait3A = arith.constant 0 : i32
      %dma_wait3A_77 = arith.constant 0 : i32
      %dma_wait3A_78 = tpu.memref_slice %arg14[%dma_wait3A, %dma_wait3A_77] : memref<64x128xf32, #tpu.memory_space<vmem>> -> memref<64x128xf32, #tpu.memory_space<vmem>>
      %dma_wait3A_79 = arith.constant 0 : i32
      %dma_wait3A_80 = tpu.memref_slice %arg7[%arg0, %add3A_50, %dma_wait3A_79] : memref<2x10000x128xf32, #tpu.memory_space<hbm>> -> memref<1x64x128xf32, #tpu.memory_space<hbm>>
      %dma_wait3A_81 = tpu.memref_squeeze %dma_wait3A_80 : memref<1x64x128xf32, #tpu.memory_space<hbm>> -> memref<64x128xf32, #tpu.memory_space<hbm>>
      %dma_wait3A_82 = arith.constant 0 : i32
      %dma_wait3A_83 = tpu.memref_slice %arg7[%arg0, %add3A_50, %dma_wait3A_82] : memref<2x10000x128xf32, #tpu.memory_space<hbm>> -> memref<1x64x128xf32, #tpu.memory_space<hbm>>
      %dma_wait3A_84 = tpu.memref_squeeze %dma_wait3A_83 : memref<1x64x128xf32, #tpu.memory_space<hbm>> -> memref<64x128xf32, #tpu.memory_space<hbm>>
      %dma_wait3A_85 = arith.constant 0 : i32
      %dma_wait3A_86 = arith.constant 0 : i32
      %dma_wait3A_87 = tpu.memref_slice %arg14[%dma_wait3A_85, %dma_wait3A_86] : memref<64x128xf32, #tpu.memory_space<vmem>> -> memref<64x128xf32, #tpu.memory_space<vmem>>
      tpu.wait_dma2 semaphore(%run_scoped3A : memref<!tpu.dma_semaphore, #tpu.memory_space<semaphore_mem>>) src(%dma_wait3A_87 : memref<64x128xf32, #tpu.memory_space<vmem>>) dst(%dma_wait3A_84 : memref<64x128xf32, #tpu.memory_space<hbm>>)
      tpu.yield
    }) : () -> ()
    %add3A_51 = arith.constant 320 : i32
    %add3A_52 = arith.addi %mul3A_7, %add3A_51 : i32
    "tpu.region"() ({
      %run_scoped3A = tpu.sem_alloc : memref<!tpu.dma_semaphore, #tpu.memory_space<semaphore_mem>>
      %dma_start3A = arith.constant 0 : i32
      %dma_start3A_66 = arith.constant 0 : i32
      %dma_start3A_67 = tpu.memref_slice %arg14[%dma_start3A, %dma_start3A_66] : memref<64x128xf32, #tpu.memory_space<vmem>> -> memref<64x128xf32, #tpu.memory_space<vmem>>
      %dma_start3A_68 = arith.constant 0 : i32
      %dma_start3A_69 = tpu.memref_slice %arg8[%add3A_52, %dma_start3A_68] : memref<10000x128xf32, #tpu.memory_space<vmem_shared>> -> memref<64x128xf32, #tpu.memory_space<vmem_shared>>
      %dma_start3A_70 = arith.constant 0 : i32
      %dma_start3A_71 = arith.constant 0 : i32
      %dma_start3A_72 = tpu.memref_slice %arg14[%dma_start3A_70, %dma_start3A_71] : memref<64x128xf32, #tpu.memory_space<vmem>> -> memref<64x128xf32, #tpu.memory_space<vmem>>
      %dma_start3A_73 = arith.constant 0 : i32
      %dma_start3A_74 = tpu.memref_slice %arg8[%add3A_52, %dma_start3A_73] : memref<10000x128xf32, #tpu.memory_space<vmem_shared>> -> memref<64x128xf32, #tpu.memory_space<vmem_shared>>
      tpu.enqueue_dma source(%dma_start3A_74 : memref<64x128xf32, #tpu.memory_space<vmem_shared>>) target(%dma_start3A_72 : memref<64x128xf32, #tpu.memory_space<vmem>>) target_semaphore(%run_scoped3A : memref<!tpu.dma_semaphore, #tpu.memory_space<semaphore_mem>>)
      %dma_wait3A = arith.constant 0 : i32
      %dma_wait3A_75 = arith.constant 0 : i32
      %dma_wait3A_76 = tpu.memref_slice %arg14[%dma_wait3A, %dma_wait3A_75] : memref<64x128xf32, #tpu.memory_space<vmem>> -> memref<64x128xf32, #tpu.memory_space<vmem>>
      %dma_wait3A_77 = arith.constant 0 : i32
      %dma_wait3A_78 = tpu.memref_slice %arg8[%add3A_52, %dma_wait3A_77] : memref<10000x128xf32, #tpu.memory_space<vmem_shared>> -> memref<64x128xf32, #tpu.memory_space<vmem_shared>>
      %dma_wait3A_79 = arith.constant 0 : i32
      %dma_wait3A_80 = arith.constant 0 : i32
      %dma_wait3A_81 = tpu.memref_slice %arg14[%dma_wait3A_79, %dma_wait3A_80] : memref<64x128xf32, #tpu.memory_space<vmem>> -> memref<64x128xf32, #tpu.memory_space<vmem>>
      %dma_wait3A_82 = arith.constant 0 : i32
      %dma_wait3A_83 = tpu.memref_slice %arg8[%add3A_52, %dma_wait3A_82] : memref<10000x128xf32, #tpu.memory_space<vmem_shared>> -> memref<64x128xf32, #tpu.memory_space<vmem_shared>>
      tpu.wait_dma2 semaphore(%run_scoped3A : memref<!tpu.dma_semaphore, #tpu.memory_space<semaphore_mem>>) src(%dma_wait3A_83 : memref<64x128xf32, #tpu.memory_space<vmem_shared>>) dst(%dma_wait3A_81 : memref<64x128xf32, #tpu.memory_space<vmem>>)
      tpu.yield
    }) : () -> ()
    "tpu.region"() ({
      %run_scoped3A = tpu.sem_alloc : memref<!tpu.dma_semaphore, #tpu.memory_space<semaphore_mem>>
      %dma_start3A = arith.constant 0 : i32
      %dma_start3A_66 = arith.constant 0 : i32
      %dma_start3A_67 = tpu.memref_slice %arg14[%dma_start3A, %dma_start3A_66] : memref<64x128xf32, #tpu.memory_space<vmem>> -> memref<64x128xf32, #tpu.memory_space<vmem>>
      %dma_start3A_68 = arith.constant 0 : i32
      %dma_start3A_69 = tpu.memref_slice %arg7[%arg0, %add3A_52, %dma_start3A_68] : memref<2x10000x128xf32, #tpu.memory_space<hbm>> -> memref<1x64x128xf32, #tpu.memory_space<hbm>>
      %dma_start3A_70 = tpu.memref_squeeze %dma_start3A_69 : memref<1x64x128xf32, #tpu.memory_space<hbm>> -> memref<64x128xf32, #tpu.memory_space<hbm>>
      %dma_start3A_71 = arith.constant 0 : i32
      %dma_start3A_72 = tpu.memref_slice %arg7[%arg0, %add3A_52, %dma_start3A_71] : memref<2x10000x128xf32, #tpu.memory_space<hbm>> -> memref<1x64x128xf32, #tpu.memory_space<hbm>>
      %dma_start3A_73 = tpu.memref_squeeze %dma_start3A_72 : memref<1x64x128xf32, #tpu.memory_space<hbm>> -> memref<64x128xf32, #tpu.memory_space<hbm>>
      %dma_start3A_74 = arith.constant 0 : i32
      %dma_start3A_75 = arith.constant 0 : i32
      %dma_start3A_76 = tpu.memref_slice %arg14[%dma_start3A_74, %dma_start3A_75] : memref<64x128xf32, #tpu.memory_space<vmem>> -> memref<64x128xf32, #tpu.memory_space<vmem>>
      tpu.enqueue_dma source(%dma_start3A_76 : memref<64x128xf32, #tpu.memory_space<vmem>>) target(%dma_start3A_73 : memref<64x128xf32, #tpu.memory_space<hbm>>) target_semaphore(%run_scoped3A : memref<!tpu.dma_semaphore, #tpu.memory_space<semaphore_mem>>)
      %dma_wait3A = arith.constant 0 : i32
      %dma_wait3A_77 = arith.constant 0 : i32
      %dma_wait3A_78 = tpu.memref_slice %arg14[%dma_wait3A, %dma_wait3A_77] : memref<64x128xf32, #tpu.memory_space<vmem>> -> memref<64x128xf32, #tpu.memory_space<vmem>>
      %dma_wait3A_79 = arith.constant 0 : i32
      %dma_wait3A_80 = tpu.memref_slice %arg7[%arg0, %add3A_52, %dma_wait3A_79] : memref<2x10000x128xf32, #tpu.memory_space<hbm>> -> memref<1x64x128xf32, #tpu.memory_space<hbm>>
      %dma_wait3A_81 = tpu.memref_squeeze %dma_wait3A_80 : memref<1x64x128xf32, #tpu.memory_space<hbm>> -> memref<64x128xf32, #tpu.memory_space<hbm>>
      %dma_wait3A_82 = arith.constant 0 : i32
      %dma_wait3A_83 = tpu.memref_slice %arg7[%arg0, %add3A_52, %dma_wait3A_82] : memref<2x10000x128xf32, #tpu.memory_space<hbm>> -> memref<1x64x128xf32, #tpu.memory_space<hbm>>
      %dma_wait3A_84 = tpu.memref_squeeze %dma_wait3A_83 : memref<1x64x128xf32, #tpu.memory_space<hbm>> -> memref<64x128xf32, #tpu.memory_space<hbm>>
      %dma_wait3A_85 = arith.constant 0 : i32
      %dma_wait3A_86 = arith.constant 0 : i32
      %dma_wait3A_87 = tpu.memref_slice %arg14[%dma_wait3A_85, %dma_wait3A_86] : memref<64x128xf32, #tpu.memory_space<vmem>> -> memref<64x128xf32, #tpu.memory_space<vmem>>
      tpu.wait_dma2 semaphore(%run_scoped3A : memref<!tpu.dma_semaphore, #tpu.memory_space<semaphore_mem>>) src(%dma_wait3A_87 : memref<64x128xf32, #tpu.memory_space<vmem>>) dst(%dma_wait3A_84 : memref<64x128xf32, #tpu.memory_space<hbm>>)
      tpu.yield
    }) : () -> ()
    %add3A_53 = arith.constant 384 : i32
    %add3A_54 = arith.addi %mul3A_7, %add3A_53 : i32
    "tpu.region"() ({
      %run_scoped3A = tpu.sem_alloc : memref<!tpu.dma_semaphore, #tpu.memory_space<semaphore_mem>>
      %dma_start3A = arith.constant 0 : i32
      %dma_start3A_66 = arith.constant 0 : i32
      %dma_start3A_67 = tpu.memref_slice %arg14[%dma_start3A, %dma_start3A_66] : memref<64x128xf32, #tpu.memory_space<vmem>> -> memref<64x128xf32, #tpu.memory_space<vmem>>
      %dma_start3A_68 = arith.constant 0 : i32
      %dma_start3A_69 = tpu.memref_slice %arg8[%add3A_54, %dma_start3A_68] : memref<10000x128xf32, #tpu.memory_space<vmem_shared>> -> memref<64x128xf32, #tpu.memory_space<vmem_shared>>
      %dma_start3A_70 = arith.constant 0 : i32
      %dma_start3A_71 = arith.constant 0 : i32
      %dma_start3A_72 = tpu.memref_slice %arg14[%dma_start3A_70, %dma_start3A_71] : memref<64x128xf32, #tpu.memory_space<vmem>> -> memref<64x128xf32, #tpu.memory_space<vmem>>
      %dma_start3A_73 = arith.constant 0 : i32
      %dma_start3A_74 = tpu.memref_slice %arg8[%add3A_54, %dma_start3A_73] : memref<10000x128xf32, #tpu.memory_space<vmem_shared>> -> memref<64x128xf32, #tpu.memory_space<vmem_shared>>
      tpu.enqueue_dma source(%dma_start3A_74 : memref<64x128xf32, #tpu.memory_space<vmem_shared>>) target(%dma_start3A_72 : memref<64x128xf32, #tpu.memory_space<vmem>>) target_semaphore(%run_scoped3A : memref<!tpu.dma_semaphore, #tpu.memory_space<semaphore_mem>>)
      %dma_wait3A = arith.constant 0 : i32
      %dma_wait3A_75 = arith.constant 0 : i32
      %dma_wait3A_76 = tpu.memref_slice %arg14[%dma_wait3A, %dma_wait3A_75] : memref<64x128xf32, #tpu.memory_space<vmem>> -> memref<64x128xf32, #tpu.memory_space<vmem>>
      %dma_wait3A_77 = arith.constant 0 : i32
      %dma_wait3A_78 = tpu.memref_slice %arg8[%add3A_54, %dma_wait3A_77] : memref<10000x128xf32, #tpu.memory_space<vmem_shared>> -> memref<64x128xf32, #tpu.memory_space<vmem_shared>>
      %dma_wait3A_79 = arith.constant 0 : i32
      %dma_wait3A_80 = arith.constant 0 : i32
      %dma_wait3A_81 = tpu.memref_slice %arg14[%dma_wait3A_79, %dma_wait3A_80] : memref<64x128xf32, #tpu.memory_space<vmem>> -> memref<64x128xf32, #tpu.memory_space<vmem>>
      %dma_wait3A_82 = arith.constant 0 : i32
      %dma_wait3A_83 = tpu.memref_slice %arg8[%add3A_54, %dma_wait3A_82] : memref<10000x128xf32, #tpu.memory_space<vmem_shared>> -> memref<64x128xf32, #tpu.memory_space<vmem_shared>>
      tpu.wait_dma2 semaphore(%run_scoped3A : memref<!tpu.dma_semaphore, #tpu.memory_space<semaphore_mem>>) src(%dma_wait3A_83 : memref<64x128xf32, #tpu.memory_space<vmem_shared>>) dst(%dma_wait3A_81 : memref<64x128xf32, #tpu.memory_space<vmem>>)
      tpu.yield
    }) : () -> ()
    "tpu.region"() ({
      %run_scoped3A = tpu.sem_alloc : memref<!tpu.dma_semaphore, #tpu.memory_space<semaphore_mem>>
      %dma_start3A = arith.constant 0 : i32
      %dma_start3A_66 = arith.constant 0 : i32
      %dma_start3A_67 = tpu.memref_slice %arg14[%dma_start3A, %dma_start3A_66] : memref<64x128xf32, #tpu.memory_space<vmem>> -> memref<64x128xf32, #tpu.memory_space<vmem>>
      %dma_start3A_68 = arith.constant 0 : i32
      %dma_start3A_69 = tpu.memref_slice %arg7[%arg0, %add3A_54, %dma_start3A_68] : memref<2x10000x128xf32, #tpu.memory_space<hbm>> -> memref<1x64x128xf32, #tpu.memory_space<hbm>>
      %dma_start3A_70 = tpu.memref_squeeze %dma_start3A_69 : memref<1x64x128xf32, #tpu.memory_space<hbm>> -> memref<64x128xf32, #tpu.memory_space<hbm>>
      %dma_start3A_71 = arith.constant 0 : i32
      %dma_start3A_72 = tpu.memref_slice %arg7[%arg0, %add3A_54, %dma_start3A_71] : memref<2x10000x128xf32, #tpu.memory_space<hbm>> -> memref<1x64x128xf32, #tpu.memory_space<hbm>>
      %dma_start3A_73 = tpu.memref_squeeze %dma_start3A_72 : memref<1x64x128xf32, #tpu.memory_space<hbm>> -> memref<64x128xf32, #tpu.memory_space<hbm>>
      %dma_start3A_74 = arith.constant 0 : i32
      %dma_start3A_75 = arith.constant 0 : i32
      %dma_start3A_76 = tpu.memref_slice %arg14[%dma_start3A_74, %dma_start3A_75] : memref<64x128xf32, #tpu.memory_space<vmem>> -> memref<64x128xf32, #tpu.memory_space<vmem>>
      tpu.enqueue_dma source(%dma_start3A_76 : memref<64x128xf32, #tpu.memory_space<vmem>>) target(%dma_start3A_73 : memref<64x128xf32, #tpu.memory_space<hbm>>) target_semaphore(%run_scoped3A : memref<!tpu.dma_semaphore, #tpu.memory_space<semaphore_mem>>)
      %dma_wait3A = arith.constant 0 : i32
      %dma_wait3A_77 = arith.constant 0 : i32
      %dma_wait3A_78 = tpu.memref_slice %arg14[%dma_wait3A, %dma_wait3A_77] : memref<64x128xf32, #tpu.memory_space<vmem>> -> memref<64x128xf32, #tpu.memory_space<vmem>>
      %dma_wait3A_79 = arith.constant 0 : i32
      %dma_wait3A_80 = tpu.memref_slice %arg7[%arg0, %add3A_54, %dma_wait3A_79] : memref<2x10000x128xf32, #tpu.memory_space<hbm>> -> memref<1x64x128xf32, #tpu.memory_space<hbm>>
      %dma_wait3A_81 = tpu.memref_squeeze %dma_wait3A_80 : memref<1x64x128xf32, #tpu.memory_space<hbm>> -> memref<64x128xf32, #tpu.memory_space<hbm>>
      %dma_wait3A_82 = arith.constant 0 : i32
      %dma_wait3A_83 = tpu.memref_slice %arg7[%arg0, %add3A_54, %dma_wait3A_82] : memref<2x10000x128xf32, #tpu.memory_space<hbm>> -> memref<1x64x128xf32, #tpu.memory_space<hbm>>
      %dma_wait3A_84 = tpu.memref_squeeze %dma_wait3A_83 : memref<1x64x128xf32, #tpu.memory_space<hbm>> -> memref<64x128xf32, #tpu.memory_space<hbm>>
      %dma_wait3A_85 = arith.constant 0 : i32
      %dma_wait3A_86 = arith.constant 0 : i32
      %dma_wait3A_87 = tpu.memref_slice %arg14[%dma_wait3A_85, %dma_wait3A_86] : memref<64x128xf32, #tpu.memory_space<vmem>> -> memref<64x128xf32, #tpu.memory_space<vmem>>
      tpu.wait_dma2 semaphore(%run_scoped3A : memref<!tpu.dma_semaphore, #tpu.memory_space<semaphore_mem>>) src(%dma_wait3A_87 : memref<64x128xf32, #tpu.memory_space<vmem>>) dst(%dma_wait3A_84 : memref<64x128xf32, #tpu.memory_space<hbm>>)
      tpu.yield
    }) : () -> ()
    %add3A_55 = arith.constant 448 : i32
    %add3A_56 = arith.addi %mul3A_7, %add3A_55 : i32
    "tpu.region"() ({
      %run_scoped3A = tpu.sem_alloc : memref<!tpu.dma_semaphore, #tpu.memory_space<semaphore_mem>>
      %dma_start3A = arith.constant 0 : i32
      %dma_start3A_66 = arith.constant 0 : i32
      %dma_start3A_67 = tpu.memref_slice %arg14[%dma_start3A, %dma_start3A_66] : memref<64x128xf32, #tpu.memory_space<vmem>> -> memref<64x128xf32, #tpu.memory_space<vmem>>
      %dma_start3A_68 = arith.constant 0 : i32
      %dma_start3A_69 = tpu.memref_slice %arg8[%add3A_56, %dma_start3A_68] : memref<10000x128xf32, #tpu.memory_space<vmem_shared>> -> memref<64x128xf32, #tpu.memory_space<vmem_shared>>
      %dma_start3A_70 = arith.constant 0 : i32
      %dma_start3A_71 = arith.constant 0 : i32
      %dma_start3A_72 = tpu.memref_slice %arg14[%dma_start3A_70, %dma_start3A_71] : memref<64x128xf32, #tpu.memory_space<vmem>> -> memref<64x128xf32, #tpu.memory_space<vmem>>
      %dma_start3A_73 = arith.constant 0 : i32
      %dma_start3A_74 = tpu.memref_slice %arg8[%add3A_56, %dma_start3A_73] : memref<10000x128xf32, #tpu.memory_space<vmem_shared>> -> memref<64x128xf32, #tpu.memory_space<vmem_shared>>
      tpu.enqueue_dma source(%dma_start3A_74 : memref<64x128xf32, #tpu.memory_space<vmem_shared>>) target(%dma_start3A_72 : memref<64x128xf32, #tpu.memory_space<vmem>>) target_semaphore(%run_scoped3A : memref<!tpu.dma_semaphore, #tpu.memory_space<semaphore_mem>>)
      %dma_wait3A = arith.constant 0 : i32
      %dma_wait3A_75 = arith.constant 0 : i32
      %dma_wait3A_76 = tpu.memref_slice %arg14[%dma_wait3A, %dma_wait3A_75] : memref<64x128xf32, #tpu.memory_space<vmem>> -> memref<64x128xf32, #tpu.memory_space<vmem>>
      %dma_wait3A_77 = arith.constant 0 : i32
      %dma_wait3A_78 = tpu.memref_slice %arg8[%add3A_56, %dma_wait3A_77] : memref<10000x128xf32, #tpu.memory_space<vmem_shared>> -> memref<64x128xf32, #tpu.memory_space<vmem_shared>>
      %dma_wait3A_79 = arith.constant 0 : i32
      %dma_wait3A_80 = arith.constant 0 : i32
      %dma_wait3A_81 = tpu.memref_slice %arg14[%dma_wait3A_79, %dma_wait3A_80] : memref<64x128xf32, #tpu.memory_space<vmem>> -> memref<64x128xf32, #tpu.memory_space<vmem>>
      %dma_wait3A_82 = arith.constant 0 : i32
      %dma_wait3A_83 = tpu.memref_slice %arg8[%add3A_56, %dma_wait3A_82] : memref<10000x128xf32, #tpu.memory_space<vmem_shared>> -> memref<64x128xf32, #tpu.memory_space<vmem_shared>>
      tpu.wait_dma2 semaphore(%run_scoped3A : memref<!tpu.dma_semaphore, #tpu.memory_space<semaphore_mem>>) src(%dma_wait3A_83 : memref<64x128xf32, #tpu.memory_space<vmem_shared>>) dst(%dma_wait3A_81 : memref<64x128xf32, #tpu.memory_space<vmem>>)
      tpu.yield
    }) : () -> ()
    "tpu.region"() ({
      %run_scoped3A = tpu.sem_alloc : memref<!tpu.dma_semaphore, #tpu.memory_space<semaphore_mem>>
      %dma_start3A = arith.constant 0 : i32
      %dma_start3A_66 = arith.constant 0 : i32
      %dma_start3A_67 = tpu.memref_slice %arg14[%dma_start3A, %dma_start3A_66] : memref<64x128xf32, #tpu.memory_space<vmem>> -> memref<64x128xf32, #tpu.memory_space<vmem>>
      %dma_start3A_68 = arith.constant 0 : i32
      %dma_start3A_69 = tpu.memref_slice %arg7[%arg0, %add3A_56, %dma_start3A_68] : memref<2x10000x128xf32, #tpu.memory_space<hbm>> -> memref<1x64x128xf32, #tpu.memory_space<hbm>>
      %dma_start3A_70 = tpu.memref_squeeze %dma_start3A_69 : memref<1x64x128xf32, #tpu.memory_space<hbm>> -> memref<64x128xf32, #tpu.memory_space<hbm>>
      %dma_start3A_71 = arith.constant 0 : i32
      %dma_start3A_72 = tpu.memref_slice %arg7[%arg0, %add3A_56, %dma_start3A_71] : memref<2x10000x128xf32, #tpu.memory_space<hbm>> -> memref<1x64x128xf32, #tpu.memory_space<hbm>>
      %dma_start3A_73 = tpu.memref_squeeze %dma_start3A_72 : memref<1x64x128xf32, #tpu.memory_space<hbm>> -> memref<64x128xf32, #tpu.memory_space<hbm>>
      %dma_start3A_74 = arith.constant 0 : i32
      %dma_start3A_75 = arith.constant 0 : i32
      %dma_start3A_76 = tpu.memref_slice %arg14[%dma_start3A_74, %dma_start3A_75] : memref<64x128xf32, #tpu.memory_space<vmem>> -> memref<64x128xf32, #tpu.memory_space<vmem>>
      tpu.enqueue_dma source(%dma_start3A_76 : memref<64x128xf32, #tpu.memory_space<vmem>>) target(%dma_start3A_73 : memref<64x128xf32, #tpu.memory_space<hbm>>) target_semaphore(%run_scoped3A : memref<!tpu.dma_semaphore, #tpu.memory_space<semaphore_mem>>)
      %dma_wait3A = arith.constant 0 : i32
      %dma_wait3A_77 = arith.constant 0 : i32
      %dma_wait3A_78 = tpu.memref_slice %arg14[%dma_wait3A, %dma_wait3A_77] : memref<64x128xf32, #tpu.memory_space<vmem>> -> memref<64x128xf32, #tpu.memory_space<vmem>>
      %dma_wait3A_79 = arith.constant 0 : i32
      %dma_wait3A_80 = tpu.memref_slice %arg7[%arg0, %add3A_56, %dma_wait3A_79] : memref<2x10000x128xf32, #tpu.memory_space<hbm>> -> memref<1x64x128xf32, #tpu.memory_space<hbm>>
      %dma_wait3A_81 = tpu.memref_squeeze %dma_wait3A_80 : memref<1x64x128xf32, #tpu.memory_space<hbm>> -> memref<64x128xf32, #tpu.memory_space<hbm>>
      %dma_wait3A_82 = arith.constant 0 : i32
      %dma_wait3A_83 = tpu.memref_slice %arg7[%arg0, %add3A_56, %dma_wait3A_82] : memref<2x10000x128xf32, #tpu.memory_space<hbm>> -> memref<1x64x128xf32, #tpu.memory_space<hbm>>
      %dma_wait3A_84 = tpu.memref_squeeze %dma_wait3A_83 : memref<1x64x128xf32, #tpu.memory_space<hbm>> -> memref<64x128xf32, #tpu.memory_space<hbm>>
      %dma_wait3A_85 = arith.constant 0 : i32
      %dma_wait3A_86 = arith.constant 0 : i32
      %dma_wait3A_87 = tpu.memref_slice %arg14[%dma_wait3A_85, %dma_wait3A_86] : memref<64x128xf32, #tpu.memory_space<vmem>> -> memref<64x128xf32, #tpu.memory_space<vmem>>
      tpu.wait_dma2 semaphore(%run_scoped3A : memref<!tpu.dma_semaphore, #tpu.memory_space<semaphore_mem>>) src(%dma_wait3A_87 : memref<64x128xf32, #tpu.memory_space<vmem>>) dst(%dma_wait3A_84 : memref<64x128xf32, #tpu.memory_space<hbm>>)
      tpu.yield
    }) : () -> ()
    %add3A_57 = arith.constant 512 : i32
    %add3A_58 = arith.addi %mul3A_7, %add3A_57 : i32
    "tpu.region"() ({
      %run_scoped3A = tpu.sem_alloc : memref<!tpu.dma_semaphore, #tpu.memory_space<semaphore_mem>>
      %dma_start3A = arith.constant 0 : i32
      %dma_start3A_66 = arith.constant 0 : i32
      %dma_start3A_67 = tpu.memref_slice %arg14[%dma_start3A, %dma_start3A_66] : memref<64x128xf32, #tpu.memory_space<vmem>> -> memref<64x128xf32, #tpu.memory_space<vmem>>
      %dma_start3A_68 = arith.constant 0 : i32
      %dma_start3A_69 = tpu.memref_slice %arg8[%add3A_58, %dma_start3A_68] : memref<10000x128xf32, #tpu.memory_space<vmem_shared>> -> memref<64x128xf32, #tpu.memory_space<vmem_shared>>
      %dma_start3A_70 = arith.constant 0 : i32
      %dma_start3A_71 = arith.constant 0 : i32
      %dma_start3A_72 = tpu.memref_slice %arg14[%dma_start3A_70, %dma_start3A_71] : memref<64x128xf32, #tpu.memory_space<vmem>> -> memref<64x128xf32, #tpu.memory_space<vmem>>
      %dma_start3A_73 = arith.constant 0 : i32
      %dma_start3A_74 = tpu.memref_slice %arg8[%add3A_58, %dma_start3A_73] : memref<10000x128xf32, #tpu.memory_space<vmem_shared>> -> memref<64x128xf32, #tpu.memory_space<vmem_shared>>
      tpu.enqueue_dma source(%dma_start3A_74 : memref<64x128xf32, #tpu.memory_space<vmem_shared>>) target(%dma_start3A_72 : memref<64x128xf32, #tpu.memory_space<vmem>>) target_semaphore(%run_scoped3A : memref<!tpu.dma_semaphore, #tpu.memory_space<semaphore_mem>>)
      %dma_wait3A = arith.constant 0 : i32
      %dma_wait3A_75 = arith.constant 0 : i32
      %dma_wait3A_76 = tpu.memref_slice %arg14[%dma_wait3A, %dma_wait3A_75] : memref<64x128xf32, #tpu.memory_space<vmem>> -> memref<64x128xf32, #tpu.memory_space<vmem>>
      %dma_wait3A_77 = arith.constant 0 : i32
      %dma_wait3A_78 = tpu.memref_slice %arg8[%add3A_58, %dma_wait3A_77] : memref<10000x128xf32, #tpu.memory_space<vmem_shared>> -> memref<64x128xf32, #tpu.memory_space<vmem_shared>>
      %dma_wait3A_79 = arith.constant 0 : i32
      %dma_wait3A_80 = arith.constant 0 : i32
      %dma_wait3A_81 = tpu.memref_slice %arg14[%dma_wait3A_79, %dma_wait3A_80] : memref<64x128xf32, #tpu.memory_space<vmem>> -> memref<64x128xf32, #tpu.memory_space<vmem>>
      %dma_wait3A_82 = arith.constant 0 : i32
      %dma_wait3A_83 = tpu.memref_slice %arg8[%add3A_58, %dma_wait3A_82] : memref<10000x128xf32, #tpu.memory_space<vmem_shared>> -> memref<64x128xf32, #tpu.memory_space<vmem_shared>>
      tpu.wait_dma2 semaphore(%run_scoped3A : memref<!tpu.dma_semaphore, #tpu.memory_space<semaphore_mem>>) src(%dma_wait3A_83 : memref<64x128xf32, #tpu.memory_space<vmem_shared>>) dst(%dma_wait3A_81 : memref<64x128xf32, #tpu.memory_space<vmem>>)
      tpu.yield
    }) : () -> ()
    "tpu.region"() ({
      %run_scoped3A = tpu.sem_alloc : memref<!tpu.dma_semaphore, #tpu.memory_space<semaphore_mem>>
      %dma_start3A = arith.constant 0 : i32
      %dma_start3A_66 = arith.constant 0 : i32
      %dma_start3A_67 = tpu.memref_slice %arg14[%dma_start3A, %dma_start3A_66] : memref<64x128xf32, #tpu.memory_space<vmem>> -> memref<64x128xf32, #tpu.memory_space<vmem>>
      %dma_start3A_68 = arith.constant 0 : i32
      %dma_start3A_69 = tpu.memref_slice %arg7[%arg0, %add3A_58, %dma_start3A_68] : memref<2x10000x128xf32, #tpu.memory_space<hbm>> -> memref<1x64x128xf32, #tpu.memory_space<hbm>>
      %dma_start3A_70 = tpu.memref_squeeze %dma_start3A_69 : memref<1x64x128xf32, #tpu.memory_space<hbm>> -> memref<64x128xf32, #tpu.memory_space<hbm>>
      %dma_start3A_71 = arith.constant 0 : i32
      %dma_start3A_72 = tpu.memref_slice %arg7[%arg0, %add3A_58, %dma_start3A_71] : memref<2x10000x128xf32, #tpu.memory_space<hbm>> -> memref<1x64x128xf32, #tpu.memory_space<hbm>>
      %dma_start3A_73 = tpu.memref_squeeze %dma_start3A_72 : memref<1x64x128xf32, #tpu.memory_space<hbm>> -> memref<64x128xf32, #tpu.memory_space<hbm>>
      %dma_start3A_74 = arith.constant 0 : i32
      %dma_start3A_75 = arith.constant 0 : i32
      %dma_start3A_76 = tpu.memref_slice %arg14[%dma_start3A_74, %dma_start3A_75] : memref<64x128xf32, #tpu.memory_space<vmem>> -> memref<64x128xf32, #tpu.memory_space<vmem>>
      tpu.enqueue_dma source(%dma_start3A_76 : memref<64x128xf32, #tpu.memory_space<vmem>>) target(%dma_start3A_73 : memref<64x128xf32, #tpu.memory_space<hbm>>) target_semaphore(%run_scoped3A : memref<!tpu.dma_semaphore, #tpu.memory_space<semaphore_mem>>)
      %dma_wait3A = arith.constant 0 : i32
      %dma_wait3A_77 = arith.constant 0 : i32
      %dma_wait3A_78 = tpu.memref_slice %arg14[%dma_wait3A, %dma_wait3A_77] : memref<64x128xf32, #tpu.memory_space<vmem>> -> memref<64x128xf32, #tpu.memory_space<vmem>>
      %dma_wait3A_79 = arith.constant 0 : i32
      %dma_wait3A_80 = tpu.memref_slice %arg7[%arg0, %add3A_58, %dma_wait3A_79] : memref<2x10000x128xf32, #tpu.memory_space<hbm>> -> memref<1x64x128xf32, #tpu.memory_space<hbm>>
      %dma_wait3A_81 = tpu.memref_squeeze %dma_wait3A_80 : memref<1x64x128xf32, #tpu.memory_space<hbm>> -> memref<64x128xf32, #tpu.memory_space<hbm>>
      %dma_wait3A_82 = arith.constant 0 : i32
      %dma_wait3A_83 = tpu.memref_slice %arg7[%arg0, %add3A_58, %dma_wait3A_82] : memref<2x10000x128xf32, #tpu.memory_space<hbm>> -> memref<1x64x128xf32, #tpu.memory_space<hbm>>
      %dma_wait3A_84 = tpu.memref_squeeze %dma_wait3A_83 : memref<1x64x128xf32, #tpu.memory_space<hbm>> -> memref<64x128xf32, #tpu.memory_space<hbm>>
      %dma_wait3A_85 = arith.constant 0 : i32
      %dma_wait3A_86 = arith.constant 0 : i32
      %dma_wait3A_87 = tpu.memref_slice %arg14[%dma_wait3A_85, %dma_wait3A_86] : memref<64x128xf32, #tpu.memory_space<vmem>> -> memref<64x128xf32, #tpu.memory_space<vmem>>
      tpu.wait_dma2 semaphore(%run_scoped3A : memref<!tpu.dma_semaphore, #tpu.memory_space<semaphore_mem>>) src(%dma_wait3A_87 : memref<64x128xf32, #tpu.memory_space<vmem>>) dst(%dma_wait3A_84 : memref<64x128xf32, #tpu.memory_space<hbm>>)
      tpu.yield
    }) : () -> ()
    %add3A_59 = arith.constant 576 : i32
    %add3A_60 = arith.addi %mul3A_7, %add3A_59 : i32
    "tpu.region"() ({
      %run_scoped3A = tpu.sem_alloc : memref<!tpu.dma_semaphore, #tpu.memory_space<semaphore_mem>>
      %dma_start3A = arith.constant 0 : i32
      %dma_start3A_66 = arith.constant 0 : i32
      %dma_start3A_67 = tpu.memref_slice %arg14[%dma_start3A, %dma_start3A_66] : memref<64x128xf32, #tpu.memory_space<vmem>> -> memref<48x128xf32, #tpu.memory_space<vmem>>
      %dma_start3A_68 = arith.constant 0 : i32
      %dma_start3A_69 = tpu.memref_slice %arg8[%add3A_60, %dma_start3A_68] : memref<10000x128xf32, #tpu.memory_space<vmem_shared>> -> memref<48x128xf32, #tpu.memory_space<vmem_shared>>
      %dma_start3A_70 = arith.constant 0 : i32
      %dma_start3A_71 = arith.constant 0 : i32
      %dma_start3A_72 = tpu.memref_slice %arg14[%dma_start3A_70, %dma_start3A_71] : memref<64x128xf32, #tpu.memory_space<vmem>> -> memref<48x128xf32, #tpu.memory_space<vmem>>
      %dma_start3A_73 = arith.constant 0 : i32
      %dma_start3A_74 = tpu.memref_slice %arg8[%add3A_60, %dma_start3A_73] : memref<10000x128xf32, #tpu.memory_space<vmem_shared>> -> memref<48x128xf32, #tpu.memory_space<vmem_shared>>
      tpu.enqueue_dma source(%dma_start3A_74 : memref<48x128xf32, #tpu.memory_space<vmem_shared>>) target(%dma_start3A_72 : memref<48x128xf32, #tpu.memory_space<vmem>>) target_semaphore(%run_scoped3A : memref<!tpu.dma_semaphore, #tpu.memory_space<semaphore_mem>>)
      %dma_wait3A = arith.constant 0 : i32
      %dma_wait3A_75 = arith.constant 0 : i32
      %dma_wait3A_76 = tpu.memref_slice %arg14[%dma_wait3A, %dma_wait3A_75] : memref<64x128xf32, #tpu.memory_space<vmem>> -> memref<48x128xf32, #tpu.memory_space<vmem>>
      %dma_wait3A_77 = arith.constant 0 : i32
      %dma_wait3A_78 = tpu.memref_slice %arg8[%add3A_60, %dma_wait3A_77] : memref<10000x128xf32, #tpu.memory_space<vmem_shared>> -> memref<48x128xf32, #tpu.memory_space<vmem_shared>>
      %dma_wait3A_79 = arith.constant 0 : i32
      %dma_wait3A_80 = arith.constant 0 : i32
      %dma_wait3A_81 = tpu.memref_slice %arg14[%dma_wait3A_79, %dma_wait3A_80] : memref<64x128xf32, #tpu.memory_space<vmem>> -> memref<48x128xf32, #tpu.memory_space<vmem>>
      %dma_wait3A_82 = arith.constant 0 : i32
      %dma_wait3A_83 = tpu.memref_slice %arg8[%add3A_60, %dma_wait3A_82] : memref<10000x128xf32, #tpu.memory_space<vmem_shared>> -> memref<48x128xf32, #tpu.memory_space<vmem_shared>>
      tpu.wait_dma2 semaphore(%run_scoped3A : memref<!tpu.dma_semaphore, #tpu.memory_space<semaphore_mem>>) src(%dma_wait3A_83 : memref<48x128xf32, #tpu.memory_space<vmem_shared>>) dst(%dma_wait3A_81 : memref<48x128xf32, #tpu.memory_space<vmem>>)
      tpu.yield
    }) : () -> ()
    "tpu.region"() ({
      %run_scoped3A = tpu.sem_alloc : memref<!tpu.dma_semaphore, #tpu.memory_space<semaphore_mem>>
      %dma_start3A = arith.constant 0 : i32
      %dma_start3A_66 = arith.constant 0 : i32
      %dma_start3A_67 = tpu.memref_slice %arg14[%dma_start3A, %dma_start3A_66] : memref<64x128xf32, #tpu.memory_space<vmem>> -> memref<48x128xf32, #tpu.memory_space<vmem>>
      %dma_start3A_68 = arith.constant 0 : i32
      %dma_start3A_69 = tpu.memref_slice %arg7[%arg0, %add3A_60, %dma_start3A_68] : memref<2x10000x128xf32, #tpu.memory_space<hbm>> -> memref<1x48x128xf32, #tpu.memory_space<hbm>>
      %dma_start3A_70 = tpu.memref_squeeze %dma_start3A_69 : memref<1x48x128xf32, #tpu.memory_space<hbm>> -> memref<48x128xf32, #tpu.memory_space<hbm>>
      %dma_start3A_71 = arith.constant 0 : i32
      %dma_start3A_72 = tpu.memref_slice %arg7[%arg0, %add3A_60, %dma_start3A_71] : memref<2x10000x128xf32, #tpu.memory_space<hbm>> -> memref<1x48x128xf32, #tpu.memory_space<hbm>>
      %dma_start3A_73 = tpu.memref_squeeze %dma_start3A_72 : memref<1x48x128xf32, #tpu.memory_space<hbm>> -> memref<48x128xf32, #tpu.memory_space<hbm>>
      %dma_start3A_74 = arith.constant 0 : i32
      %dma_start3A_75 = arith.constant 0 : i32
      %dma_start3A_76 = tpu.memref_slice %arg14[%dma_start3A_74, %dma_start3A_75] : memref<64x128xf32, #tpu.memory_space<vmem>> -> memref<48x128xf32, #tpu.memory_space<vmem>>
      tpu.enqueue_dma source(%dma_start3A_76 : memref<48x128xf32, #tpu.memory_space<vmem>>) target(%dma_start3A_73 : memref<48x128xf32, #tpu.memory_space<hbm>>) target_semaphore(%run_scoped3A : memref<!tpu.dma_semaphore, #tpu.memory_space<semaphore_mem>>)
      %dma_wait3A = arith.constant 0 : i32
      %dma_wait3A_77 = arith.constant 0 : i32
      %dma_wait3A_78 = tpu.memref_slice %arg14[%dma_wait3A, %dma_wait3A_77] : memref<64x128xf32, #tpu.memory_space<vmem>> -> memref<48x128xf32, #tpu.memory_space<vmem>>
      %dma_wait3A_79 = arith.constant 0 : i32
      %dma_wait3A_80 = tpu.memref_slice %arg7[%arg0, %add3A_60, %dma_wait3A_79] : memref<2x10000x128xf32, #tpu.memory_space<hbm>> -> memref<1x48x128xf32, #tpu.memory_space<hbm>>
      %dma_wait3A_81 = tpu.memref_squeeze %dma_wait3A_80 : memref<1x48x128xf32, #tpu.memory_space<hbm>> -> memref<48x128xf32, #tpu.memory_space<hbm>>
      %dma_wait3A_82 = arith.constant 0 : i32
      %dma_wait3A_83 = tpu.memref_slice %arg7[%arg0, %add3A_60, %dma_wait3A_82] : memref<2x10000x128xf32, #tpu.memory_space<hbm>> -> memref<1x48x128xf32, #tpu.memory_space<hbm>>
      %dma_wait3A_84 = tpu.memref_squeeze %dma_wait3A_83 : memref<1x48x128xf32, #tpu.memory_space<hbm>> -> memref<48x128xf32, #tpu.memory_space<hbm>>
      %dma_wait3A_85 = arith.constant 0 : i32
      %dma_wait3A_86 = arith.constant 0 : i32
      %dma_wait3A_87 = tpu.memref_slice %arg14[%dma_wait3A_85, %dma_wait3A_86] : memref<64x128xf32, #tpu.memory_space<vmem>> -> memref<48x128xf32, #tpu.memory_space<vmem>>
      tpu.wait_dma2 semaphore(%run_scoped3A : memref<!tpu.dma_semaphore, #tpu.memory_space<semaphore_mem>>) src(%dma_wait3A_87 : memref<48x128xf32, #tpu.memory_space<vmem>>) dst(%dma_wait3A_84 : memref<48x128xf32, #tpu.memory_space<hbm>>)
      tpu.yield
    }) : () -> ()
    %eq3A_61 = arith.constant 15 : i32
    %eq3A_62 = arith.cmpi eq, %arg1, %eq3A_61 : i32
    %convert_element_type3A_63 = arith.extui %eq3A_62 : i1 to i32
    %cond3A_64 = arith.constant 0 : i32
    %cond3A_65 = arith.cmpi ne, %convert_element_type3A_63, %cond3A_64 : i32
    scf.if %cond3A_65 {
      "tpu.region"() ({
        %run_scoped3A = tpu.sem_alloc : memref<!tpu.dma_semaphore, #tpu.memory_space<semaphore_mem>>
        %dma_start3A = arith.constant 0 : i32
        %dma_start3A_66 = arith.constant 0 : i32
        %dma_start3A_67 = tpu.memref_slice %arg14[%dma_start3A, %dma_start3A_66] : memref<64x128xf32, #tpu.memory_space<vmem>> -> memref<16x128xf32, #tpu.memory_space<vmem>>
        %dma_start3A_68 = arith.constant 9984 : i32
        %dma_start3A_69 = arith.constant 0 : i32
        %dma_start3A_70 = tpu.memref_slice %arg8[%dma_start3A_68, %dma_start3A_69] : memref<10000x128xf32, #tpu.memory_space<vmem_shared>> -> memref<16x128xf32, #tpu.memory_space<vmem_shared>>
        %dma_start3A_71 = arith.constant 0 : i32
        %dma_start3A_72 = arith.constant 0 : i32
        %dma_start3A_73 = tpu.memref_slice %arg14[%dma_start3A_71, %dma_start3A_72] : memref<64x128xf32, #tpu.memory_space<vmem>> -> memref<16x128xf32, #tpu.memory_space<vmem>>
        %dma_start3A_74 = arith.constant 9984 : i32
        %dma_start3A_75 = arith.constant 0 : i32
        %dma_start3A_76 = tpu.memref_slice %arg8[%dma_start3A_74, %dma_start3A_75] : memref<10000x128xf32, #tpu.memory_space<vmem_shared>> -> memref<16x128xf32, #tpu.memory_space<vmem_shared>>
        tpu.enqueue_dma source(%dma_start3A_76 : memref<16x128xf32, #tpu.memory_space<vmem_shared>>) target(%dma_start3A_73 : memref<16x128xf32, #tpu.memory_space<vmem>>) target_semaphore(%run_scoped3A : memref<!tpu.dma_semaphore, #tpu.memory_space<semaphore_mem>>)
        %dma_wait3A = arith.constant 0 : i32
        %dma_wait3A_77 = arith.constant 0 : i32
        %dma_wait3A_78 = tpu.memref_slice %arg14[%dma_wait3A, %dma_wait3A_77] : memref<64x128xf32, #tpu.memory_space<vmem>> -> memref<16x128xf32, #tpu.memory_space<vmem>>
        %dma_wait3A_79 = arith.constant 9984 : i32
        %dma_wait3A_80 = arith.constant 0 : i32
        %dma_wait3A_81 = tpu.memref_slice %arg8[%dma_wait3A_79, %dma_wait3A_80] : memref<10000x128xf32, #tpu.memory_space<vmem_shared>> -> memref<16x128xf32, #tpu.memory_space<vmem_shared>>
        %dma_wait3A_82 = arith.constant 0 : i32
        %dma_wait3A_83 = arith.constant 0 : i32
        %dma_wait3A_84 = tpu.memref_slice %arg14[%dma_wait3A_82, %dma_wait3A_83] : memref<64x128xf32, #tpu.memory_space<vmem>> -> memref<16x128xf32, #tpu.memory_space<vmem>>
        %dma_wait3A_85 = arith.constant 9984 : i32
        %dma_wait3A_86 = arith.constant 0 : i32
        %dma_wait3A_87 = tpu.memref_slice %arg8[%dma_wait3A_85, %dma_wait3A_86] : memref<10000x128xf32, #tpu.memory_space<vmem_shared>> -> memref<16x128xf32, #tpu.memory_space<vmem_shared>>
        tpu.wait_dma2 semaphore(%run_scoped3A : memref<!tpu.dma_semaphore, #tpu.memory_space<semaphore_mem>>) src(%dma_wait3A_87 : memref<16x128xf32, #tpu.memory_space<vmem_shared>>) dst(%dma_wait3A_84 : memref<16x128xf32, #tpu.memory_space<vmem>>)
        tpu.yield
      }) : () -> ()
      "tpu.region"() ({
        %run_scoped3A = tpu.sem_alloc : memref<!tpu.dma_semaphore, #tpu.memory_space<semaphore_mem>>
        %dma_start3A = arith.constant 0 : i32
        %dma_start3A_66 = arith.constant 0 : i32
        %dma_start3A_67 = tpu.memref_slice %arg14[%dma_start3A, %dma_start3A_66] : memref<64x128xf32, #tpu.memory_space<vmem>> -> memref<16x128xf32, #tpu.memory_space<vmem>>
        %dma_start3A_68 = arith.constant 9984 : i32
        %dma_start3A_69 = arith.constant 0 : i32
        %dma_start3A_70 = tpu.memref_slice %arg7[%arg0, %dma_start3A_68, %dma_start3A_69] : memref<2x10000x128xf32, #tpu.memory_space<hbm>> -> memref<1x16x128xf32, #tpu.memory_space<hbm>>
        %dma_start3A_71 = tpu.memref_squeeze %dma_start3A_70 : memref<1x16x128xf32, #tpu.memory_space<hbm>> -> memref<16x128xf32, #tpu.memory_space<hbm>>
        %dma_start3A_72 = arith.constant 9984 : i32
        %dma_start3A_73 = arith.constant 0 : i32
        %dma_start3A_74 = tpu.memref_slice %arg7[%arg0, %dma_start3A_72, %dma_start3A_73] : memref<2x10000x128xf32, #tpu.memory_space<hbm>> -> memref<1x16x128xf32, #tpu.memory_space<hbm>>
        %dma_start3A_75 = tpu.memref_squeeze %dma_start3A_74 : memref<1x16x128xf32, #tpu.memory_space<hbm>> -> memref<16x128xf32, #tpu.memory_space<hbm>>
        %dma_start3A_76 = arith.constant 0 : i32
        %dma_start3A_77 = arith.constant 0 : i32
        %dma_start3A_78 = tpu.memref_slice %arg14[%dma_start3A_76, %dma_start3A_77] : memref<64x128xf32, #tpu.memory_space<vmem>> -> memref<16x128xf32, #tpu.memory_space<vmem>>
        tpu.enqueue_dma source(%dma_start3A_78 : memref<16x128xf32, #tpu.memory_space<vmem>>) target(%dma_start3A_75 : memref<16x128xf32, #tpu.memory_space<hbm>>) target_semaphore(%run_scoped3A : memref<!tpu.dma_semaphore, #tpu.memory_space<semaphore_mem>>)
        %dma_wait3A = arith.constant 0 : i32
        %dma_wait3A_79 = arith.constant 0 : i32
        %dma_wait3A_80 = tpu.memref_slice %arg14[%dma_wait3A, %dma_wait3A_79] : memref<64x128xf32, #tpu.memory_space<vmem>> -> memref<16x128xf32, #tpu.memory_space<vmem>>
        %dma_wait3A_81 = arith.constant 9984 : i32
        %dma_wait3A_82 = arith.constant 0 : i32
        %dma_wait3A_83 = tpu.memref_slice %arg7[%arg0, %dma_wait3A_81, %dma_wait3A_82] : memref<2x10000x128xf32, #tpu.memory_space<hbm>> -> memref<1x16x128xf32, #tpu.memory_space<hbm>>
        %dma_wait3A_84 = tpu.memref_squeeze %dma_wait3A_83 : memref<1x16x128xf32, #tpu.memory_space<hbm>> -> memref<16x128xf32, #tpu.memory_space<hbm>>
        %dma_wait3A_85 = arith.constant 9984 : i32
        %dma_wait3A_86 = arith.constant 0 : i32
        %dma_wait3A_87 = tpu.memref_slice %arg7[%arg0, %dma_wait3A_85, %dma_wait3A_86] : memref<2x10000x128xf32, #tpu.memory_space<hbm>> -> memref<1x16x128xf32, #tpu.memory_space<hbm>>
        %dma_wait3A_88 = tpu.memref_squeeze %dma_wait3A_87 : memref<1x16x128xf32, #tpu.memory_space<hbm>> -> memref<16x128xf32, #tpu.memory_space<hbm>>
        %dma_wait3A_89 = arith.constant 0 : i32
        %dma_wait3A_90 = arith.constant 0 : i32
        %dma_wait3A_91 = tpu.memref_slice %arg14[%dma_wait3A_89, %dma_wait3A_90] : memref<64x128xf32, #tpu.memory_space<vmem>> -> memref<16x128xf32, #tpu.memory_space<vmem>>
        tpu.wait_dma2 semaphore(%run_scoped3A : memref<!tpu.dma_semaphore, #tpu.memory_space<semaphore_mem>>) src(%dma_wait3A_91 : memref<16x128xf32, #tpu.memory_space<vmem>>) dst(%dma_wait3A_88 : memref<16x128xf32, #tpu.memory_space<hbm>>)
        tpu.yield
      }) : () -> ()
    } else {
    }
    return
  }
}

#map = affine_map<(d0, d1) -> (0)>
#map1 = affine_map<(d0, d1) -> (0, 0, 0)>
module attributes {stable_mosaic.version = 14 : i64} {
  func.func @den_kernel(%arg0: i32, %arg1: i32, %arg2: memref<320000xi32, #tpu.memory_space<hbm>>, %arg3: memref<320000xi32, #tpu.memory_space<hbm>>, %arg4: memref<10000xf32, #tpu.memory_space<hbm>>, %arg5: memref<10000xf32, #tpu.memory_space<hbm>>, %arg6: memref<2x80x128xf32, #tpu.memory_space<hbm>>, %arg7: memref<80x128xf32, #tpu.memory_space<vmem_shared>>, %arg8: memref<10000xf32, #tpu.memory_space<vmem>>, %arg9: memref<10000xf32, #tpu.memory_space<vmem>>, %arg10: memref<64xi32, #tpu.memory_space<vmem>>, %arg11: memref<64xi32, #tpu.memory_space<vmem>>, %arg12: memref<80x128xf32, #tpu.memory_space<vmem>>, %arg13: memref<80xi32, #tpu.memory_space<vmem>>) attributes {dimension_semantics = [#tpu.dimension_semantics<core_parallel>, #tpu.dimension_semantics<subcore_parallel>], iteration_bounds = array<i64: 2, 16>, scalar_prefetch = 0 : i64, scratch_operands = 7 : i64, tpu.core_type = #tpu.core_type<sc_vector_subcore>, window_params = [{transform_indices = #map}, {transform_indices = #map}, {transform_indices = #map}, {transform_indices = #map}, {transform_indices = #map1}]} {
    %mul3A = arith.constant 2 : i32
    %mul3A_0 = arith.muli %arg1, %mul3A : i32
    %add3A = arith.addi %mul3A_0, %arg0 : i32
    %broadcast_in_dim3A = arith.constant 0.000000e+00 : f32
    %broadcast_in_dim3A_1 = vector.broadcast %broadcast_in_dim3A : f32 to vector<16xf32>
    %scan3A = arith.constant 0 : i32
    %scan3A_2 = arith.constant 80 : i32
    %scan3A_3 = arith.addi %scan3A, %scan3A_2 : i32
    %scan3A_4 = arith.constant 1 : i32
    scf.for %scan3A_53 = %scan3A to %scan3A_3 step %scan3A_4  : i32 {
      %mul3A_54 = arith.constant 1 : i32
      %mul3A_55 = arith.muli %scan3A_53, %mul3A_54 : i32
      %add3A_56 = arith.constant 0 : i32
      %add3A_57 = arith.addi %add3A_56, %mul3A_55 : i32
      %swap3A_58 = arith.index_cast %add3A_57 : i32 to index
      %swap3A_59 = arith.constant 0 : index
      %swap3A_60 = tpu.vector_load %arg12[%swap3A_58, %swap3A_59] {strides = array<i32>} : memref<80x128xf32, #tpu.memory_space<vmem>>, vector<16xf32>,
      tpu.vector_store %arg12[%swap3A_58, %swap3A_59], %broadcast_in_dim3A_1 {strides = array<i32>} : memref<80x128xf32, #tpu.memory_space<vmem>>, vector<16xf32>,
      %swap3A_61 = arith.index_cast %add3A_57 : i32 to index
      %swap3A_62 = arith.constant 16 : index
      %swap3A_63 = tpu.vector_load %arg12[%swap3A_61, %swap3A_62] {strides = array<i32>} : memref<80x128xf32, #tpu.memory_space<vmem>>, vector<16xf32>,
      tpu.vector_store %arg12[%swap3A_61, %swap3A_62], %broadcast_in_dim3A_1 {strides = array<i32>} : memref<80x128xf32, #tpu.memory_space<vmem>>, vector<16xf32>,
      %swap3A_64 = arith.index_cast %add3A_57 : i32 to index
      %swap3A_65 = arith.constant 32 : index
      %swap3A_66 = tpu.vector_load %arg12[%swap3A_64, %swap3A_65] {strides = array<i32>} : memref<80x128xf32, #tpu.memory_space<vmem>>, vector<16xf32>,
      tpu.vector_store %arg12[%swap3A_64, %swap3A_65], %broadcast_in_dim3A_1 {strides = array<i32>} : memref<80x128xf32, #tpu.memory_space<vmem>>, vector<16xf32>,
      %swap3A_67 = arith.index_cast %add3A_57 : i32 to index
      %swap3A_68 = arith.constant 48 : index
      %swap3A_69 = tpu.vector_load %arg12[%swap3A_67, %swap3A_68] {strides = array<i32>} : memref<80x128xf32, #tpu.memory_space<vmem>>, vector<16xf32>,
      tpu.vector_store %arg12[%swap3A_67, %swap3A_68], %broadcast_in_dim3A_1 {strides = array<i32>} : memref<80x128xf32, #tpu.memory_space<vmem>>, vector<16xf32>,
      %swap3A_70 = arith.index_cast %add3A_57 : i32 to index
      %swap3A_71 = arith.constant 64 : index
      %swap3A_72 = tpu.vector_load %arg12[%swap3A_70, %swap3A_71] {strides = array<i32>} : memref<80x128xf32, #tpu.memory_space<vmem>>, vector<16xf32>,
      tpu.vector_store %arg12[%swap3A_70, %swap3A_71], %broadcast_in_dim3A_1 {strides = array<i32>} : memref<80x128xf32, #tpu.memory_space<vmem>>, vector<16xf32>,
      %swap3A_73 = arith.index_cast %add3A_57 : i32 to index
      %swap3A_74 = arith.constant 80 : index
      %swap3A_75 = tpu.vector_load %arg12[%swap3A_73, %swap3A_74] {strides = array<i32>} : memref<80x128xf32, #tpu.memory_space<vmem>>, vector<16xf32>,
      tpu.vector_store %arg12[%swap3A_73, %swap3A_74], %broadcast_in_dim3A_1 {strides = array<i32>} : memref<80x128xf32, #tpu.memory_space<vmem>>, vector<16xf32>,
      %swap3A_76 = arith.index_cast %add3A_57 : i32 to index
      %swap3A_77 = arith.constant 96 : index
      %swap3A_78 = tpu.vector_load %arg12[%swap3A_76, %swap3A_77] {strides = array<i32>} : memref<80x128xf32, #tpu.memory_space<vmem>>, vector<16xf32>,
      tpu.vector_store %arg12[%swap3A_76, %swap3A_77], %broadcast_in_dim3A_1 {strides = array<i32>} : memref<80x128xf32, #tpu.memory_space<vmem>>, vector<16xf32>,
      %swap3A_79 = arith.index_cast %add3A_57 : i32 to index
      %swap3A_80 = arith.constant 112 : index
      %swap3A_81 = tpu.vector_load %arg12[%swap3A_79, %swap3A_80] {strides = array<i32>} : memref<80x128xf32, #tpu.memory_space<vmem>>, vector<16xf32>,
      tpu.vector_store %arg12[%swap3A_79, %swap3A_80], %broadcast_in_dim3A_1 {strides = array<i32>} : memref<80x128xf32, #tpu.memory_space<vmem>>, vector<16xf32>,
    }
    %scan3A_5 = arith.constant 80 : i32
    %iota3A = tpu.iota {dimensions = array<i32: 0>} : vector<16xi32>
    %add3A_6 = arith.constant 0 : i32
    %add3A_7 = vector.broadcast %add3A_6 : i32 to vector<16xi32>
    %add3A_8 = arith.addi %iota3A, %add3A_7 : vector<16xi32>
    %swap3A = arith.constant 0 : index
    %swap3A_9 = tpu.vector_load %arg13[%swap3A] {strides = array<i32>} : memref<80xi32, #tpu.memory_space<vmem>>, vector<16xi32>,
    tpu.vector_store %arg13[%swap3A], %add3A_8 {strides = array<i32>} : memref<80xi32, #tpu.memory_space<vmem>>, vector<16xi32>,
    %iota3A_10 = tpu.iota {dimensions = array<i32: 0>} : vector<16xi32>
    %add3A_11 = arith.constant 16 : i32
    %add3A_12 = vector.broadcast %add3A_11 : i32 to vector<16xi32>
    %add3A_13 = arith.addi %iota3A_10, %add3A_12 : vector<16xi32>
    %swap3A_14 = arith.constant 16 : index
    %swap3A_15 = tpu.vector_load %arg13[%swap3A_14] {strides = array<i32>} : memref<80xi32, #tpu.memory_space<vmem>>, vector<16xi32>,
    tpu.vector_store %arg13[%swap3A_14], %add3A_13 {strides = array<i32>} : memref<80xi32, #tpu.memory_space<vmem>>, vector<16xi32>,
    %iota3A_16 = tpu.iota {dimensions = array<i32: 0>} : vector<16xi32>
    %add3A_17 = arith.constant 32 : i32
    %add3A_18 = vector.broadcast %add3A_17 : i32 to vector<16xi32>
    %add3A_19 = arith.addi %iota3A_16, %add3A_18 : vector<16xi32>
    %swap3A_20 = arith.constant 32 : index
    %swap3A_21 = tpu.vector_load %arg13[%swap3A_20] {strides = array<i32>} : memref<80xi32, #tpu.memory_space<vmem>>, vector<16xi32>,
    tpu.vector_store %arg13[%swap3A_20], %add3A_19 {strides = array<i32>} : memref<80xi32, #tpu.memory_space<vmem>>, vector<16xi32>,
    %iota3A_22 = tpu.iota {dimensions = array<i32: 0>} : vector<16xi32>
    %add3A_23 = arith.constant 48 : i32
    %add3A_24 = vector.broadcast %add3A_23 : i32 to vector<16xi32>
    %add3A_25 = arith.addi %iota3A_22, %add3A_24 : vector<16xi32>
    %swap3A_26 = arith.constant 48 : index
    %swap3A_27 = tpu.vector_load %arg13[%swap3A_26] {strides = array<i32>} : memref<80xi32, #tpu.memory_space<vmem>>, vector<16xi32>,
    tpu.vector_store %arg13[%swap3A_26], %add3A_25 {strides = array<i32>} : memref<80xi32, #tpu.memory_space<vmem>>, vector<16xi32>,
    %iota3A_28 = tpu.iota {dimensions = array<i32: 0>} : vector<16xi32>
    %add3A_29 = arith.constant 64 : i32
    %add3A_30 = vector.broadcast %add3A_29 : i32 to vector<16xi32>
    %add3A_31 = arith.addi %iota3A_28, %add3A_30 : vector<16xi32>
    %swap3A_32 = arith.constant 64 : index
    %swap3A_33 = tpu.vector_load %arg13[%swap3A_32] {strides = array<i32>} : memref<80xi32, #tpu.memory_space<vmem>>, vector<16xi32>,
    tpu.vector_store %arg13[%swap3A_32], %add3A_31 {strides = array<i32>} : memref<80xi32, #tpu.memory_space<vmem>>, vector<16xi32>,
    %eq3A = arith.constant 0 : i32
    %eq3A_34 = arith.cmpi eq, %arg1, %eq3A : i32
    %convert_element_type3A = arith.extui %eq3A_34 : i1 to i32
    %cond3A = arith.constant 0 : i32
    %cond3A_35 = arith.cmpi ne, %convert_element_type3A, %cond3A : i32
    scf.if %cond3A_35 {
      "tpu.region"() ({
        %run_scoped3A = tpu.sem_alloc : memref<!tpu.dma_semaphore, #tpu.memory_space<semaphore_mem>>
        tpu.enqueue_dma source(%arg12 : memref<80x128xf32, #tpu.memory_space<vmem>>) target(%arg7 : memref<80x128xf32, #tpu.memory_space<vmem_shared>>) target_semaphore(%run_scoped3A : memref<!tpu.dma_semaphore, #tpu.memory_space<semaphore_mem>>)
        tpu.wait_dma2 semaphore(%run_scoped3A : memref<!tpu.dma_semaphore, #tpu.memory_space<semaphore_mem>>) src(%arg12 : memref<80x128xf32, #tpu.memory_space<vmem>>) dst(%arg7 : memref<80x128xf32, #tpu.memory_space<vmem_shared>>)
        tpu.yield
      }) : () -> ()
    } else {
    }
    "tpu.region"() ({
      %run_scoped3A = tpu.sem_alloc : memref<!tpu.dma_semaphore, #tpu.memory_space<semaphore_mem>>
      tpu.enqueue_dma source(%arg4 : memref<10000xf32, #tpu.memory_space<hbm>>) target(%arg8 : memref<10000xf32, #tpu.memory_space<vmem>>) target_semaphore(%run_scoped3A : memref<!tpu.dma_semaphore, #tpu.memory_space<semaphore_mem>>)
      tpu.wait_dma2 semaphore(%run_scoped3A : memref<!tpu.dma_semaphore, #tpu.memory_space<semaphore_mem>>) src(%arg4 : memref<10000xf32, #tpu.memory_space<hbm>>) dst(%arg8 : memref<10000xf32, #tpu.memory_space<vmem>>)
      tpu.yield
    }) : () -> ()
    "tpu.region"() ({
      %run_scoped3A = tpu.sem_alloc : memref<!tpu.dma_semaphore, #tpu.memory_space<semaphore_mem>>
      tpu.enqueue_dma source(%arg5 : memref<10000xf32, #tpu.memory_space<hbm>>) target(%arg9 : memref<10000xf32, #tpu.memory_space<vmem>>) target_semaphore(%run_scoped3A : memref<!tpu.dma_semaphore, #tpu.memory_space<semaphore_mem>>)
      tpu.wait_dma2 semaphore(%run_scoped3A : memref<!tpu.dma_semaphore, #tpu.memory_space<semaphore_mem>>) src(%arg5 : memref<10000xf32, #tpu.memory_space<hbm>>) dst(%arg9 : memref<10000xf32, #tpu.memory_space<vmem>>)
      tpu.yield
    }) : () -> ()
    %barrier3A = arith.constant 0 : index
    tpu.barrier barrier_id(%barrier3A)
    %lt3A = arith.constant 8 : i32
    %lt3A_36 = arith.cmpi slt, %add3A, %lt3A : i32
    %jit3A = arith.constant 157 : i32
    %jit3A_37 = arith.constant 156 : i32
    %select_n3A = arith.select %lt3A_36, %jit3A, %jit3A_37 : i32
    %while3A = arith.constant 0 : i32
    %while3A_38 = arith.subi %select_n3A, %while3A : i32
    %while3A_39 = arith.addi %while3A, %while3A_38 : i32
    %while3A_40 = arith.constant 1 : i32
    %while3A_41 = arith.divsi %while3A_38, %while3A_40 : i32
    %while3A_42 = arith.muli %while3A_41, %while3A_40 : i32
    %while3A_43 = arith.addi %while3A, %while3A_42 : i32
    %while3A_44 = arith.constant 1 : i32
    scf.for %while3A_53 = %while3A to %while3A_43 step %while3A_44  : i32 {
      %mul3A_54 = arith.constant 32 : i32
      %mul3A_55 = arith.muli %while3A_53, %mul3A_54 : i32
      %add3A_56 = arith.addi %mul3A_55, %add3A : i32
      %mul3A_57 = arith.constant 64 : i32
      %mul3A_58 = arith.muli %add3A_56, %mul3A_57 : i32
      "tpu.region"() ({
        %run_scoped3A = tpu.sem_alloc : memref<!tpu.dma_semaphore, #tpu.memory_space<semaphore_mem>>
        %dma_start3A = tpu.memref_slice %arg2[%mul3A_58] : memref<320000xi32, #tpu.memory_space<hbm>> -> memref<64xi32, #tpu.memory_space<hbm>>
        %dma_start3A_141 = tpu.memref_slice %arg2[%mul3A_58] : memref<320000xi32, #tpu.memory_space<hbm>> -> memref<64xi32, #tpu.memory_space<hbm>>
        tpu.enqueue_dma source(%dma_start3A_141 : memref<64xi32, #tpu.memory_space<hbm>>) target(%arg10 : memref<64xi32, #tpu.memory_space<vmem>>) target_semaphore(%run_scoped3A : memref<!tpu.dma_semaphore, #tpu.memory_space<semaphore_mem>>)
        %dma_wait3A = tpu.memref_slice %arg2[%mul3A_58] : memref<320000xi32, #tpu.memory_space<hbm>> -> memref<64xi32, #tpu.memory_space<hbm>>
        %dma_wait3A_142 = tpu.memref_slice %arg2[%mul3A_58] : memref<320000xi32, #tpu.memory_space<hbm>> -> memref<64xi32, #tpu.memory_space<hbm>>
        tpu.wait_dma2 semaphore(%run_scoped3A : memref<!tpu.dma_semaphore, #tpu.memory_space<semaphore_mem>>) src(%dma_wait3A_142 : memref<64xi32, #tpu.memory_space<hbm>>) dst(%arg10 : memref<64xi32, #tpu.memory_space<vmem>>)
        tpu.yield
      }) : () -> ()
      "tpu.region"() ({
        %run_scoped3A = tpu.sem_alloc : memref<!tpu.dma_semaphore, #tpu.memory_space<semaphore_mem>>
        %dma_start3A = tpu.memref_slice %arg3[%mul3A_58] : memref<320000xi32, #tpu.memory_space<hbm>> -> memref<64xi32, #tpu.memory_space<hbm>>
        %dma_start3A_141 = tpu.memref_slice %arg3[%mul3A_58] : memref<320000xi32, #tpu.memory_space<hbm>> -> memref<64xi32, #tpu.memory_space<hbm>>
        tpu.enqueue_dma source(%dma_start3A_141 : memref<64xi32, #tpu.memory_space<hbm>>) target(%arg11 : memref<64xi32, #tpu.memory_space<vmem>>) target_semaphore(%run_scoped3A : memref<!tpu.dma_semaphore, #tpu.memory_space<semaphore_mem>>)
        %dma_wait3A = tpu.memref_slice %arg3[%mul3A_58] : memref<320000xi32, #tpu.memory_space<hbm>> -> memref<64xi32, #tpu.memory_space<hbm>>
        %dma_wait3A_142 = tpu.memref_slice %arg3[%mul3A_58] : memref<320000xi32, #tpu.memory_space<hbm>> -> memref<64xi32, #tpu.memory_space<hbm>>
        tpu.wait_dma2 semaphore(%run_scoped3A : memref<!tpu.dma_semaphore, #tpu.memory_space<semaphore_mem>>) src(%dma_wait3A_142 : memref<64xi32, #tpu.memory_space<hbm>>) dst(%arg11 : memref<64xi32, #tpu.memory_space<vmem>>)
        tpu.yield
      }) : () -> ()
      %get3A = arith.constant 0 : index
      %get3A_59 = tpu.vector_load %arg10[%get3A] {strides = array<i32>} : memref<64xi32, #tpu.memory_space<vmem>>, vector<16xi32>,
      %get3A_60 = arith.constant 0 : index
      %get3A_61 = tpu.vector_load %arg11[%get3A_60] {strides = array<i32>} : memref<64xi32, #tpu.memory_space<vmem>>, vector<16xi32>,
      %gather3A = tpu.vector_load_idx %arg8[%get3A_61] : memref<10000xf32, #tpu.memory_space<vmem>>[vector<16xi32>], vector<16xf32>,
      %gather3A_62 = tpu.vector_load_idx %arg9[%get3A_59] : memref<10000xf32, #tpu.memory_space<vmem>>[vector<16xi32>], vector<16xf32>,
      %add3A_63 = arith.addf %gather3A, %gather3A_62 : vector<16xf32>
      %mul3A_64 = arith.constant 2.000000e-01 : f32
      %mul3A_65 = vector.broadcast %mul3A_64 : f32 to vector<16xf32>
      %mul3A_66 = arith.mulf %add3A_63, %mul3A_65 : vector<16xf32>
      %max3A = arith.maximumf %add3A_63, %mul3A_66 : vector<16xf32>
      %eq3A_67 = arith.cmpi eq, %get3A_59, %get3A_61 : vector<16xi32>
      %exp3A = math.exp %max3A : vector<16xf32>
      %jit3A_68 = arith.constant 0.000000e+00 : f32
      %broadcast_in_dim3A_69 = vector.broadcast %jit3A_68 : f32 to vector<16xf32>
      %select_n3A_70 = arith.select %eq3A_67, %broadcast_in_dim3A_69, %exp3A : vector<16xi1>, vector<16xf32>
      %shift_right_logical3A = arith.constant 7 : i32
      %shift_right_logical3A_71 = vector.broadcast %shift_right_logical3A : i32 to vector<16xi32>
      %shift_right_logical3A_72 = arith.shrui %get3A_61, %shift_right_logical3A_71 : vector<16xi32>
      %and3A = arith.constant 127 : i32
      %and3A_73 = vector.broadcast %and3A : i32 to vector<16xi32>
      %and3A_74 = arith.andi %get3A_61, %and3A_73 : vector<16xi32>
      tpu.vector_store_idx %arg12[%shift_right_logical3A_72, %and3A_74], %select_n3A_70 {add = true} : memref<80x128xf32, #tpu.memory_space<vmem>>[vector<16xi32>, vector<16xi32>], vector<16xf32>,
      %get3A_75 = arith.constant 16 : index
      %get3A_76 = tpu.vector_load %arg10[%get3A_75] {strides = array<i32>} : memref<64xi32, #tpu.memory_space<vmem>>, vector<16xi32>,
      %get3A_77 = arith.constant 16 : index
      %get3A_78 = tpu.vector_load %arg11[%get3A_77] {strides = array<i32>} : memref<64xi32, #tpu.memory_space<vmem>>, vector<16xi32>,
      %gather3A_79 = tpu.vector_load_idx %arg8[%get3A_78] : memref<10000xf32, #tpu.memory_space<vmem>>[vector<16xi32>], vector<16xf32>,
      %gather3A_80 = tpu.vector_load_idx %arg9[%get3A_76] : memref<10000xf32, #tpu.memory_space<vmem>>[vector<16xi32>], vector<16xf32>,
      %add3A_81 = arith.addf %gather3A_79, %gather3A_80 : vector<16xf32>
      %mul3A_82 = arith.constant 2.000000e-01 : f32
      %mul3A_83 = vector.broadcast %mul3A_82 : f32 to vector<16xf32>
      %mul3A_84 = arith.mulf %add3A_81, %mul3A_83 : vector<16xf32>
      %max3A_85 = arith.maximumf %add3A_81, %mul3A_84 : vector<16xf32>
      %eq3A_86 = arith.cmpi eq, %get3A_76, %get3A_78 : vector<16xi32>
      %exp3A_87 = math.exp %max3A_85 : vector<16xf32>
      %jit3A_88 = arith.constant 0.000000e+00 : f32
      %broadcast_in_dim3A_89 = vector.broadcast %jit3A_88 : f32 to vector<16xf32>
      %select_n3A_90 = arith.select %eq3A_86, %broadcast_in_dim3A_89, %exp3A_87 : vector<16xi1>, vector<16xf32>
      %shift_right_logical3A_91 = arith.constant 7 : i32
      %shift_right_logical3A_92 = vector.broadcast %shift_right_logical3A_91 : i32 to vector<16xi32>
      %shift_right_logical3A_93 = arith.shrui %get3A_78, %shift_right_logical3A_92 : vector<16xi32>
      %and3A_94 = arith.constant 127 : i32
      %and3A_95 = vector.broadcast %and3A_94 : i32 to vector<16xi32>
      %and3A_96 = arith.andi %get3A_78, %and3A_95 : vector<16xi32>
      tpu.vector_store_idx %arg12[%shift_right_logical3A_93, %and3A_96], %select_n3A_90 {add = true} : memref<80x128xf32, #tpu.memory_space<vmem>>[vector<16xi32>, vector<16xi32>], vector<16xf32>,
      %get3A_97 = arith.constant 32 : index
      %get3A_98 = tpu.vector_load %arg10[%get3A_97] {strides = array<i32>} : memref<64xi32, #tpu.memory_space<vmem>>, vector<16xi32>,
      %get3A_99 = arith.constant 32 : index
      %get3A_100 = tpu.vector_load %arg11[%get3A_99] {strides = array<i32>} : memref<64xi32, #tpu.memory_space<vmem>>, vector<16xi32>,
      %gather3A_101 = tpu.vector_load_idx %arg8[%get3A_100] : memref<10000xf32, #tpu.memory_space<vmem>>[vector<16xi32>], vector<16xf32>,
      %gather3A_102 = tpu.vector_load_idx %arg9[%get3A_98] : memref<10000xf32, #tpu.memory_space<vmem>>[vector<16xi32>], vector<16xf32>,
      %add3A_103 = arith.addf %gather3A_101, %gather3A_102 : vector<16xf32>
      %mul3A_104 = arith.constant 2.000000e-01 : f32
      %mul3A_105 = vector.broadcast %mul3A_104 : f32 to vector<16xf32>
      %mul3A_106 = arith.mulf %add3A_103, %mul3A_105 : vector<16xf32>
      %max3A_107 = arith.maximumf %add3A_103, %mul3A_106 : vector<16xf32>
      %eq3A_108 = arith.cmpi eq, %get3A_98, %get3A_100 : vector<16xi32>
      %exp3A_109 = math.exp %max3A_107 : vector<16xf32>
      %jit3A_110 = arith.constant 0.000000e+00 : f32
      %broadcast_in_dim3A_111 = vector.broadcast %jit3A_110 : f32 to vector<16xf32>
      %select_n3A_112 = arith.select %eq3A_108, %broadcast_in_dim3A_111, %exp3A_109 : vector<16xi1>, vector<16xf32>
      %shift_right_logical3A_113 = arith.constant 7 : i32
      %shift_right_logical3A_114 = vector.broadcast %shift_right_logical3A_113 : i32 to vector<16xi32>
      %shift_right_logical3A_115 = arith.shrui %get3A_100, %shift_right_logical3A_114 : vector<16xi32>
      %and3A_116 = arith.constant 127 : i32
      %and3A_117 = vector.broadcast %and3A_116 : i32 to vector<16xi32>
      %and3A_118 = arith.andi %get3A_100, %and3A_117 : vector<16xi32>
      tpu.vector_store_idx %arg12[%shift_right_logical3A_115, %and3A_118], %select_n3A_112 {add = true} : memref<80x128xf32, #tpu.memory_space<vmem>>[vector<16xi32>, vector<16xi32>], vector<16xf32>,
      %get3A_119 = arith.constant 48 : index
      %get3A_120 = tpu.vector_load %arg10[%get3A_119] {strides = array<i32>} : memref<64xi32, #tpu.memory_space<vmem>>, vector<16xi32>,
      %get3A_121 = arith.constant 48 : index
      %get3A_122 = tpu.vector_load %arg11[%get3A_121] {strides = array<i32>} : memref<64xi32, #tpu.memory_space<vmem>>, vector<16xi32>,
      %gather3A_123 = tpu.vector_load_idx %arg8[%get3A_122] : memref<10000xf32, #tpu.memory_space<vmem>>[vector<16xi32>], vector<16xf32>,
      %gather3A_124 = tpu.vector_load_idx %arg9[%get3A_120] : memref<10000xf32, #tpu.memory_space<vmem>>[vector<16xi32>], vector<16xf32>,
      %add3A_125 = arith.addf %gather3A_123, %gather3A_124 : vector<16xf32>
      %mul3A_126 = arith.constant 2.000000e-01 : f32
      %mul3A_127 = vector.broadcast %mul3A_126 : f32 to vector<16xf32>
      %mul3A_128 = arith.mulf %add3A_125, %mul3A_127 : vector<16xf32>
      %max3A_129 = arith.maximumf %add3A_125, %mul3A_128 : vector<16xf32>
      %eq3A_130 = arith.cmpi eq, %get3A_120, %get3A_122 : vector<16xi32>
      %exp3A_131 = math.exp %max3A_129 : vector<16xf32>
      %jit3A_132 = arith.constant 0.000000e+00 : f32
      %broadcast_in_dim3A_133 = vector.broadcast %jit3A_132 : f32 to vector<16xf32>
      %select_n3A_134 = arith.select %eq3A_130, %broadcast_in_dim3A_133, %exp3A_131 : vector<16xi1>, vector<16xf32>
      %shift_right_logical3A_135 = arith.constant 7 : i32
      %shift_right_logical3A_136 = vector.broadcast %shift_right_logical3A_135 : i32 to vector<16xi32>
      %shift_right_logical3A_137 = arith.shrui %get3A_122, %shift_right_logical3A_136 : vector<16xi32>
      %and3A_138 = arith.constant 127 : i32
      %and3A_139 = vector.broadcast %and3A_138 : i32 to vector<16xi32>
      %and3A_140 = arith.andi %get3A_122, %and3A_139 : vector<16xi32>
      tpu.vector_store_idx %arg12[%shift_right_logical3A_137, %and3A_140], %select_n3A_134 {add = true} : memref<80x128xf32, #tpu.memory_space<vmem>>[vector<16xi32>, vector<16xi32>], vector<16xf32>,
    }
    %while3A_45 = arith.constant 1 : i32
    scf.for %while3A_53 = %while3A_43 to %while3A_39 step %while3A_45  : i32 {
      %mul3A_54 = arith.constant 32 : i32
      %mul3A_55 = arith.muli %while3A_53, %mul3A_54 : i32
      %add3A_56 = arith.addi %mul3A_55, %add3A : i32
      %mul3A_57 = arith.constant 64 : i32
      %mul3A_58 = arith.muli %add3A_56, %mul3A_57 : i32
      "tpu.region"() ({
        %run_scoped3A = tpu.sem_alloc : memref<!tpu.dma_semaphore, #tpu.memory_space<semaphore_mem>>
        %dma_start3A = tpu.memref_slice %arg2[%mul3A_58] : memref<320000xi32, #tpu.memory_space<hbm>> -> memref<64xi32, #tpu.memory_space<hbm>>
        %dma_start3A_141 = tpu.memref_slice %arg2[%mul3A_58] : memref<320000xi32, #tpu.memory_space<hbm>> -> memref<64xi32, #tpu.memory_space<hbm>>
        tpu.enqueue_dma source(%dma_start3A_141 : memref<64xi32, #tpu.memory_space<hbm>>) target(%arg10 : memref<64xi32, #tpu.memory_space<vmem>>) target_semaphore(%run_scoped3A : memref<!tpu.dma_semaphore, #tpu.memory_space<semaphore_mem>>)
        %dma_wait3A = tpu.memref_slice %arg2[%mul3A_58] : memref<320000xi32, #tpu.memory_space<hbm>> -> memref<64xi32, #tpu.memory_space<hbm>>
        %dma_wait3A_142 = tpu.memref_slice %arg2[%mul3A_58] : memref<320000xi32, #tpu.memory_space<hbm>> -> memref<64xi32, #tpu.memory_space<hbm>>
        tpu.wait_dma2 semaphore(%run_scoped3A : memref<!tpu.dma_semaphore, #tpu.memory_space<semaphore_mem>>) src(%dma_wait3A_142 : memref<64xi32, #tpu.memory_space<hbm>>) dst(%arg10 : memref<64xi32, #tpu.memory_space<vmem>>)
        tpu.yield
      }) : () -> ()
      "tpu.region"() ({
        %run_scoped3A = tpu.sem_alloc : memref<!tpu.dma_semaphore, #tpu.memory_space<semaphore_mem>>
        %dma_start3A = tpu.memref_slice %arg3[%mul3A_58] : memref<320000xi32, #tpu.memory_space<hbm>> -> memref<64xi32, #tpu.memory_space<hbm>>
        %dma_start3A_141 = tpu.memref_slice %arg3[%mul3A_58] : memref<320000xi32, #tpu.memory_space<hbm>> -> memref<64xi32, #tpu.memory_space<hbm>>
        tpu.enqueue_dma source(%dma_start3A_141 : memref<64xi32, #tpu.memory_space<hbm>>) target(%arg11 : memref<64xi32, #tpu.memory_space<vmem>>) target_semaphore(%run_scoped3A : memref<!tpu.dma_semaphore, #tpu.memory_space<semaphore_mem>>)
        %dma_wait3A = tpu.memref_slice %arg3[%mul3A_58] : memref<320000xi32, #tpu.memory_space<hbm>> -> memref<64xi32, #tpu.memory_space<hbm>>
        %dma_wait3A_142 = tpu.memref_slice %arg3[%mul3A_58] : memref<320000xi32, #tpu.memory_space<hbm>> -> memref<64xi32, #tpu.memory_space<hbm>>
        tpu.wait_dma2 semaphore(%run_scoped3A : memref<!tpu.dma_semaphore, #tpu.memory_space<semaphore_mem>>) src(%dma_wait3A_142 : memref<64xi32, #tpu.memory_space<hbm>>) dst(%arg11 : memref<64xi32, #tpu.memory_space<vmem>>)
        tpu.yield
      }) : () -> ()
      %get3A = arith.constant 0 : index
      %get3A_59 = tpu.vector_load %arg10[%get3A] {strides = array<i32>} : memref<64xi32, #tpu.memory_space<vmem>>, vector<16xi32>,
      %get3A_60 = arith.constant 0 : index
      %get3A_61 = tpu.vector_load %arg11[%get3A_60] {strides = array<i32>} : memref<64xi32, #tpu.memory_space<vmem>>, vector<16xi32>,
      %gather3A = tpu.vector_load_idx %arg8[%get3A_61] : memref<10000xf32, #tpu.memory_space<vmem>>[vector<16xi32>], vector<16xf32>,
      %gather3A_62 = tpu.vector_load_idx %arg9[%get3A_59] : memref<10000xf32, #tpu.memory_space<vmem>>[vector<16xi32>], vector<16xf32>,
      %add3A_63 = arith.addf %gather3A, %gather3A_62 : vector<16xf32>
      %mul3A_64 = arith.constant 2.000000e-01 : f32
      %mul3A_65 = vector.broadcast %mul3A_64 : f32 to vector<16xf32>
      %mul3A_66 = arith.mulf %add3A_63, %mul3A_65 : vector<16xf32>
      %max3A = arith.maximumf %add3A_63, %mul3A_66 : vector<16xf32>
      %eq3A_67 = arith.cmpi eq, %get3A_59, %get3A_61 : vector<16xi32>
      %exp3A = math.exp %max3A : vector<16xf32>
      %jit3A_68 = arith.constant 0.000000e+00 : f32
      %broadcast_in_dim3A_69 = vector.broadcast %jit3A_68 : f32 to vector<16xf32>
      %select_n3A_70 = arith.select %eq3A_67, %broadcast_in_dim3A_69, %exp3A : vector<16xi1>, vector<16xf32>
      %shift_right_logical3A = arith.constant 7 : i32
      %shift_right_logical3A_71 = vector.broadcast %shift_right_logical3A : i32 to vector<16xi32>
      %shift_right_logical3A_72 = arith.shrui %get3A_61, %shift_right_logical3A_71 : vector<16xi32>
      %and3A = arith.constant 127 : i32
      %and3A_73 = vector.broadcast %and3A : i32 to vector<16xi32>
      %and3A_74 = arith.andi %get3A_61, %and3A_73 : vector<16xi32>
      tpu.vector_store_idx %arg12[%shift_right_logical3A_72, %and3A_74], %select_n3A_70 {add = true} : memref<80x128xf32, #tpu.memory_space<vmem>>[vector<16xi32>, vector<16xi32>], vector<16xf32>,
      %get3A_75 = arith.constant 16 : index
      %get3A_76 = tpu.vector_load %arg10[%get3A_75] {strides = array<i32>} : memref<64xi32, #tpu.memory_space<vmem>>, vector<16xi32>,
      %get3A_77 = arith.constant 16 : index
      %get3A_78 = tpu.vector_load %arg11[%get3A_77] {strides = array<i32>} : memref<64xi32, #tpu.memory_space<vmem>>, vector<16xi32>,
      %gather3A_79 = tpu.vector_load_idx %arg8[%get3A_78] : memref<10000xf32, #tpu.memory_space<vmem>>[vector<16xi32>], vector<16xf32>,
      %gather3A_80 = tpu.vector_load_idx %arg9[%get3A_76] : memref<10000xf32, #tpu.memory_space<vmem>>[vector<16xi32>], vector<16xf32>,
      %add3A_81 = arith.addf %gather3A_79, %gather3A_80 : vector<16xf32>
      %mul3A_82 = arith.constant 2.000000e-01 : f32
      %mul3A_83 = vector.broadcast %mul3A_82 : f32 to vector<16xf32>
      %mul3A_84 = arith.mulf %add3A_81, %mul3A_83 : vector<16xf32>
      %max3A_85 = arith.maximumf %add3A_81, %mul3A_84 : vector<16xf32>
      %eq3A_86 = arith.cmpi eq, %get3A_76, %get3A_78 : vector<16xi32>
      %exp3A_87 = math.exp %max3A_85 : vector<16xf32>
      %jit3A_88 = arith.constant 0.000000e+00 : f32
      %broadcast_in_dim3A_89 = vector.broadcast %jit3A_88 : f32 to vector<16xf32>
      %select_n3A_90 = arith.select %eq3A_86, %broadcast_in_dim3A_89, %exp3A_87 : vector<16xi1>, vector<16xf32>
      %shift_right_logical3A_91 = arith.constant 7 : i32
      %shift_right_logical3A_92 = vector.broadcast %shift_right_logical3A_91 : i32 to vector<16xi32>
      %shift_right_logical3A_93 = arith.shrui %get3A_78, %shift_right_logical3A_92 : vector<16xi32>
      %and3A_94 = arith.constant 127 : i32
      %and3A_95 = vector.broadcast %and3A_94 : i32 to vector<16xi32>
      %and3A_96 = arith.andi %get3A_78, %and3A_95 : vector<16xi32>
      tpu.vector_store_idx %arg12[%shift_right_logical3A_93, %and3A_96], %select_n3A_90 {add = true} : memref<80x128xf32, #tpu.memory_space<vmem>>[vector<16xi32>, vector<16xi32>], vector<16xf32>,
      %get3A_97 = arith.constant 32 : index
      %get3A_98 = tpu.vector_load %arg10[%get3A_97] {strides = array<i32>} : memref<64xi32, #tpu.memory_space<vmem>>, vector<16xi32>,
      %get3A_99 = arith.constant 32 : index
      %get3A_100 = tpu.vector_load %arg11[%get3A_99] {strides = array<i32>} : memref<64xi32, #tpu.memory_space<vmem>>, vector<16xi32>,
      %gather3A_101 = tpu.vector_load_idx %arg8[%get3A_100] : memref<10000xf32, #tpu.memory_space<vmem>>[vector<16xi32>], vector<16xf32>,
      %gather3A_102 = tpu.vector_load_idx %arg9[%get3A_98] : memref<10000xf32, #tpu.memory_space<vmem>>[vector<16xi32>], vector<16xf32>,
      %add3A_103 = arith.addf %gather3A_101, %gather3A_102 : vector<16xf32>
      %mul3A_104 = arith.constant 2.000000e-01 : f32
      %mul3A_105 = vector.broadcast %mul3A_104 : f32 to vector<16xf32>
      %mul3A_106 = arith.mulf %add3A_103, %mul3A_105 : vector<16xf32>
      %max3A_107 = arith.maximumf %add3A_103, %mul3A_106 : vector<16xf32>
      %eq3A_108 = arith.cmpi eq, %get3A_98, %get3A_100 : vector<16xi32>
      %exp3A_109 = math.exp %max3A_107 : vector<16xf32>
      %jit3A_110 = arith.constant 0.000000e+00 : f32
      %broadcast_in_dim3A_111 = vector.broadcast %jit3A_110 : f32 to vector<16xf32>
      %select_n3A_112 = arith.select %eq3A_108, %broadcast_in_dim3A_111, %exp3A_109 : vector<16xi1>, vector<16xf32>
      %shift_right_logical3A_113 = arith.constant 7 : i32
      %shift_right_logical3A_114 = vector.broadcast %shift_right_logical3A_113 : i32 to vector<16xi32>
      %shift_right_logical3A_115 = arith.shrui %get3A_100, %shift_right_logical3A_114 : vector<16xi32>
      %and3A_116 = arith.constant 127 : i32
      %and3A_117 = vector.broadcast %and3A_116 : i32 to vector<16xi32>
      %and3A_118 = arith.andi %get3A_100, %and3A_117 : vector<16xi32>
      tpu.vector_store_idx %arg12[%shift_right_logical3A_115, %and3A_118], %select_n3A_112 {add = true} : memref<80x128xf32, #tpu.memory_space<vmem>>[vector<16xi32>, vector<16xi32>], vector<16xf32>,
      %get3A_119 = arith.constant 48 : index
      %get3A_120 = tpu.vector_load %arg10[%get3A_119] {strides = array<i32>} : memref<64xi32, #tpu.memory_space<vmem>>, vector<16xi32>,
      %get3A_121 = arith.constant 48 : index
      %get3A_122 = tpu.vector_load %arg11[%get3A_121] {strides = array<i32>} : memref<64xi32, #tpu.memory_space<vmem>>, vector<16xi32>,
      %gather3A_123 = tpu.vector_load_idx %arg8[%get3A_122] : memref<10000xf32, #tpu.memory_space<vmem>>[vector<16xi32>], vector<16xf32>,
      %gather3A_124 = tpu.vector_load_idx %arg9[%get3A_120] : memref<10000xf32, #tpu.memory_space<vmem>>[vector<16xi32>], vector<16xf32>,
      %add3A_125 = arith.addf %gather3A_123, %gather3A_124 : vector<16xf32>
      %mul3A_126 = arith.constant 2.000000e-01 : f32
      %mul3A_127 = vector.broadcast %mul3A_126 : f32 to vector<16xf32>
      %mul3A_128 = arith.mulf %add3A_125, %mul3A_127 : vector<16xf32>
      %max3A_129 = arith.maximumf %add3A_125, %mul3A_128 : vector<16xf32>
      %eq3A_130 = arith.cmpi eq, %get3A_120, %get3A_122 : vector<16xi32>
      %exp3A_131 = math.exp %max3A_129 : vector<16xf32>
      %jit3A_132 = arith.constant 0.000000e+00 : f32
      %broadcast_in_dim3A_133 = vector.broadcast %jit3A_132 : f32 to vector<16xf32>
      %select_n3A_134 = arith.select %eq3A_130, %broadcast_in_dim3A_133, %exp3A_131 : vector<16xi1>, vector<16xf32>
      %shift_right_logical3A_135 = arith.constant 7 : i32
      %shift_right_logical3A_136 = vector.broadcast %shift_right_logical3A_135 : i32 to vector<16xi32>
      %shift_right_logical3A_137 = arith.shrui %get3A_122, %shift_right_logical3A_136 : vector<16xi32>
      %and3A_138 = arith.constant 127 : i32
      %and3A_139 = vector.broadcast %and3A_138 : i32 to vector<16xi32>
      %and3A_140 = arith.andi %get3A_122, %and3A_139 : vector<16xi32>
      tpu.vector_store_idx %arg12[%shift_right_logical3A_137, %and3A_140], %select_n3A_134 {add = true} : memref<80x128xf32, #tpu.memory_space<vmem>>[vector<16xi32>, vector<16xi32>], vector<16xf32>,
    }
    %barrier3A_46 = arith.constant 0 : index
    tpu.barrier barrier_id(%barrier3A_46)
    "tpu.region"() ({
      %run_scoped3A = tpu.sem_alloc : memref<!tpu.dma_semaphore, #tpu.memory_space<semaphore_mem>>
      %dma_start3A = arith.constant 0 : i32
      %dma_start3A_53 = arith.constant 0 : i32
      %dma_start3A_54 = tpu.memref_slice %arg7[%dma_start3A, %dma_start3A_53] : memref<80x128xf32, #tpu.memory_space<vmem_shared>> -> memref<80x128xf32, #tpu.memory_space<vmem_shared>>
      tpu.enqueue_indirect_dma source(%arg12 : memref<80x128xf32, #tpu.memory_space<vmem>>) target(%dma_start3A_54 : memref<80x128xf32, #tpu.memory_space<vmem_shared>>) offsets(%arg13 : memref<80xi32, #tpu.memory_space<vmem>>) semaphore(%run_scoped3A : memref<!tpu.dma_semaphore, #tpu.memory_space<semaphore_mem>>) {add = true}
      %dma_wait3A = arith.constant 0 : i32
      %dma_wait3A_55 = arith.constant 0 : i32
      %dma_wait3A_56 = tpu.memref_slice %arg7[%dma_wait3A, %dma_wait3A_55] : memref<80x128xf32, #tpu.memory_space<vmem_shared>> -> memref<80x128xf32, #tpu.memory_space<vmem_shared>>
      tpu.wait_indirect_dma semaphore(%run_scoped3A : memref<!tpu.dma_semaphore, #tpu.memory_space<semaphore_mem>>) src(%arg12 : memref<80x128xf32, #tpu.memory_space<vmem>>) dst(%dma_wait3A_56 : memref<80x128xf32, #tpu.memory_space<vmem_shared>>)
      tpu.yield
    }) : () -> ()
    %barrier3A_47 = arith.constant 0 : index
    tpu.barrier barrier_id(%barrier3A_47)
    %eq3A_48 = arith.constant 0 : i32
    %eq3A_49 = arith.cmpi eq, %arg1, %eq3A_48 : i32
    %convert_element_type3A_50 = arith.extui %eq3A_49 : i1 to i32
    %cond3A_51 = arith.constant 0 : i32
    %cond3A_52 = arith.cmpi ne, %convert_element_type3A_50, %cond3A_51 : i32
    scf.if %cond3A_52 {
      "tpu.region"() ({
        %run_scoped3A = tpu.sem_alloc : memref<!tpu.dma_semaphore, #tpu.memory_space<semaphore_mem>>
        tpu.enqueue_dma source(%arg7 : memref<80x128xf32, #tpu.memory_space<vmem_shared>>) target(%arg12 : memref<80x128xf32, #tpu.memory_space<vmem>>) target_semaphore(%run_scoped3A : memref<!tpu.dma_semaphore, #tpu.memory_space<semaphore_mem>>)
        tpu.wait_dma2 semaphore(%run_scoped3A : memref<!tpu.dma_semaphore, #tpu.memory_space<semaphore_mem>>) src(%arg7 : memref<80x128xf32, #tpu.memory_space<vmem_shared>>) dst(%arg12 : memref<80x128xf32, #tpu.memory_space<vmem>>)
        tpu.yield
      }) : () -> ()
      "tpu.region"() ({
        %run_scoped3A = tpu.sem_alloc : memref<!tpu.dma_semaphore, #tpu.memory_space<semaphore_mem>>
        %dma_start3A = arith.constant 0 : i32
        %dma_start3A_53 = arith.constant 0 : i32
        %dma_start3A_54 = tpu.memref_slice %arg6[%arg0, %dma_start3A, %dma_start3A_53] : memref<2x80x128xf32, #tpu.memory_space<hbm>> -> memref<1x80x128xf32, #tpu.memory_space<hbm>>
        %dma_start3A_55 = tpu.memref_squeeze %dma_start3A_54 : memref<1x80x128xf32, #tpu.memory_space<hbm>> -> memref<80x128xf32, #tpu.memory_space<hbm>>
        %dma_start3A_56 = arith.constant 0 : i32
        %dma_start3A_57 = arith.constant 0 : i32
        %dma_start3A_58 = tpu.memref_slice %arg6[%arg0, %dma_start3A_56, %dma_start3A_57] : memref<2x80x128xf32, #tpu.memory_space<hbm>> -> memref<1x80x128xf32, #tpu.memory_space<hbm>>
        %dma_start3A_59 = tpu.memref_squeeze %dma_start3A_58 : memref<1x80x128xf32, #tpu.memory_space<hbm>> -> memref<80x128xf32, #tpu.memory_space<hbm>>
        tpu.enqueue_dma source(%arg12 : memref<80x128xf32, #tpu.memory_space<vmem>>) target(%dma_start3A_59 : memref<80x128xf32, #tpu.memory_space<hbm>>) target_semaphore(%run_scoped3A : memref<!tpu.dma_semaphore, #tpu.memory_space<semaphore_mem>>)
        %dma_wait3A = arith.constant 0 : i32
        %dma_wait3A_60 = arith.constant 0 : i32
        %dma_wait3A_61 = tpu.memref_slice %arg6[%arg0, %dma_wait3A, %dma_wait3A_60] : memref<2x80x128xf32, #tpu.memory_space<hbm>> -> memref<1x80x128xf32, #tpu.memory_space<hbm>>
        %dma_wait3A_62 = tpu.memref_squeeze %dma_wait3A_61 : memref<1x80x128xf32, #tpu.memory_space<hbm>> -> memref<80x128xf32, #tpu.memory_space<hbm>>
        %dma_wait3A_63 = arith.constant 0 : i32
        %dma_wait3A_64 = arith.constant 0 : i32
        %dma_wait3A_65 = tpu.memref_slice %arg6[%arg0, %dma_wait3A_63, %dma_wait3A_64] : memref<2x80x128xf32, #tpu.memory_space<hbm>> -> memref<1x80x128xf32, #tpu.memory_space<hbm>>
        %dma_wait3A_66 = tpu.memref_squeeze %dma_wait3A_65 : memref<1x80x128xf32, #tpu.memory_space<hbm>> -> memref<80x128xf32, #tpu.memory_space<hbm>>
        tpu.wait_dma2 semaphore(%run_scoped3A : memref<!tpu.dma_semaphore, #tpu.memory_space<semaphore_mem>>) src(%arg12 : memref<80x128xf32, #tpu.memory_space<vmem>>) dst(%dma_wait3A_66 : memref<80x128xf32, #tpu.memory_space<hbm>>)
        tpu.yield
      }) : () -> ()
    } else {
    }
    return
  }
}

module attributes {stable_mosaic.version = 14 : i64} {
  func.func @_prologue_body(%arg0: i32, %arg1: memref<1000x128xf32, #tpu.memory_space<vmem>>, %arg2: memref<1000x128xf32, #tpu.memory_space<vmem>>, %arg3: memref<128x128xf32, #tpu.memory_space<vmem>>, %arg4: memref<1x128xf32, #tpu.memory_space<vmem>>, %arg5: memref<1x128xf32, #tpu.memory_space<vmem>>, %arg6: memref<1x128xf32, #tpu.memory_space<vmem>>, %arg7: memref<1x128xf32, #tpu.memory_space<vmem>>, %arg8: memref<1000x128xf32, #tpu.memory_space<vmem>>, %arg9: memref<1000x1xf32, #tpu.memory_space<vmem>>, %arg10: memref<1000x1xf32, #tpu.memory_space<vmem>>) attributes {dimension_semantics = [#tpu.dimension_semantics<arbitrary>], iteration_bounds = array<i64: 10>, scalar_prefetch = 0 : i64, scratch_operands = 0 : i64, tpu.core_type = #tpu.core_type<tc>, window_params = [{transform_indices = @transform_0, window_bounds = array<i64: 1000, 128>}, {transform_indices = @transform_1, window_bounds = array<i64: 1000, 128>}, {pipeline_mode = #tpu.pipeline_mode<synchronous>, transform_indices = @transform_2, window_bounds = array<i64: 128, 128>}, {pipeline_mode = #tpu.pipeline_mode<synchronous>, transform_indices = @transform_3, window_bounds = array<i64: 1, 128>}, {pipeline_mode = #tpu.pipeline_mode<synchronous>, transform_indices = @transform_4, window_bounds = array<i64: 1, 128>}, {pipeline_mode = #tpu.pipeline_mode<synchronous>, transform_indices = @transform_5, window_bounds = array<i64: 1, 128>}, {pipeline_mode = #tpu.pipeline_mode<synchronous>, transform_indices = @transform_6, window_bounds = array<i64: 1, 128>}, {transform_indices = @transform_7, window_bounds = array<i64: 1000, 128>}, {transform_indices = @transform_8, window_bounds = array<i64: 1000, 1>}, {transform_indices = @transform_9, window_bounds = array<i64: 1000, 1>}]} {
    %get3A = arith.constant 0 : index
    %get3A_0 = arith.constant 0 : index
    %get3A_1 = vector.load %arg1[%get3A, %get3A_0] : memref<1000x128xf32, #tpu.memory_space<vmem>>, vector<1000x128xf32>
    %get3A_2 = arith.constant 0 : index
    %get3A_3 = arith.constant 0 : index
    %get3A_4 = vector.load %arg3[%get3A_2, %get3A_3] : memref<128x128xf32, #tpu.memory_space<vmem>>, vector<128x128xf32>
    %dot_general3A = arith.constant dense<0.000000e+00> : vector<1000x128xf32>
    %dot_general3A_5 = tpu.matmul %get3A_1, %get3A_4, %dot_general3A {dimension_numbers = #tpu.dot_dimension_numbers<[1], [0], [0], [1], [0, 0, 1, 1], [], []>, transpose_lhs_hint = false} : vector<1000x128xf32>, vector<128x128xf32>, vector<1000x128xf32> -> vector<1000x128xf32>
    %swap3A = arith.constant 0 : index
    %swap3A_6 = arith.constant 0 : index
    %swap3A_7 = vector.load %arg8[%swap3A, %swap3A_6] : memref<1000x128xf32, #tpu.memory_space<vmem>>, vector<1000x128xf32>
    tpu.vector_store %arg8[%swap3A, %swap3A_6], %dot_general3A_5 {strides = array<i32>} : memref<1000x128xf32, #tpu.memory_space<vmem>>, vector<1000x128xf32>,
    %get3A_8 = arith.constant 0 : index
    %get3A_9 = arith.constant 0 : index
    %get3A_10 = vector.load %arg2[%get3A_8, %get3A_9] : memref<1000x128xf32, #tpu.memory_space<vmem>>, vector<1000x128xf32>
    %get3A_11 = arith.constant 0 : index
    %get3A_12 = arith.constant 0 : index
    %get3A_13 = vector.load %arg4[%get3A_11, %get3A_12] : memref<1x128xf32, #tpu.memory_space<vmem>>, vector<1x128xf32>
    %mul3A = vector.broadcast %get3A_13 : vector<1x128xf32> to vector<1000x128xf32>
    %mul3A_14 = arith.mulf %dot_general3A_5, %mul3A : vector<1000x128xf32>
    %reduce_sum3A = arith.constant dense<0.000000e+00> : vector<1000xf32>
    %reduce_sum3A_15 = vector.multi_reduction <add>, %mul3A_14, %reduce_sum3A [1] : vector<1000x128xf32> to vector<1000xf32>
    %broadcast_in_dim3A = vector.shape_cast %reduce_sum3A_15 : vector<1000xf32> to vector<1000x1xf32>
    %get3A_16 = arith.constant 0 : index
    %get3A_17 = arith.constant 0 : index
    %get3A_18 = vector.load %arg5[%get3A_16, %get3A_17] : memref<1x128xf32, #tpu.memory_space<vmem>>, vector<1x128xf32>
    %mul3A_19 = vector.broadcast %get3A_18 : vector<1x128xf32> to vector<1000x128xf32>
    %mul3A_20 = arith.mulf %get3A_10, %mul3A_19 : vector<1000x128xf32>
    %reduce_sum3A_21 = arith.constant dense<0.000000e+00> : vector<1000xf32>
    %reduce_sum3A_22 = vector.multi_reduction <add>, %mul3A_20, %reduce_sum3A_21 [1] : vector<1000x128xf32> to vector<1000xf32>
    %broadcast_in_dim3A_23 = vector.shape_cast %reduce_sum3A_22 : vector<1000xf32> to vector<1000x1xf32>
    %add3A = arith.addf %broadcast_in_dim3A, %broadcast_in_dim3A_23 : vector<1000x1xf32>
    %swap3A_24 = arith.constant 0 : index
    %swap3A_25 = arith.constant 0 : index
    %swap3A_26 = vector.load %arg9[%swap3A_24, %swap3A_25] : memref<1000x1xf32, #tpu.memory_space<vmem>>, vector<1000x1xf32>
    tpu.vector_store %arg9[%swap3A_24, %swap3A_25], %add3A {strides = array<i32>} : memref<1000x1xf32, #tpu.memory_space<vmem>>, vector<1000x1xf32>,
    %get3A_27 = arith.constant 0 : index
    %get3A_28 = arith.constant 0 : index
    %get3A_29 = vector.load %arg6[%get3A_27, %get3A_28] : memref<1x128xf32, #tpu.memory_space<vmem>>, vector<1x128xf32>
    %mul3A_30 = vector.broadcast %get3A_29 : vector<1x128xf32> to vector<1000x128xf32>
    %mul3A_31 = arith.mulf %dot_general3A_5, %mul3A_30 : vector<1000x128xf32>
    %reduce_sum3A_32 = arith.constant dense<0.000000e+00> : vector<1000xf32>
    %reduce_sum3A_33 = vector.multi_reduction <add>, %mul3A_31, %reduce_sum3A_32 [1] : vector<1000x128xf32> to vector<1000xf32>
    %broadcast_in_dim3A_34 = vector.shape_cast %reduce_sum3A_33 : vector<1000xf32> to vector<1000x1xf32>
    %get3A_35 = arith.constant 0 : index
    %get3A_36 = arith.constant 0 : index
    %get3A_37 = vector.load %arg7[%get3A_35, %get3A_36] : memref<1x128xf32, #tpu.memory_space<vmem>>, vector<1x128xf32>
    %mul3A_38 = vector.broadcast %get3A_37 : vector<1x128xf32> to vector<1000x128xf32>
    %mul3A_39 = arith.mulf %get3A_10, %mul3A_38 : vector<1000x128xf32>
    %reduce_sum3A_40 = arith.constant dense<0.000000e+00> : vector<1000xf32>
    %reduce_sum3A_41 = vector.multi_reduction <add>, %mul3A_39, %reduce_sum3A_40 [1] : vector<1000x128xf32> to vector<1000xf32>
    %broadcast_in_dim3A_42 = vector.shape_cast %reduce_sum3A_41 : vector<1000xf32> to vector<1000x1xf32>
    %add3A_43 = arith.addf %broadcast_in_dim3A_34, %broadcast_in_dim3A_42 : vector<1000x1xf32>
    %swap3A_44 = arith.constant 0 : index
    %swap3A_45 = arith.constant 0 : index
    %swap3A_46 = vector.load %arg10[%swap3A_44, %swap3A_45] : memref<1000x1xf32, #tpu.memory_space<vmem>>, vector<1000x1xf32>
    tpu.vector_store %arg10[%swap3A_44, %swap3A_45], %add3A_43 {strides = array<i32>} : memref<1000x1xf32, #tpu.memory_space<vmem>>, vector<1000x1xf32>,
    return
  }
  func.func @transform_0(%arg0: i32) -> (i32, i32) {
    %c0_i32 = arith.constant 0 : i32
    %c0_i32_0 = arith.constant 0 : i32
    return %arg0, %c0_i32 : i32, i32
  }
  func.func @transform_1(%arg0: i32) -> (i32, i32) {
    %c0_i32 = arith.constant 0 : i32
    %c0_i32_0 = arith.constant 0 : i32
    return %arg0, %c0_i32 : i32, i32
  }
  func.func @transform_2(%arg0: i32) -> (i32, i32) {
    %c0_i32 = arith.constant 0 : i32
    %c0_i32_0 = arith.constant 0 : i32
    %c0_i32_1 = arith.constant 0 : i32
    return %c0_i32, %c0_i32_0 : i32, i32
  }
  func.func @transform_3(%arg0: i32) -> (i32, i32) {
    %c0_i32 = arith.constant 0 : i32
    %c0_i32_0 = arith.constant 0 : i32
    %c0_i32_1 = arith.constant 0 : i32
    return %c0_i32, %c0_i32_0 : i32, i32
  }
  func.func @transform_4(%arg0: i32) -> (i32, i32) {
    %c0_i32 = arith.constant 0 : i32
    %c0_i32_0 = arith.constant 0 : i32
    %c0_i32_1 = arith.constant 0 : i32
    return %c0_i32, %c0_i32_0 : i32, i32
  }
  func.func @transform_5(%arg0: i32) -> (i32, i32) {
    %c0_i32 = arith.constant 0 : i32
    %c0_i32_0 = arith.constant 0 : i32
    %c0_i32_1 = arith.constant 0 : i32
    return %c0_i32, %c0_i32_0 : i32, i32
  }
  func.func @transform_6(%arg0: i32) -> (i32, i32) {
    %c0_i32 = arith.constant 0 : i32
    %c0_i32_0 = arith.constant 0 : i32
    %c0_i32_1 = arith.constant 0 : i32
    return %c0_i32, %c0_i32_0 : i32, i32
  }
  func.func @transform_7(%arg0: i32) -> (i32, i32) {
    %c0_i32 = arith.constant 0 : i32
    %c0_i32_0 = arith.constant 0 : i32
    return %arg0, %c0_i32 : i32, i32
  }
  func.func @transform_8(%arg0: i32) -> (i32, i32) {
    %c0_i32 = arith.constant 0 : i32
    %c0_i32_0 = arith.constant 0 : i32
    return %arg0, %c0_i32 : i32, i32
  }
  func.func @transform_9(%arg0: i32) -> (i32, i32) {
    %c0_i32 = arith.constant 0 : i32
    %c0_i32_0 = arith.constant 0 : i32
    return %arg0, %c0_i32 : i32, i32
  }
}

module attributes {stable_mosaic.version = 14 : i64} {
  func.func @_epilogue_body(%arg0: i32, %arg1: memref<1000x128xf32, #tpu.memory_space<vmem>>, %arg2: memref<1000x1xf32, #tpu.memory_space<vmem>>, %arg3: memref<1000x1xf32, #tpu.memory_space<vmem>>, %arg4: memref<1000x128xf32, #tpu.memory_space<vmem>>, %arg5: memref<1000x128xf32, #tpu.memory_space<vmem>>, %arg6: memref<1000x1xf32, #tpu.memory_space<vmem>>, %arg7: memref<1000x1xf32, #tpu.memory_space<vmem>>, %arg8: memref<1x128xf32, #tpu.memory_space<vmem>>, %arg9: memref<1x128xf32, #tpu.memory_space<vmem>>, %arg10: memref<1x128xf32, #tpu.memory_space<vmem>>, %arg11: memref<1000x128xf32, #tpu.memory_space<vmem>>) attributes {dimension_semantics = [#tpu.dimension_semantics<arbitrary>], iteration_bounds = array<i64: 10>, scalar_prefetch = 0 : i64, scratch_operands = 0 : i64, tpu.core_type = #tpu.core_type<tc>, window_params = [{transform_indices = @transform_0, window_bounds = array<i64: 1000, 128>}, {transform_indices = @transform_1, window_bounds = array<i64: 1000, 1>}, {transform_indices = @transform_2, window_bounds = array<i64: 1000, 1>}, {transform_indices = @transform_3, window_bounds = array<i64: 1000, 128>}, {transform_indices = @transform_4, window_bounds = array<i64: 1000, 128>}, {transform_indices = @transform_5, window_bounds = array<i64: 1000, 1>}, {transform_indices = @transform_6, window_bounds = array<i64: 1000, 1>}, {pipeline_mode = #tpu.pipeline_mode<synchronous>, transform_indices = @transform_7, window_bounds = array<i64: 1, 128>}, {pipeline_mode = #tpu.pipeline_mode<synchronous>, transform_indices = @transform_8, window_bounds = array<i64: 1, 128>}, {pipeline_mode = #tpu.pipeline_mode<synchronous>, transform_indices = @transform_9, window_bounds = array<i64: 1, 128>}, {transform_indices = @transform_10, window_bounds = array<i64: 1000, 128>}]} {
    %get3A = arith.constant 0 : index
    %get3A_0 = arith.constant 0 : index
    %get3A_1 = vector.load %arg2[%get3A, %get3A_0] : memref<1000x1xf32, #tpu.memory_space<vmem>>, vector<1000x1xf32>
    %get3A_2 = arith.constant 0 : index
    %get3A_3 = arith.constant 0 : index
    %get3A_4 = vector.load %arg3[%get3A_2, %get3A_3] : memref<1000x1xf32, #tpu.memory_space<vmem>>, vector<1000x1xf32>
    %add3A = arith.addf %get3A_1, %get3A_4 : vector<1000x1xf32>
    %mul3A = arith.constant 2.000000e-01 : f32
    %mul3A_5 = vector.broadcast %mul3A : f32 to vector<1000x1xf32>
    %mul3A_6 = arith.mulf %add3A, %mul3A_5 : vector<1000x1xf32>
    %max3A = arith.maximumf %add3A, %mul3A_6 : vector<1000x1xf32>
    %exp3A = math.exp %max3A : vector<1000x1xf32>
    %get3A_7 = arith.constant 0 : index
    %get3A_8 = arith.constant 0 : index
    %get3A_9 = vector.load %arg4[%get3A_7, %get3A_8] : memref<1000x128xf32, #tpu.memory_space<vmem>>, vector<1000x128xf32>
    %get3A_10 = arith.constant 0 : index
    %get3A_11 = arith.constant 0 : index
    %get3A_12 = vector.load %arg5[%get3A_10, %get3A_11] : memref<1000x128xf32, #tpu.memory_space<vmem>>, vector<1000x128xf32>
    %add3A_13 = arith.addf %get3A_9, %get3A_12 : vector<1000x128xf32>
    %get3A_14 = arith.constant 0 : index
    %get3A_15 = arith.constant 0 : index
    %get3A_16 = vector.load %arg1[%get3A_14, %get3A_15] : memref<1000x128xf32, #tpu.memory_space<vmem>>, vector<1000x128xf32>
    %mul3A_17 = vector.broadcast %exp3A : vector<1000x1xf32> to vector<1000x128xf32>
    %mul3A_18 = arith.mulf %mul3A_17, %get3A_16 : vector<1000x128xf32>
    %add3A_19 = arith.addf %add3A_13, %mul3A_18 : vector<1000x128xf32>
    %get3A_20 = arith.constant 0 : index
    %get3A_21 = arith.constant 0 : index
    %get3A_22 = vector.load %arg6[%get3A_20, %get3A_21] : memref<1000x1xf32, #tpu.memory_space<vmem>>, vector<1000x1xf32>
    %get3A_23 = arith.constant 0 : index
    %get3A_24 = arith.constant 0 : index
    %get3A_25 = vector.load %arg7[%get3A_23, %get3A_24] : memref<1000x1xf32, #tpu.memory_space<vmem>>, vector<1000x1xf32>
    %add3A_26 = arith.addf %get3A_22, %get3A_25 : vector<1000x1xf32>
    %add3A_27 = arith.addf %add3A_26, %exp3A : vector<1000x1xf32>
    %div3A = vector.broadcast %add3A_27 : vector<1000x1xf32> to vector<1000x128xf32>
    %div3A_28 = arith.divf %add3A_19, %div3A : vector<1000x128xf32>
    %sqrt3A = arith.constant 1.000010e+00 : f32
    %sqrt3A_29 = math.sqrt %sqrt3A : f32
    %div3A_30 = arith.constant 1.000000e+00 : f32
    %div3A_31 = arith.divf %div3A_30, %sqrt3A_29 : f32
    %get3A_32 = arith.constant 0 : index
    %get3A_33 = arith.constant 0 : index
    %get3A_34 = vector.load %arg8[%get3A_32, %get3A_33] : memref<1x128xf32, #tpu.memory_space<vmem>>, vector<1x128xf32>
    %add3A_35 = vector.broadcast %get3A_34 : vector<1x128xf32> to vector<1000x128xf32>
    %add3A_36 = arith.addf %div3A_28, %add3A_35 : vector<1000x128xf32>
    %mul3A_37 = vector.broadcast %div3A_31 : f32 to vector<1000x128xf32>
    %mul3A_38 = arith.mulf %add3A_36, %mul3A_37 : vector<1000x128xf32>
    %get3A_39 = arith.constant 0 : index
    %get3A_40 = arith.constant 0 : index
    %get3A_41 = vector.load %arg9[%get3A_39, %get3A_40] : memref<1x128xf32, #tpu.memory_space<vmem>>, vector<1x128xf32>
    %mul3A_42 = vector.broadcast %get3A_41 : vector<1x128xf32> to vector<1000x128xf32>
    %mul3A_43 = arith.mulf %mul3A_38, %mul3A_42 : vector<1000x128xf32>
    %get3A_44 = arith.constant 0 : index
    %get3A_45 = arith.constant 0 : index
    %get3A_46 = vector.load %arg10[%get3A_44, %get3A_45] : memref<1x128xf32, #tpu.memory_space<vmem>>, vector<1x128xf32>
    %add3A_47 = vector.broadcast %get3A_46 : vector<1x128xf32> to vector<1000x128xf32>
    %add3A_48 = arith.addf %mul3A_43, %add3A_47 : vector<1000x128xf32>
    %max3A_49 = arith.constant 0.000000e+00 : f32
    %max3A_50 = vector.broadcast %max3A_49 : f32 to vector<1000x128xf32>
    %max3A_51 = arith.maximumf %add3A_48, %max3A_50 : vector<1000x128xf32>
    %swap3A = arith.constant 0 : index
    %swap3A_52 = arith.constant 0 : index
    %swap3A_53 = vector.load %arg11[%swap3A, %swap3A_52] : memref<1000x128xf32, #tpu.memory_space<vmem>>, vector<1000x128xf32>
    tpu.vector_store %arg11[%swap3A, %swap3A_52], %max3A_51 {strides = array<i32>} : memref<1000x128xf32, #tpu.memory_space<vmem>>, vector<1000x128xf32>,
    return
  }
  func.func @transform_0(%arg0: i32) -> (i32, i32) {
    %c0_i32 = arith.constant 0 : i32
    %c0_i32_0 = arith.constant 0 : i32
    return %arg0, %c0_i32 : i32, i32
  }
  func.func @transform_1(%arg0: i32) -> (i32, i32) {
    %c0_i32 = arith.constant 0 : i32
    %c0_i32_0 = arith.constant 0 : i32
    return %arg0, %c0_i32 : i32, i32
  }
  func.func @transform_2(%arg0: i32) -> (i32, i32) {
    %c0_i32 = arith.constant 0 : i32
    %c0_i32_0 = arith.constant 0 : i32
    return %arg0, %c0_i32 : i32, i32
  }
  func.func @transform_3(%arg0: i32) -> (i32, i32) {
    %c0_i32 = arith.constant 0 : i32
    %c0_i32_0 = arith.constant 0 : i32
    return %arg0, %c0_i32 : i32, i32
  }
  func.func @transform_4(%arg0: i32) -> (i32, i32) {
    %c0_i32 = arith.constant 0 : i32
    %c0_i32_0 = arith.constant 0 : i32
    return %arg0, %c0_i32 : i32, i32
  }
  func.func @transform_5(%arg0: i32) -> (i32, i32) {
    %c0_i32 = arith.constant 0 : i32
    %c0_i32_0 = arith.constant 0 : i32
    return %arg0, %c0_i32 : i32, i32
  }
  func.func @transform_6(%arg0: i32) -> (i32, i32) {
    %c0_i32 = arith.constant 0 : i32
    %c0_i32_0 = arith.constant 0 : i32
    return %arg0, %c0_i32 : i32, i32
  }
  func.func @transform_7(%arg0: i32) -> (i32, i32) {
    %c0_i32 = arith.constant 0 : i32
    %c0_i32_0 = arith.constant 0 : i32
    %c0_i32_1 = arith.constant 0 : i32
    return %c0_i32, %c0_i32_0 : i32, i32
  }
  func.func @transform_8(%arg0: i32) -> (i32, i32) {
    %c0_i32 = arith.constant 0 : i32
    %c0_i32_0 = arith.constant 0 : i32
    %c0_i32_1 = arith.constant 0 : i32
    return %c0_i32, %c0_i32_0 : i32, i32
  }
  func.func @transform_9(%arg0: i32) -> (i32, i32) {
    %c0_i32 = arith.constant 0 : i32
    %c0_i32_0 = arith.constant 0 : i32
    %c0_i32_1 = arith.constant 0 : i32
    return %c0_i32, %c0_i32_0 : i32, i32
  }
  func.func @transform_10(%arg0: i32) -> (i32, i32) {
    %c0_i32 = arith.constant 0 : i32
    %c0_i32_0 = arith.constant 0 : i32
    return %arg0, %c0_i32 : i32, i32
  }
}

</mosaic_0001>

<sc_bundles>
// kernel: kernel.6.cloned.1.call-start
scs
__scs_entry_jumppad:
0x0: {  	(pc) =	sbr.rel $0x88, $3  }
0x1: {  	(tag) =	ssettag $0x0;
	lr =	simm.s32 $0x1  }
0x2: {  	[smem:$0x3F96] =	sst lr;
	_ =	strace $0xD0000000  }
0x3: {  	_ = 	snop  }
0x4: {  	_ = 	snop  }
0x5: {  	_ = 	snop  }
0x6: {  	_ = 	snop  }
0x7: {  	_ = 	snop  }
__scs_overlays_trampoline_lowered:
0x8: {  	[smem:$0x3FA5] =	sst s0  }
0x9: {  	[smem:$0x3FA6] =	sst s1  }
0xa: {  	[smem:$0x3FA7] =	sst s2  }
0xb: {  	[smem:$0x3FA8] =	sst s3  }
0xc: {  	[smem:$0x3FA9] =	sst s4  }
0xd: {  	[smem:$0x3FAA] =	sst s5  }
0xe: {  	[smem:$0x3FAB] =	sst s6  }
0xf: {  	[smem:$0x3FAC] =	sst s7  }
0x10: {  	[smem:$0x3FAD] =	sst s8  }
0x11: {  	[smem:$0x3FAE] =	sst s9;
	s0 =	simm.s32 @!p0 $0x0  }
0x12: {  	s1 =	sld [smem:$0x3F94];
	s0 =	simm.s32 @p0 $0x1  }
0x13: {  	[smem:$0x3FAF] =	sst s0;
	s0 =	simm.s32 @!p1 $0x0  }
0x14: {  	s2 =	sld [smem:$0x3F93];
	s0 =	simm.s32 @p1 $0x1  }
0x15: {  	[smem:$0x3FB0] =	sst s0;
	s0 =	simm.s32 @!p2 $0x0  }
0x16: {  	s3 =	sld [smem:$0x3FDB];
	s0 =	simm.s32 @p2 $0x1  }
0x17: {  	s4 =	simm.s32 $0x1BF5;
	[smem:$0x3FB2] =	sst s0  }
0x18: {  	s0 =	sld [smem:$0x3F95];
	_ =	swait.ge [sflag:s4], $0x0  }
0x19: {  	s7 =	sld [smem:$0x3F96]  }
0x1a: {  	s8 =	sadd.s32 $0xFFFFE003, lr  }
0x1b: {  	s9 =	sadd.s32 $0xFFFFFEF7, lr;
	s5 =	simm.s32 $0xFFFFFFFF;
	p2 =	slt.u32 s8, $0xFFFFF086  }
0x1c: {  	p1 =	slt.u32 s9, $0xF7A;
	s5 =	simm.s32 @!p2 $0x0  }
0x1d: {  	s5 =	simm.s32 @p1 $0x1;
	p0 =	seq.s32 s7, s2  }
0x1e: {  	s7 =	smul.u32 @!p0 $0xF7A, s2;
	p2 =	seq.s32 @!p0 s5, $0x0  }
0x1f: {  	s9 =	smul.u32 $0xF7A, s1;
	s8 =	simm.s32 @!p0 $0x1BF5;
	p2 =	por !p2, p0  }
0x20: {  	[sflag:s8] =	ssyncset.s32 @!p0 $0xFFFFF086;
	s6 =	sadd.s32 @!p0 s3, s7;
	s7 =	simm.s32 @!p0 $0x108  }
0x21: {  	s3 =	sadd.s32 s3, s9;
	s6 =	sadd.s32 @!p0 $0x88, s6;
	s7 =	simm.s32 @p2 $0x1082  }
0x22: {  	[simem:s7], [sflag:s8] =	dma.local @!p0 [hbm:s6], $0xF7A  }
0x23: {  	s9 =	sor.u32 $0xD0000000, s2;
	s6 =	simm.s32 $0x108;
	_ =	swait.ge @!p0 [sflag:s8], $0x0  }
0x24: {  	s3 =	sadd.s32 $0x88, s3;
	s6 =	simm.s32 @!p1 $0x1082;
	[sflag:s4] =	ssyncset.s32 $0xFFFFF086  }
0x25: {  	[simem:s6], [sflag:s4] =	dma.local [hbm:s3], $0xF7A  }
0x26: {  	[smem:$0x3F96] =	sst s1;
	(tag) =	ssettag s2;
	_ =	strace s9  }
0x27: {  	s1 =	sld [smem:$0x3FA6]  }
0x28: {  	s2 =	sld [smem:$0x3FA7]  }
0x29: {  	s4 =	sld [smem:$0x3FA9]  }
0x2a: {  	p0 =	seq.s32 s5, $0x0;
	s5 =	sld [smem:$0x3FAA]  }
0x2b: {  	s6 =	sld [smem:$0x3FAB]  }
0x2c: {  	s7 =	sld [smem:$0x3FAC]  }
0x2d: {  	s3 =	simm.s32 $0x108;
	s8 =	sld [smem:$0x3FAD]  }
0x2e: {  	s3 =	simm.s32 @!p0 $0x1082;
	s9 =	sld [smem:$0x3FAE]  }
0x2f: {  	lr =	sadd.s32 s0, s3;
	s0 =	sld [smem:$0x3FA5]  }
0x30: {  	s3 =	sld [smem:$0x3FA8]  }
0x31: {  	[smem:$0x3FB1] =	sst s10  }
0x32: {  	s10 =	sld [smem:$0x3FAF];
	_ =	sdelay $0x3  }
0x33: {  	p0 =	seq.s32 s10, $0x1;
	s10 =	sld [smem:$0x3FB1];
	_ =	sdelay $0x3  }
0x34: {  	[smem:$0x3FB1] =	sst s10  }
0x35: {  	s10 =	sld [smem:$0x3FB0];
	_ =	sdelay $0x3  }
0x36: {  	p1 =	seq.s32 s10, $0x1;
	s10 =	sld [smem:$0x3FB1];
	_ =	sdelay $0x3  }
0x37: {  	[smem:$0x3FB1] =	sst s10  }
0x38: {  	s10 =	sld [smem:$0x3FB2]  }
0x39: {  	_ = 	snop;
	(pc) =	sbr.ind lr, $3  }
0x3a: {  	_ = 	snop  }
0x3b: {  	_ = 	snop  }
0x3c: {  	p2 =	seq.s32 s10, $0x1;
	s10 =	sld [smem:$0x3FB1]  }
0x3d: {  	_ =	shalt  }
0x3e: {  	_ =	shalt  }
0x3f: {  	_ =	shalt  }
0x40: {  	_ =	shalt  }
0x41: {  	_ =	shalt  }
0x42: {  	_ =	shalt  }
0x43: {  	_ =	shalt  }
0x44: {  	_ =	shalt  }
0x45: {  	_ =	shalt  }
0x46: {  	_ =	shalt  }
0x47: {  	_ =	shalt  }
0x48: {  	_ =	shalt  }
0x49: {  	_ =	shalt  }
0x4a: {  	_ =	shalt  }
0x4b: {  	_ =	shalt  }
0x4c: {  	_ =	shalt  }
0x4d: {  	_ =	shalt  }
0x4e: {  	_ =	shalt  }
0x4f: {  	_ =	shalt  }
0x50: {  	_ =	shalt  }
0x51: {  	_ =	shalt  }
0x52: {  	_ =	shalt  }
0x53: {  	_ =	shalt  }
0x54: {  	_ =	shalt  }
0x55: {  	_ =	shalt  }
0x56: {  	_ =	shalt  }
0x57: {  	_ =	shalt  }
0x58: {  	_ =	shalt  }
0x59: {  	_ =	shalt  }
0x5a: {  	_ =	shalt  }
0x5b: {  	_ =	shalt  }
0x5c: {  	_ =	shalt  }
0x5d: {  	_ =	shalt  }
0x5e: {  	_ =	shalt  }
0x5f: {  	_ =	shalt  }
0x60: {  	_ =	shalt  }
0x61: {  	_ =	shalt  }
0x62: {  	_ =	shalt  }
0x63: {  	_ =	shalt  }
0x64: {  	_ =	shalt  }
0x65: {  	_ =	shalt  }
0x66: {  	_ =	shalt  }
0x67: {  	_ =	shalt  }
0x68: {  	_ =	shalt  }
0x69: {  	_ =	shalt  }
0x6a: {  	_ =	shalt  }
0x6b: {  	_ =	shalt  }
0x6c: {  	_ =	shalt  }
0x6d: {  	_ =	shalt  }
0x6e: {  	_ =	shalt  }
0x6f: {  	_ =	shalt  }
0x70: {  	_ =	shalt  }
0x71: {  	_ =	shalt  }
0x72: {  	_ =	shalt  }
0x73: {  	_ =	shalt  }
0x74: {  	_ =	shalt  }
0x75: {  	_ =	shalt  }
0x76: {  	_ =	shalt  }
0x77: {  	_ =	shalt  }
0x78: {  	_ =	shalt  }
0x79: {  	_ =	shalt  }
0x7a: {  	_ =	shalt  }
0x7b: {  	_ =	shalt  }
0x7c: {  	_ =	shalt  }
0x7d: {  	_ =	shalt  }
0x7e: {  	_ =	shalt  }
0x7f: {  	_ =	shalt  }
0x80: {  	_ =	shalt  }
0x81: {  	_ =	shalt  }
0x82: {  	_ =	shalt  }
0x83: {  	_ =	shalt  }
0x84: {  	_ =	shalt  }
0x85: {  	_ =	shalt  }
0x86: {  	_ =	shalt  }
0x87: {  	_ =	shalt  }
.Lfunc_end0:
.L_simem_size_0:
called_computation_lowered:
.L_overlay_start_0:
0x88: {  	s2 =	sld [smem:$0x3FD9]  }
0x89: {  	s3 =	sld [smem:$0x3FFE];
	_ =	sdelay $0x1  }
0x8a: {  	s1 =	srdreg.scid  }
0x8b: {  	s0 =	sand.u32 $0x1, s1  }
0x8c: {  	s17 =	sshll.u32 s0, $0xA;
	s2 =	sadd.s32 s3, s2  }
0x8d: {  	s2 =	sadd.s32 s2, s17  }
0x8e: {  	[smem:$0x3FBD] =	sst s2  }
0x8f: {  	_ = 	snop  }
0x90: {  	s18 =	sld [smem:$0x3FD0];
	(tm) =	ssettm $0x1  }
0x91: {  	s19 =	sld [smem:$0x3FFB];
	_ =	sdelay $0x3  }
0x92: {  	_ =	strace s19  }
0x93: {  	s2 =	sld [smem:$0x3FFC];
	_ =	sdelay $0x3  }
0x94: {  	_ =	strace s2  }
0x95: {  	s2 =	sld [smem:$0x3FFD];
	_ =	sdelay $0x3  }
0x96: {  	_ =	strace s2  }
0x97: {  	_ =	strace $0x8FFFFFFF  }
0x98: {  	s20 =	sld [smem:$0x3FDB];
	_ =	sdelay $0x1  }
0x99: {  	s4 =	simm.s32 $_scs_section_size  }
0x9a: {  	s5 =	simm.s32 $_size__tile_overlayer_lowered;
	s6 =	simm.s32 $_tile_overlayer_lowered  }
0x9b: {  	s7 =	simm.s32 $0x1BFF;
	s21 =	sshll.u32 s6, $0x1;
	s4 =	sadd.s32 s4, s20  }
0x9c: {  	s22 =	simm.s32 $0x0;
	s5 =	sshll.u32 s5, $0x1;
	s6 =	sadd.s32 s21, s4  }
0x9d: {  	[timem:s22], [sflag:s7] =	dma.local [hbm:s6], s5  }
0x9e: {  	_ =	swait.ge [sflag:s7], s5  }
0x9f: {  	s5 =	ssub.s32 $0x0, s5;
	[sflag:s7] =	ssyncset.done $0x0  }
0xa0: {  	[sflag:s7] =	ssyncadd.s32 s5;
	_ =	sdelay $0x1  }
0xa1: {  	s23 =	simm.s32 $0x1B8B  }
0xa2: {  	_ =	swait.ge [sflag:s23], $0x1  }
0xa3: {  	[sflag:s23] =	ssyncset.done $0x0  }
0xa4: {  	[sflag:s23] =	ssyncadd.s32 $0xFFFFFFFF  }
0xa5: {  	s5 =	sld [smem:$0x0]  }
0xa6: {  	s6 =	sand.u32 $0xFFFFFFFE, s1  }
0xa7: {  	p0 =	sne.s32 s1, s6  }
0xa8: {  	s6 =	sshll.u32 @p0 s6, $0xE  }
0xa9: {  	s6 =	sadd.s32 @p0 $0x11B8D, s6;
	s7 =	sshll.u32 @p0 s5, $0x11  }
0xaa: {  	s6 =	sor.u32 @p0 s7, s6  }
0xab: {  	[sflag:s6] =	ssyncadd.remote.s32 @p0 $0x1;
	_ =	sdelay $0x1  }
0xac: {  	s6 =	simm.s32 @p0 $0x1B8D  }
0xad: {  	_ =	swait.eq @p0 [sflag:s6], $0x1  }
0xae: {  	[sflag:s6] =	ssyncadd.s32 @p0 $0xFFFFFFFF  }
0xaf: {  	s7 =	sshll.u32 @!p0 s1, $0xE  }
0xb0: {  	s7 =	sor.u32 @!p0 $0x4000, s7;
	s6 =	simm.s32 @!p0 $0x1B8D  }
0xb1: {  	s5 =	sshll.u32 @!p0 s5, $0x11;
	s7 =	sadd.s32 @!p0 $0x11B8D, s7;
	_ =	swait.eq @!p0 [sflag:s6], $0x1  }
0xb2: {  	s5 =	sor.u32 @!p0 s5, s7;
	[sflag:s6] =	ssyncadd.s32 @!p0 $0xFFFFFFFF  }
0xb3: {  	s25 =	simm.s32 $0x1B8E;
	s24 =	sld [smem:$0x3FFE];
	[sflag:s5] =	ssyncadd.remote.s32 @!p0 $0x1  }
0xb4: {  	s26 =	simm.s32 $execute0_lowered;
	[smem:$0x3FD2] =	sst s25  }
0xb5: {  	s6 =	sshll.u32 s26, $0x1;
	_ =	strace $0x80000049;
	[dreg:$0x1] =	wrdreg $0xFFFFFFFF  }
0xb6: {  	s28 =	simm.s32 $_size_execute0_lowered;
	s4 =	sadd.s32 s4, s6;
	[dreg:$0x0] =	wrdreg $0x0  }
0xb7: {  	s6 =	sshll.u32 s28, $0x1;
	[dreg:$0x2] =	wrdreg s4  }
0xb8: {  	[dreg:$0x3] =	wrdreg s6  }
0xb9: {  	[dreg:$0x4] =	wrdreg $0xC0  }
0xba: {  	_ =	task [dreg:s22], $0x5FFFF  }
0xbb: {  	[dreg:$0x1] =	wrdreg $0xFFFFFFFF  }
0xbc: {  	[dreg:$0x0] =	wrdreg $0x60  }
0xbd: {  	[dreg:$0x2] =	wrdreg s18  }
0xbe: {  	[dreg:$0x3] =	wrdreg s24  }
0xbf: {  	[dreg:$0x4] =	wrdreg $0x0  }
0xc0: {  	[dreg:$0x5] =	wrdreg $0x9  }
0xc1: {  	_ =	task.clear_ibuf [dreg:s22], $0x6FFFF;
	_ =	strace $0x90000049  }
0xc2: {  	s29 =	simm.s32 $0x9;
	_ =	strace $0x8000004B  }
0xc3: {  	_ =	swait.ge [sflag:s29], $0x1  }
0xc4: {  	[sflag:s29] =	ssyncadd.s32 $0xFFFFFFFF  }
0xc5: {  	_ =	strace $0x9000004B  }
0xc6: {  	_ =	sfence  }
0xc7: {  	s30 =	sld [smem:$0x0];
	_ =	sdelay $0x2  }
0xc8: {  	s31 =	sshll.u32 s1, $0xD;
	s1 =	sshrl.u32 s1, $0x2  }
0xc9: {  	s4 =	sand.u32 $0x4000, s31;
	s1 =	sadd.s32 s1, s30  }
0xca: {  	s0 =	sor.u32 s4, s0;
	s1 =	sshll.u32 s1, $0x11  }
0xcb: {  	s0 =	sor.u32 s1, s0  }
0xcc: {  	s0 =	sadd.s32 $0x8F2B, s0  }
0xcd: {  	[sflag:s0] =	ssyncadd.remote.s32 $0x1  }
0xce: {  	_ =	sfence.sel $0xFFFF  }
0xcf: {  	[dreg:$0x0] =	wrdreg $0xFFFFFFFF;
	(pc) =	sbr.abs _section_cstart, $3  }
0xd0: {  	[dreg:$0x1] =	wrdreg $0xFFFFFFFF  }
0xd1: {  	_ =	task.clear_ibuf [dreg:s22], $0x2FFFF;
	_ =	strace $0x9FFFFFFF  }
0xd2: {  	(tm) =	ssettm $0x7FFFFFFF  }
0xd3: {  	_ =	shalt  }
tec
execute0_lowered:
.L_overlay_start_1:
0x0: {  	(tag) =	ssettag $0x1  }
0x1: {  	s1 =	rddreg [dreg:$0x0];
	s0 =	srdreg.scid  }
0x2: {  	s4 =	rddreg [dreg:$0x1];
	s20 =	stileid.u32;
	s2 =	simm.s32 $0x0  }
0x3: {  	s29 =	simm.s32 $0x9D;
	s3 =	sand.u32 $0x1, s0;
	s5 =	smul.u32 $0x13800, s20  }
0x4: {  	[smem:$0x7FF] =	sst s2;
	s7 =	sadd.s32 $0x16800, s4;
	s14 =	sshll.u32 s20, $0x7  }
0x5: {  	p0 =	slt.u32 s20, $0x4;
	s0 =	ssub.s32 $0x2, s3;
	s13 =	smul.u32 $0x138800, s3  }
0x6: {  	s3 =	sshll.u32 s3, $0x6;
	s29 =	simm.s32 @!p0 $0x9C;
	p0 =	sne.s32 s20, $0xF  }
0x7: {  	s6 =	sshrl.u32 s0, $0x1;
	s8 =	sadd.s32 $0x4000, s5;
	s9 =	sadd.s32 $0x6000, s5  }
0x8: {  	s10 =	sadd.s32 $0x8000, s5;
	s11 =	sadd.s32 $0xA000, s5;
	s12 =	sadd.s32 $0xC000, s5  }
0x9: {  	s15 =	sadd.s32 $0xE000, s5;
	s18 =	sadd.s32 $0x10000, s5;
	s19 =	sadd.s32 $0x12000, s5  }
0xa: {  	s3 =	sor.u32 s3, s14;
	s14 =	rddreg [dreg:$0x2];
	s0 =	ssub.s32 s0, s6  }
0xb: {  	s6 =	sadd.s32 $0x2000, s5;
	s5 =	sadd.s32 s5, s13;
	s24 =	sadd.s32 s13, s8  }
0xc: {  	s26 =	sadd.s32 s13, s9;
	s17 =	sadd.s32 s13, s10;
	s8 =	sadd.s32 s8, s14  }
0xd: {  	s28 =	sadd.s32 s15, s14;
	s30 =	sadd.s32 s18, s14;
	s31 =	sadd.s32 s19, s14  }
0xe: {  	s5 =	sshrl.u32 s5, $0x3;
	s22 =	sadd.s32 s13, s6;
	s25 =	sshrl.u32 s24, $0x3  }
0xf: {  	s16 =	sshrl.u32 s26, $0x3;
	s21 =	sshrl.u32 s17, $0x3;
	s24 =	sadd.s32 s13, s12  }
0x10: {  	s26 =	sadd.s32 s13, s15;
	s17 =	sadd.s32 s13, s18;
	s0 =	smax.u32 s0, $0x1  }
0x11: {  	s15 =	simm.s32 $0x1;
	s18 =	simm.s32 $0x1C880;
	s5 =	sadd.s32 s7, s5  }
0x12: {  	s23 =	sshrl.u32 s22, $0x3;
	s22 =	sadd.s32 s13, s11;
	[dreg:$0x4] =	wrdreg s5  }
0x13: {  	s5 =	sadd.s32 s7, s23;
	s23 =	sshrl.u32 s22, $0x3;
	s22 =	sadd.s32 s13, s19  }
0x14: {  	s13 =	sshrl.u32 s13, $0x3;
	s19 =	simm.s32 $0x0;
	[dreg:$0x5] =	wrdreg s5  }
0x15: {  	s5 =	sadd.s32 s7, s25;
	s25 =	sshrl.u32 s24, $0x3;
	s24 =	sadd.s32 s7, s13  }
0x16: {  	s13 =	sadd.s32 s9, s14;
	[dreg:$0x6] =	wrdreg s5;
	s5 =	sadd.s32 s7, s16  }
0x17: {  	s16 =	sshrl.u32 s26, $0x3;
	[dreg:$0x7] =	wrdreg s5;
	s5 =	sadd.s32 s7, s21  }
0x18: {  	s26 =	sadd.s32 $0x1600, s4;
	[dreg:$0x8] =	wrdreg s5;
	s5 =	sadd.s32 s7, s23  }
0x19: {  	s21 =	sshrl.u32 s17, $0x3;
	[dreg:$0x9] =	wrdreg s5;
	s5 =	sadd.s32 s7, s25  }
0x1a: {  	s23 =	sshrl.u32 s22, $0x3;
	[dreg:$0xa] =	wrdreg s5;
	s5 =	sadd.s32 s7, s16  }
0x1b: {  	s16 =	smul.u32 $0x4E000, s20;
	[dreg:$0xb] =	wrdreg s5;
	s5 =	sadd.s32 s7, s21  }
0x1c: {  	s17 =	sadd.s32 $0x2200, s4;
	[dreg:$0xc] =	wrdreg s5;
	s5 =	sadd.s32 s7, s23  }
0x1d: {  	s25 =	sshrl.u32 s16, $0x2;
	s16 =	sadd.s32 $0xC000, s4;
	[dreg:$0xd] =	wrdreg s5  }
0x1e: {  	s4 =	sadd.s32 $0x1C00, s4;
	_ =	strace $0x8000004A;
	[dreg:$0xe] =	wrdreg s26  }
0x1f: {  	s9 =	simm.s32 $0x18780;
	s24 =	sadd.s32 $0x27000, s24;
	[dreg:$0xf] =	wrdreg s4  }
0x20: {  	s22 =	sadd.s32 s6, s14;
	s6 =	simm.s32 $0x2;
	[dreg:$0x10] =	wrdreg s8  }
0x21: {  	s23 =	sadd.s32 s10, s14;
	s7 =	simm.s32 $0x13880;
	[dreg:$0x11] =	wrdreg s13  }
0x22: {  	s10 =	simm.s32 $0x18800;
	s21 =	sadd.s32 s25, s14;
	[dreg:$0x12] =	wrdreg s23  }
0x23: {  	s25 =	sadd.s32 s11, s14;
	s5 =	simm.s32 $0x1A880;
	[dreg:$0x13] =	wrdreg s24  }
0x24: {  	s11 =	simm.s32 $0x40;
	s26 =	sadd.s32 s12, s14;
	[dreg:$0x14] =	wrdreg s0  }
0x25: {  	v0 =	vimm.f32 $0.0e+00;
	s4 =	sadd.s32 $0x138000, s14;
	s8 =	simm.s32 $0x16000;
	s13 =	simm.s32 $0x18880  }
.LBB2_1:
0x26: {  	s0 =	simm.s32 $0x0;
	s12 =	simm.s32 $0x200  }
.LBB2_2:
0x27: {  	p1 =	sne.s32 s12, $0x7E00;
	[tilespmem:s0+$0x1A8F0] =	vst v0  }
0x28: {  	[tilespmem:s0+$0x1A880] =	vst v0  }
0x29: {  	[tilespmem:s0+$0x1A890] =	vst v0  }
.Ltmp0:
0x2a: {  	[tilespmem:s0+$0x1A8A0] =	vst v0;
	(pc) =	sbr.rel @p1 .LBB2_2-.Ltmp0, $4  }
0x2b: {  	[tilespmem:s0+$0x1A8B0] =	vst v0  }
0x2c: {  	[tilespmem:s0+$0x1A8C0] =	vst v0  }
0x2d: {  	[tilespmem:s0+$0x1A8D0] =	vst v0  }
0x2e: {  	[tilespmem:s0+$0x1A8E0] =	vst v0;
	s0 =	sshra.s32 s12, $0x2;
	s12 =	sadd.s32 $0x200, s12  }
0x2f: {  	[tilespmem:s0+$0x1A8F0] =	vst v0  }
0x30: {  	[tilespmem:s0+$0x1A880] =	vst v0  }
0x31: {  	[tilespmem:s0+$0x1A890] =	vst v0  }
0x32: {  	[tilespmem:s0+$0x1A8A0] =	vst v0  }
0x33: {  	[tilespmem:s0+$0x1A8B0] =	vst v0  }
0x34: {  	[tilespmem:s0+$0x1A8C0] =	vst v0  }
0x35: {  	[tilespmem:s0+$0x1A8D0] =	vst v0  }
0x36: {  	[tilespmem:s0+$0x1A8E0] =	vst v0  }
0x37: {  	[spmem:s21] =	stream.linear.scatter [tilespmem:s5], [sflag:$0x2], $0x2000, $0x38;
	[tilespmem:$0x1C900] =	vst v63  }
0x38: {  	_ =	swait.ge [sflag:s6], $0x2000  }
0x39: {  	[sflag:s6] =	ssyncset.done $0x0  }
0x3a: {  	[sflag:s6] =	ssyncadd.s32 $0xFFFFE000  }
0x3b: {  	[spmem:s22] =	stream.linear.scatter [tilespmem:s5], [sflag:$0x2], $0x2000, $0x38;
	[tilespmem:$0x1C900] =	vst v63  }
0x3c: {  	_ =	swait.ge [sflag:s6], $0x2000  }
0x3d: {  	[sflag:s6] =	ssyncset.done $0x0  }
0x3e: {  	s24 =	smov.u32 s22;
	s22 =	rddreg [dreg:$0x10];
	[sflag:s6] =	ssyncadd.s32 $0xFFFFE000  }
0x3f: {  	[spmem:s22] =	stream.linear.scatter [tilespmem:s5], [sflag:$0x2], $0x2000, $0x38;
	[tilespmem:$0x1C900] =	vst v63  }
0x40: {  	_ =	swait.ge [sflag:s6], $0x2000  }
0x41: {  	[sflag:s6] =	ssyncset.done $0x0  }
0x42: {  	s12 =	rddreg [dreg:$0x11];
	[sflag:s6] =	ssyncadd.s32 $0xFFFFE000  }
0x43: {  	[spmem:s12] =	stream.linear.scatter [tilespmem:s5], [sflag:$0x2], $0x2000, $0x38;
	[tilespmem:$0x1C900] =	vst v63  }
0x44: {  	_ =	swait.ge [sflag:s6], $0x2000  }
0x45: {  	[sflag:s6] =	ssyncset.done $0x0  }
0x46: {  	s20 =	rddreg [dreg:$0x12];
	[sflag:s6] =	ssyncadd.s32 $0xFFFFE000  }
0x47: {  	[spmem:s20] =	stream.linear.scatter [tilespmem:s5], [sflag:$0x2], $0x2000, $0x38;
	[tilespmem:$0x1C900] =	vst v63  }
0x48: {  	_ =	swait.ge [sflag:s6], $0x2000  }
0x49: {  	[sflag:s6] =	ssyncset.done $0x0  }
0x4a: {  	[sflag:s6] =	ssyncadd.s32 $0xFFFFE000  }
0x4b: {  	[spmem:s25] =	stream.linear.scatter [tilespmem:s5], [sflag:$0x2], $0x2000, $0x38;
	[tilespmem:$0x1C900] =	vst v63  }
0x4c: {  	_ =	swait.ge [sflag:s6], $0x2000  }
0x4d: {  	[sflag:s6] =	ssyncset.done $0x0  }
0x4e: {  	[sflag:s6] =	ssyncadd.s32 $0xFFFFE000  }
0x4f: {  	[spmem:s26] =	stream.linear.scatter [tilespmem:s5], [sflag:$0x2], $0x2000, $0x38;
	[tilespmem:$0x1C900] =	vst v63  }
0x50: {  	_ =	swait.ge [sflag:s6], $0x2000  }
0x51: {  	[sflag:s6] =	ssyncset.done $0x0  }
0x52: {  	[sflag:s6] =	ssyncadd.s32 $0xFFFFE000  }
0x53: {  	[spmem:s28] =	stream.linear.scatter [tilespmem:s5], [sflag:$0x2], $0x2000, $0x38;
	[tilespmem:$0x1C900] =	vst v63  }
0x54: {  	_ =	swait.ge [sflag:s6], $0x2000  }
0x55: {  	[sflag:s6] =	ssyncset.done $0x0  }
0x56: {  	[sflag:s6] =	ssyncadd.s32 $0xFFFFE000  }
0x57: {  	[spmem:s30] =	stream.linear.scatter [tilespmem:s5], [sflag:$0x2], $0x2000, $0x38;
	[tilespmem:$0x1C900] =	vst v63  }
0x58: {  	_ =	swait.ge [sflag:s6], $0x2000  }
0x59: {  	[sflag:s6] =	ssyncset.done $0x0  }
0x5a: {  	[sflag:s6] =	ssyncadd.s32 $0xFFFFE000  }
0x5b: {  	[spmem:s31] =	stream.linear.scatter [tilespmem:s5], [sflag:$0x2], $0x1800, $0x38;
	[tilespmem:$0x1C900] =	vst v63  }
0x5c: {  	_ =	swait.ge [sflag:s6], $0x1800  }
0x5d: {  	[sflag:s6] =	ssyncset.done $0x0  }
0x5e: {  	s0 =	simm.s32 @!p0 $0x1A880;
	[sflag:s6] =	ssyncadd.s32 $0xFFFFE800  }
0x5f: {  	[spmem:s4] =	stream.linear.scatter @!p0 [tilespmem:s0], [sflag:$0x2], $0x800, $0x38;
	[tilespmem:$0x1C900] =	vst v63  }
0x60: {  	s0 =	simm.s32 @!p0 $0x2  }
0x61: {  	_ =	swait.ge @!p0 [sflag:s0], $0x800  }
0x62: {  	s23 =	smov.u32 s21;
	[sflag:s0] =	ssyncset.done @!p0 $0x0  }
0x63: {  	s12 =	simm.s32 $0x0;
	s21 =	rddreg [dreg:$0xe];
	[sflag:s0] =	ssyncadd.s32 @!p0 $0xFFFFF800  }
0x64: {  	[tilespmem:s7], [sflag:$0x2] =	stream.linear.gather [hbm4b:s21+s12], $0x2780, $0x38;
	[tilespmem:$0x1C900] =	vst v63  }
0x65: {  	_ =	swait.ge [sflag:s6], $0x2780  }
0x66: {  	[sflag:s6] =	ssyncset.done $0x0  }
0x67: {  	s22 =	rddreg [dreg:$0xf];
	[sflag:s6] =	ssyncadd.s32 $0xFFFFD880  }
0x68: {  	[tilespmem:s8], [sflag:$0x2] =	stream.linear.gather [hbm4b:s22+s12], $0x2780, $0x38;
	[tilespmem:$0x1C900] =	vst v63  }
0x69: {  	_ =	swait.ge [sflag:s6], $0x2780  }
0x6a: {  	[sflag:s6] =	ssyncset.done $0x0  }
0x6b: {  	[sflag:s6] =	ssyncadd.s32 $0xFFFFD880  }
0x6c: {  	s0 =	simm.s32 $0x0;
	[bflag:$0x0] =	sbarrier.arrive $0xFFFF  }
.LBB2_4:
0x6d: {  	s20 =	sshll.u32 s0, $0xB  }
0x6e: {  	s20 =	sor.u32 s3, s20  }
0x6f: {  	s20 =	sshrl.u32 s20, $0x3  }
0x70: {  	s21 =	sadd.s32 s16, s20  }
0x71: {  	[tilespmem:s9], [sflag:$0x2] =	stream.linear.gather [hbm4b:s21+s12], $0x40, $0x38;
	[tilespmem:$0x1C900] =	vst v63  }
0x72: {  	_ =	swait.ge [sflag:s6], $0x40  }
0x73: {  	[sflag:s6] =	ssyncset.done $0x0  }
0x74: {  	s20 =	sadd.s32 s17, s20;
	[sflag:s6] =	ssyncadd.s32 $0xFFFFFFC0  }
0x75: {  	[tilespmem:s10], [sflag:$0x2] =	stream.linear.gather [hbm4b:s20+s12], $0x40, $0x38;
	[tilespmem:$0x1C900] =	vst v63  }
0x76: {  	_ =	swait.ge [sflag:s6], $0x40  }
0x77: {  	[sflag:s6] =	ssyncset.done $0x0  }
0x78: {  	[sflag:s6] =	ssyncadd.s32 $0xFFFFFFC0  }
0x79: {  	[tilespmem:s13], [sflag:$0x1] =	stream.indirect.gather [hbm4b:s1+s11], $0x80, s9, s11, $0xb8;
	[tilespmem:$0x1C900] =	vst v63  }
0x7a: {  	v1 =	vld [tilespmem:$0x18800]  }
0x7b: {  	v2 =	vld [tilespmem:$0x18780];
	_ =	sdelay $0x6  }
0x7c: {  	v3 =	vld.idx.msk [tilespmem:v1+s7+$0x0], $0xffff  }
0x7d: {  	v4 =	vld.idx.msk [tilespmem:v2+s8+$0x0], $0xffff;
	_ =	sdelay $0x4  }
0x7e: {  	v3 =	vadd.f32 v4, v3;
	_ =	sdelay $0x1  }
0x7f: {  	v4 =	vmul.f32 $2.000000030e-01, v3;
	_ =	sdelay $0x1  }
0x80: {  	v3 =	vmax.f32 v3, v4  }
0x81: {  	v3 =	vmul.f32 $1.442695020e+00, v3;
	_ =	sdelay $0x1  }
0x82: {  	(erf) = vpow2.f32 v3;
	_ =	sdelay $0x3  }
0x83: {  	v3 =	vld [tilespmem:$0x18810]  }
0x84: {  	v4 =	vld [tilespmem:$0x18790];
	_ =	sdelay $0x3  }
0x85: {  	vm0 =	veq.s32 v2, v1;
	v1 =	vpop (erf)  }
0x86: {  	v1 =	vsel vm0, $0x0, v1  }
0x87: {  	[tilespmem:$0x1C880] =	vst v1  }
0x88: {  	v1 =	vld.idx.msk [tilespmem:v3+s7+$0x0], $0xffff  }
0x89: {  	v2 =	vld.idx.msk [tilespmem:v4+s8+$0x0], $0xffff;
	_ =	sdelay $0x4  }
0x8a: {  	v1 =	vadd.f32 v2, v1;
	_ =	sdelay $0x1  }
0x8b: {  	v2 =	vmul.f32 $2.000000030e-01, v1;
	_ =	sdelay $0x1  }
0x8c: {  	v1 =	vmax.f32 v1, v2  }
0x8d: {  	v1 =	vmul.f32 $1.442695020e+00, v1;
	_ =	sdelay $0x1  }
0x8e: {  	(erf) = vpow2.f32 v1;
	_ =	sdelay $0x3  }
0x8f: {  	v1 =	vld [tilespmem:$0x18820]  }
0x90: {  	v2 =	vld [tilespmem:$0x187A0];
	_ =	sdelay $0x3  }
0x91: {  	vm13 =	veq.s32 v4, v3;
	v3 =	vpop (erf)  }
0x92: {  	v3 =	vsel vm13, $0x0, v3  }
0x93: {  	[tilespmem:$0x1C890] =	vst v3  }
0x94: {  	v3 =	vld.idx.msk [tilespmem:v1+s7+$0x0], $0xffff  }
0x95: {  	v4 =	vld.idx.msk [tilespmem:v2+s8+$0x0], $0xffff;
	_ =	sdelay $0x4  }
0x96: {  	v3 =	vadd.f32 v4, v3;
	_ =	sdelay $0x1  }
0x97: {  	v4 =	vmul.f32 $2.000000030e-01, v3;
	_ =	sdelay $0x1  }
0x98: {  	v3 =	vmax.f32 v3, v4  }
0x99: {  	v3 =	vmul.f32 $1.442695020e+00, v3;
	_ =	sdelay $0x1  }
0x9a: {  	(erf) = vpow2.f32 v3;
	_ =	sdelay $0x3  }
0x9b: {  	v3 =	vld [tilespmem:$0x18830]  }
0x9c: {  	v4 =	vld [tilespmem:$0x187B0];
	_ =	sdelay $0x3  }
0x9d: {  	vm14 =	veq.s32 v2, v1;
	v1 =	vpop (erf)  }
0x9e: {  	v1 =	vsel vm14, $0x0, v1  }
0x9f: {  	[tilespmem:$0x1C8A0] =	vst v1  }
0xa0: {  	v1 =	vld.idx.msk [tilespmem:v3+s7+$0x0], $0xffff  }
0xa1: {  	v2 =	vld.idx.msk [tilespmem:v4+s8+$0x0], $0xffff;
	_ =	sdelay $0x4  }
0xa2: {  	v1 =	vadd.f32 v2, v1;
	_ =	sdelay $0x1  }
0xa3: {  	v2 =	vmul.f32 $2.000000030e-01, v1;
	_ =	sdelay $0x1  }
0xa4: {  	v1 =	vmax.f32 v1, v2  }
0xa5: {  	v1 =	vmul.f32 $1.442695020e+00, v1;
	_ =	sdelay $0x1  }
0xa6: {  	(erf) = vpow2.f32 v1;
	_ =	sdelay $0x8  }
0xa7: {  	vm15 =	veq.s32 v4, v3;
	v1 =	vpop (erf)  }
0xa8: {  	v2 =	vmov s12;
	v1 =	vsel vm15, $0x0, v1  }
0xa9: {  	[tilespmem:$0x1C8B0] =	vst v1  }
0xaa: {  	_ =	swait.ge [sflag:s15], $0x2000  }
0xab: {  	[sflag:s15] =	ssyncset.done $0x0  }
0xac: {  	[sflag:s15] =	ssyncadd.s32 $0xFFFFE000  }
0xad: {  	s20 =	simm.s32 $0x188C0;
	v1 =	vld.idx.msk [tilespmem:v2+s18+$0x0], $0xffff  }
0xae: {  	v2 =	vld [tilespmem:s20+$0xFFFFFFC0];
	_ =	sdelay $0x4  }
0xaf: {  	v2 =	vmul.f32 v2, v1  }
0xb0: {  	s21 =	simm.s32 $0x1A8C0  }
0xb1: {  	[tilespmem:s21+$0xFFFFFFC0] =	vst v2  }
0xb2: {  	v2 =	vld [tilespmem:s20+$0xFFFFFFD0];
	_ =	sdelay $0x4  }
0xb3: {  	v2 =	vmul.f32 v2, v1;
	_ =	sdelay $0x1  }
0xb4: {  	[tilespmem:s21+$0xFFFFFFD0] =	vst v2  }
0xb5: {  	v2 =	vld [tilespmem:s20+$0xFFFFFFE0];
	_ =	sdelay $0x4  }
0xb6: {  	v2 =	vmul.f32 v2, v1;
	_ =	sdelay $0x1  }
0xb7: {  	[tilespmem:s21+$0xFFFFFFE0] =	vst v2  }
0xb8: {  	v2 =	vld [tilespmem:s20+$0xFFFFFFF0];
	_ =	sdelay $0x4  }
0xb9: {  	v2 =	vmul.f32 v2, v1;
	_ =	sdelay $0x1  }
0xba: {  	[tilespmem:s21+$0xFFFFFFF0] =	vst v2  }
0xbb: {  	v2 =	vld [tilespmem:s20+$0x0];
	_ =	sdelay $0x4  }
0xbc: {  	v2 =	vmul.f32 v2, v1;
	_ =	sdelay $0x1  }
0xbd: {  	[tilespmem:s21+$0x0] =	vst v2  }
0xbe: {  	v2 =	vld [tilespmem:s20+$0x10];
	_ =	sdelay $0x4  }
0xbf: {  	v2 =	vmul.f32 v2, v1;
	_ =	sdelay $0x1  }
0xc0: {  	[tilespmem:s21+$0x10] =	vst v2  }
0xc1: {  	v2 =	vld [tilespmem:s20+$0x20];
	_ =	sdelay $0x4  }
0xc2: {  	v2 =	vmul.f32 v2, v1;
	_ =	sdelay $0x1  }
0xc3: {  	[tilespmem:s21+$0x20] =	vst v2  }
0xc4: {  	v3 =	vld [tilespmem:s20+$0x30];
	_ =	sdelay $0x1  }
0xc5: {  	s22 =	simm.s32 $0x1  }
0xc6: {  	v2 =	vmov s22;
	s22 =	simm.s32 $0x2  }
.LBB2_5:
0xc7: {  	p1 =	sne.s32 s22, $0x3F  }
0xc8: {  	v1 =	vmul.f32 v3, v1;
	_ =	sdelay $0x1  }
0xc9: {  	[tilespmem:s21+$0x30] =	vst v1  }
0xca: {  	s20 =	sadd.s32 $0x80, s20;
	v1 =	vld.idx.msk [tilespmem:v2+s18+$0x0], $0xffff  }
0xcb: {  	v2 =	vld [tilespmem:s20+$0xFFFFFFC0];
	_ =	sdelay $0x4  }
0xcc: {  	v2 =	vmul.f32 v2, v1  }
0xcd: {  	s21 =	sadd.s32 $0x80, s21  }
0xce: {  	[tilespmem:s21+$0xFFFFFFC0] =	vst v2  }
0xcf: {  	v2 =	vld [tilespmem:s20+$0xFFFFFFD0];
	_ =	sdelay $0x4  }
0xd0: {  	v2 =	vmul.f32 v2, v1;
	_ =	sdelay $0x1  }
0xd1: {  	[tilespmem:s21+$0xFFFFFFD0] =	vst v2  }
0xd2: {  	v2 =	vld [tilespmem:s20+$0xFFFFFFE0];
	_ =	sdelay $0x4  }
0xd3: {  	v2 =	vmul.f32 v2, v1;
	_ =	sdelay $0x1  }
0xd4: {  	[tilespmem:s21+$0xFFFFFFE0] =	vst v2  }
0xd5: {  	v2 =	vld [tilespmem:s20+$0xFFFFFFF0];
	_ =	sdelay $0x4  }
0xd6: {  	v2 =	vmul.f32 v2, v1;
	_ =	sdelay $0x1  }
0xd7: {  	[tilespmem:s21+$0xFFFFFFF0] =	vst v2  }
0xd8: {  	v2 =	vld [tilespmem:s20+$0x0];
	_ =	sdelay $0x4  }
0xd9: {  	v2 =	vmul.f32 v2, v1;
	_ =	sdelay $0x1  }
0xda: {  	[tilespmem:s21+$0x0] =	vst v2  }
0xdb: {  	v2 =	vld [tilespmem:s20+$0x10];
	_ =	sdelay $0x4  }
0xdc: {  	v2 =	vmul.f32 v2, v1;
	_ =	sdelay $0x1  }
0xdd: {  	[tilespmem:s21+$0x10] =	vst v2  }
0xde: {  	v2 =	vld [tilespmem:s20+$0x20];
	_ =	sdelay $0x4  }
0xdf: {  	v2 =	vmul.f32 v2, v1;
	_ =	sdelay $0x1  }
.Ltmp1:
0xe0: {  	[tilespmem:s21+$0x20] =	vst v2;
	(pc) =	sbr.rel @p1 .LBB2_5-.Ltmp1, $2  }
0xe1: {  	v3 =	vld [tilespmem:s20+$0x30];
	_ =	sdelay $0x2  }
0xe2: {  	v2 =	vmov s22;
	s22 =	sadd.s32 $0x1, s22  }
0xe3: {  	_ = 	snop  }
0xe4: {  	v1 =	vmul.f32 v3, v1;
	_ =	sdelay $0x1  }
0xe5: {  	[tilespmem:s21+$0x30] =	vst v1  }
0xe6: {  	s20 =	sadd.s32 $0x80, s20;
	v1 =	vld.idx.msk [tilespmem:v2+s18+$0x0], $0xffff  }
0xe7: {  	v2 =	vld [tilespmem:s20+$0xFFFFFFC0];
	_ =	sdelay $0x4  }
0xe8: {  	v2 =	vmul.f32 v2, v1  }
0xe9: {  	s22 =	sadd.s32 $0x80, s21  }
0xea: {  	[tilespmem:s22+$0xFFFFFFC0] =	vst v2  }
0xeb: {  	v2 =	vld [tilespmem:s20+$0xFFFFFFD0];
	_ =	sdelay $0x4  }
0xec: {  	v2 =	vmul.f32 v2, v1;
	_ =	sdelay $0x1  }
0xed: {  	[tilespmem:s22+$0xFFFFFFD0] =	vst v2  }
0xee: {  	v2 =	vld [tilespmem:s20+$0xFFFFFFE0];
	_ =	sdelay $0x4  }
0xef: {  	v2 =	vmul.f32 v2, v1;
	_ =	sdelay $0x1  }
0xf0: {  	[tilespmem:s22+$0xFFFFFFE0] =	vst v2  }
0xf1: {  	v2 =	vld [tilespmem:s20+$0xFFFFFFF0];
	_ =	sdelay $0x4  }
0xf2: {  	v2 =	vmul.f32 v2, v1;
	_ =	sdelay $0x1  }
0xf3: {  	[tilespmem:s22+$0xFFFFFFF0] =	vst v2  }
0xf4: {  	v2 =	vld [tilespmem:s20+$0x0];
	_ =	sdelay $0x4  }
0xf5: {  	v2 =	vmul.f32 v2, v1;
	_ =	sdelay $0x1  }
0xf6: {  	[tilespmem:s22+$0x0] =	vst v2  }
0xf7: {  	v2 =	vld [tilespmem:s20+$0x10];
	_ =	sdelay $0x4  }
0xf8: {  	v2 =	vmul.f32 v2, v1;
	_ =	sdelay $0x1  }
0xf9: {  	[tilespmem:s22+$0x10] =	vst v2  }
0xfa: {  	v2 =	vld [tilespmem:s20+$0x20];
	_ =	sdelay $0x4  }
0xfb: {  	v2 =	vmul.f32 v2, v1;
	_ =	sdelay $0x1  }
0xfc: {  	[tilespmem:s22+$0x20] =	vst v2  }
0xfd: {  	v2 =	vld [tilespmem:s20+$0x30];
	_ =	sdelay $0x4  }
0xfe: {  	s0 =	sadd.s32 $0x1, s0;
	v1 =	vmul.f32 v2, v1  }
0xff: {  	p1 =	sne.s32 s0, s29  }
.Ltmp2:
0x100: {  	[tilespmem:s22+$0x30] =	vst v1;
	(pc) =	sbr.rel @p1 .LBB2_4-.Ltmp2, $4  }
0x101: {  	[spmem:s14] =	stream.indirect.scatter.add.f32 [tilespmem:s5], [sflag:$0x2], $0x80, s10, s11, $0xb8;
	[tilespmem:$0x1C900] =	vst v63  }
0x102: {  	_ =	swait.ge [sflag:s6], $0x2000  }
0x103: {  	[sflag:s6] =	ssyncset.done $0x0  }
0x104: {  	[sflag:s6] =	ssyncadd.s32 $0xFFFFE000  }
0x105: {  	[bflag:$0x0] =	sbarrier.arrive $0xFFFF  }
0x106: {  	[tilespmem:s5], [sflag:$0x2] =	stream.linear.gather [spmem:s23], $0x2000, $0x38;
	[tilespmem:$0x1C900] =	vst v63  }
0x107: {  	_ =	swait.ge [sflag:s6], $0x2000  }
0x108: {  	[sflag:s6] =	ssyncset.done $0x0  }
0x109: {  	s0 =	rddreg [dreg:$0x4];
	[sflag:s6] =	ssyncadd.s32 $0xFFFFE000  }
0x10a: {  	[hbm4b:s0+s2] =	stream.linear.scatter [tilespmem:s5], [sflag:$0x2], $0x2000, $0x38;
	[tilespmem:$0x1C900] =	vst v63  }
0x10b: {  	_ =	swait.ge [sflag:s6], $0x2000  }
0x10c: {  	[sflag:s6] =	ssyncset.done $0x0  }
0x10d: {  	[sflag:s6] =	ssyncadd.s32 $0xFFFFE000  }
0x10e: {  	[tilespmem:s5], [sflag:$0x2] =	stream.linear.gather [spmem:s24], $0x2000, $0x38;
	[tilespmem:$0x1C900] =	vst v63  }
0x10f: {  	_ =	swait.ge [sflag:s6], $0x2000  }
0x110: {  	[sflag:s6] =	ssyncset.done $0x0  }
0x111: {  	s22 =	smov.u32 s24;
	s24 =	rddreg [dreg:$0x5];
	[sflag:s6] =	ssyncadd.s32 $0xFFFFE000  }
0x112: {  	[hbm4b:s24+s2] =	stream.linear.scatter [tilespmem:s5], [sflag:$0x2], $0x2000, $0x38;
	[tilespmem:$0x1C900] =	vst v63  }
0x113: {  	_ =	swait.ge [sflag:s6], $0x2000  }
0x114: {  	[sflag:s6] =	ssyncset.done $0x0  }
0x115: {  	s12 =	rddreg [dreg:$0x10];
	[sflag:s6] =	ssyncadd.s32 $0xFFFFE000  }
0x116: {  	[tilespmem:s5], [sflag:$0x2] =	stream.linear.gather [spmem:s12], $0x2000, $0x38;
	[tilespmem:$0x1C900] =	vst v63  }
0x117: {  	_ =	swait.ge [sflag:s6], $0x2000  }
0x118: {  	[sflag:s6] =	ssyncset.done $0x0  }
0x119: {  	s20 =	rddreg [dreg:$0x6];
	[sflag:s6] =	ssyncadd.s32 $0xFFFFE000  }
0x11a: {  	[hbm4b:s20+s2] =	stream.linear.scatter [tilespmem:s5], [sflag:$0x2], $0x2000, $0x38;
	[tilespmem:$0x1C900] =	vst v63  }
0x11b: {  	_ =	swait.ge [sflag:s6], $0x2000  }
0x11c: {  	[sflag:s6] =	ssyncset.done $0x0  }
0x11d: {  	s21 =	smov.u32 s23;
	s23 =	rddreg [dreg:$0x11];
	[sflag:s6] =	ssyncadd.s32 $0xFFFFE000  }
0x11e: {  	[tilespmem:s5], [sflag:$0x2] =	stream.linear.gather [spmem:s23], $0x2000, $0x38;
	[tilespmem:$0x1C900] =	vst v63  }
0x11f: {  	_ =	swait.ge [sflag:s6], $0x2000  }
0x120: {  	[sflag:s6] =	ssyncset.done $0x0  }
0x121: {  	s24 =	rddreg [dreg:$0x7];
	[sflag:s6] =	ssyncadd.s32 $0xFFFFE000  }
0x122: {  	[hbm4b:s24+s2] =	stream.linear.scatter [tilespmem:s5], [sflag:$0x2], $0x2000, $0x38;
	[tilespmem:$0x1C900] =	vst v63  }
0x123: {  	_ =	swait.ge [sflag:s6], $0x2000  }
0x124: {  	[sflag:s6] =	ssyncset.done $0x0  }
0x125: {  	s12 =	rddreg [dreg:$0x12];
	[sflag:s6] =	ssyncadd.s32 $0xFFFFE000  }
0x126: {  	[tilespmem:s5], [sflag:$0x2] =	stream.linear.gather [spmem:s12], $0x2000, $0x38;
	[tilespmem:$0x1C900] =	vst v63  }
0x127: {  	_ =	swait.ge [sflag:s6], $0x2000  }
0x128: {  	[sflag:s6] =	ssyncset.done $0x0  }
0x129: {  	s20 =	rddreg [dreg:$0x8];
	[sflag:s6] =	ssyncadd.s32 $0xFFFFE000  }
0x12a: {  	[hbm4b:s20+s2] =	stream.linear.scatter [tilespmem:s5], [sflag:$0x2], $0x2000, $0x38;
	[tilespmem:$0x1C900] =	vst v63  }
0x12b: {  	_ =	swait.ge [sflag:s6], $0x2000  }
0x12c: {  	[sflag:s6] =	ssyncset.done $0x0  }
0x12d: {  	[sflag:s6] =	ssyncadd.s32 $0xFFFFE000  }
0x12e: {  	[tilespmem:s5], [sflag:$0x2] =	stream.linear.gather [spmem:s25], $0x2000, $0x38;
	[tilespmem:$0x1C900] =	vst v63  }
0x12f: {  	_ =	swait.ge [sflag:s6], $0x2000  }
0x130: {  	[sflag:s6] =	ssyncset.done $0x0  }
0x131: {  	s23 =	rddreg [dreg:$0x9];
	[sflag:s6] =	ssyncadd.s32 $0xFFFFE000  }
0x132: {  	[hbm4b:s23+s2] =	stream.linear.scatter [tilespmem:s5], [sflag:$0x2], $0x2000, $0x38;
	[tilespmem:$0x1C900] =	vst v63  }
0x133: {  	_ =	swait.ge [sflag:s6], $0x2000  }
0x134: {  	[sflag:s6] =	ssyncset.done $0x0  }
0x135: {  	[sflag:s6] =	ssyncadd.s32 $0xFFFFE000  }
0x136: {  	[tilespmem:s5], [sflag:$0x2] =	stream.linear.gather [spmem:s26], $0x2000, $0x38;
	[tilespmem:$0x1C900] =	vst v63  }
0x137: {  	_ =	swait.ge [sflag:s6], $0x2000  }
0x138: {  	[sflag:s6] =	ssyncset.done $0x0  }
0x139: {  	s24 =	rddreg [dreg:$0xa];
	[sflag:s6] =	ssyncadd.s32 $0xFFFFE000  }
0x13a: {  	[hbm4b:s24+s2] =	stream.linear.scatter [tilespmem:s5], [sflag:$0x2], $0x2000, $0x38;
	[tilespmem:$0x1C900] =	vst v63  }
0x13b: {  	_ =	swait.ge [sflag:s6], $0x2000  }
0x13c: {  	[sflag:s6] =	ssyncset.done $0x0  }
0x13d: {  	[sflag:s6] =	ssyncadd.s32 $0xFFFFE000  }
0x13e: {  	[tilespmem:s5], [sflag:$0x2] =	stream.linear.gather [spmem:s28], $0x2000, $0x38;
	[tilespmem:$0x1C900] =	vst v63  }
0x13f: {  	_ =	swait.ge [sflag:s6], $0x2000  }
0x140: {  	[sflag:s6] =	ssyncset.done $0x0  }
0x141: {  	s12 =	rddreg [dreg:$0xb];
	[sflag:s6] =	ssyncadd.s32 $0xFFFFE000  }
0x142: {  	[hbm4b:s12+s2] =	stream.linear.scatter [tilespmem:s5], [sflag:$0x2], $0x2000, $0x38;
	[tilespmem:$0x1C900] =	vst v63  }
0x143: {  	_ =	swait.ge [sflag:s6], $0x2000  }
0x144: {  	[sflag:s6] =	ssyncset.done $0x0  }
0x145: {  	[sflag:s6] =	ssyncadd.s32 $0xFFFFE000  }
0x146: {  	[tilespmem:s5], [sflag:$0x2] =	stream.linear.gather [spmem:s30], $0x2000, $0x38;
	[tilespmem:$0x1C900] =	vst v63  }
0x147: {  	_ =	swait.ge [sflag:s6], $0x2000  }
0x148: {  	[sflag:s6] =	ssyncset.done $0x0  }
0x149: {  	s20 =	rddreg [dreg:$0xc];
	[sflag:s6] =	ssyncadd.s32 $0xFFFFE000  }
0x14a: {  	[hbm4b:s20+s2] =	stream.linear.scatter [tilespmem:s5], [sflag:$0x2], $0x2000, $0x38;
	[tilespmem:$0x1C900] =	vst v63  }
0x14b: {  	_ =	swait.ge [sflag:s6], $0x2000  }
0x14c: {  	[sflag:s6] =	ssyncset.done $0x0  }
0x14d: {  	[sflag:s6] =	ssyncadd.s32 $0xFFFFE000  }
0x14e: {  	[tilespmem:s5], [sflag:$0x2] =	stream.linear.gather [spmem:s31], $0x1800, $0x38;
	[tilespmem:$0x1C900] =	vst v63  }
0x14f: {  	_ =	swait.ge [sflag:s6], $0x1800  }
0x150: {  	[sflag:s6] =	ssyncset.done $0x0  }
0x151: {  	s23 =	rddreg [dreg:$0xd];
	[sflag:s6] =	ssyncadd.s32 $0xFFFFE800  }
0x152: {  	[hbm4b:s23+s2] =	stream.linear.scatter [tilespmem:s5], [sflag:$0x2], $0x1800, $0x38;
	[tilespmem:$0x1C900] =	vst v63  }
0x153: {  	_ =	swait.ge [sflag:s6], $0x1800  }
0x154: {  	[sflag:s6] =	ssyncset.done $0x0  }
0x155: {  	s0 =	simm.s32 @!p0 $0x1A880;
	s12 =	simm.s32 @!p0 $0x2;
	[sflag:s6] =	ssyncadd.s32 $0xFFFFE800  }
0x156: {  	[tilespmem:s0], [sflag:$0x2] =	stream.linear.gather @!p0 [spmem:s4], $0x800, $0x38;
	[tilespmem:$0x1C900] =	vst v63  }
0x157: {  	_ =	swait.ge @!p0 [sflag:s12], $0x800  }
0x158: {  	[sflag:s12] =	ssyncset.done @!p0 $0x0  }
0x159: {  	s20 =	simm.s32 @!p0 $0x0;
	s23 =	rddreg [dreg:$0x13];
	[sflag:s12] =	ssyncadd.s32 @!p0 $0xFFFFF800  }
0x15a: {  	[hbm4b:s23+s20] =	stream.linear.scatter @!p0 [tilespmem:s0], [sflag:$0x2], $0x800, $0x38;
	[tilespmem:$0x1C900] =	vst v63  }
0x15b: {  	_ =	swait.ge @!p0 [sflag:s12], $0x800  }
0x15c: {  	s19 =	sadd.s32 $0x1, s19;
	s24 =	rddreg [dreg:$0x14]  }
0x15d: {  	p1 =	sne.s32 s19, s24  }
.Ltmp3:
0x15e: {  	_ = 	snop;
	(pc) =	sbr.rel @p1 .LBB2_1-.Ltmp3, $3  }
0x15f: {  	_ =	sdelay $0x1  }
0x160: {  	[sflag:s12] =	ssyncset.done @!p0 $0x0  }
0x161: {  	[sflag:s12] =	ssyncadd.s32 @!p0 $0xFFFFF800  }
0x162: {  	_ =	sfence.sel $0x180000  }
0x163: {  	[bflag:$0x0] =	sbarrier.arrive $0xFFFF  }
0x164: {  	_ =	strace $0x9000004A  }
0x165: {  	s0 =	stileid.u32;
	[bflag:$0x2] =	sbarrier.arrive $0xFFFF  }
0x166: {  	p0 =	sne.s32 s0, $0x0;
	s0 =	rddreg [dreg:$0x3]  }
0x167: {  	s0 =	sadd.s32 @!p0 $0x100000, s0  }
0x168: {  	[sflag:s0] =	ssyncadd.tile.s32 @!p0 $0x1;
	_ =	shalt  }
.Lfunc_end2:
_tile_overlayer_lowered:
.L_overlay_start_2:
0x169: {  	(tag) =	ssettag $0x2  }
0x16a: {  	s0 =	rddreg [dreg:$0x0];
	s2 =	stileid.u32  }
0x16b: {  	s1 =	rddreg [dreg:$0x1];
	p0 =	sne.s32 s2, $0x0  }
0x16c: {  	s3 =	rddreg [dreg:$0x2];
	[bflag:$0x3] =	sbarrier.arrive $0xFFFF;
	s2 =	simm.s32 @!p0 $0x1C02  }
0x16d: {  	[timem:s3], [sflag:s2] =	dma.local @!p0 [hbm:s0], s1  }
0x16e: {  	s0 =	simm.s32 @!p0 $0x2  }
0x16f: {  	_ =	swait.ge @!p0 [sflag:s0], s1  }
0x170: {  	s1 =	ssub.s32 @!p0 $0x0, s1;
	[sflag:s0] =	ssyncset.done @!p0 $0x0  }
0x171: {  	[sflag:s0] =	ssyncadd.s32 @!p0 s1  }
0x172: {  	[bflag:$0x3] =	sbarrier.arrive $0xFFFF  }
0x173: {  	_ =	shalt  }

// kernel: kernel.9.cloned.1.call-start
scs
__scs_entry_jumppad:
0x0: {  	(pc) =	sbr.rel $0x88, $3  }
0x1: {  	(tag) =	ssettag $0x0;
	lr =	simm.s32 $0x1  }
0x2: {  	[smem:$0x3F96] =	sst lr;
	_ =	strace $0xD0000000  }
0x3: {  	_ = 	snop  }
0x4: {  	_ = 	snop  }
0x5: {  	_ = 	snop  }
0x6: {  	_ = 	snop  }
0x7: {  	_ = 	snop  }
__scs_overlays_trampoline_lowered:
0x8: {  	[smem:$0x3FA5] =	sst s0  }
0x9: {  	[smem:$0x3FA6] =	sst s1  }
0xa: {  	[smem:$0x3FA7] =	sst s2  }
0xb: {  	[smem:$0x3FA8] =	sst s3  }
0xc: {  	[smem:$0x3FA9] =	sst s4  }
0xd: {  	[smem:$0x3FAA] =	sst s5  }
0xe: {  	[smem:$0x3FAB] =	sst s6  }
0xf: {  	[smem:$0x3FAC] =	sst s7  }
0x10: {  	[smem:$0x3FAD] =	sst s8  }
0x11: {  	[smem:$0x3FAE] =	sst s9;
	s0 =	simm.s32 @!p0 $0x0  }
0x12: {  	s1 =	sld [smem:$0x3F94];
	s0 =	simm.s32 @p0 $0x1  }
0x13: {  	[smem:$0x3FAF] =	sst s0;
	s0 =	simm.s32 @!p1 $0x0  }
0x14: {  	s2 =	sld [smem:$0x3F93];
	s0 =	simm.s32 @p1 $0x1  }
0x15: {  	[smem:$0x3FB0] =	sst s0;
	s0 =	simm.s32 @!p2 $0x0  }
0x16: {  	s3 =	sld [smem:$0x3FDB];
	s0 =	simm.s32 @p2 $0x1  }
0x17: {  	s4 =	simm.s32 $0x1BF5;
	[smem:$0x3FB2] =	sst s0  }
0x18: {  	s0 =	sld [smem:$0x3F95];
	_ =	swait.ge [sflag:s4], $0x0  }
0x19: {  	s7 =	sld [smem:$0x3F96]  }
0x1a: {  	s8 =	sadd.s32 $0xFFFFE003, lr  }
0x1b: {  	s9 =	sadd.s32 $0xFFFFFEF7, lr;
	s5 =	simm.s32 $0xFFFFFFFF;
	p2 =	slt.u32 s8, $0xFFFFF086  }
0x1c: {  	p1 =	slt.u32 s9, $0xF7A;
	s5 =	simm.s32 @!p2 $0x0  }
0x1d: {  	s5 =	simm.s32 @p1 $0x1;
	p0 =	seq.s32 s7, s2  }
0x1e: {  	s7 =	smul.u32 @!p0 $0xF7A, s2;
	p2 =	seq.s32 @!p0 s5, $0x0  }
0x1f: {  	s9 =	smul.u32 $0xF7A, s1;
	s8 =	simm.s32 @!p0 $0x1BF5;
	p2 =	por !p2, p0  }
0x20: {  	[sflag:s8] =	ssyncset.s32 @!p0 $0xFFFFF086;
	s6 =	sadd.s32 @!p0 s3, s7;
	s7 =	simm.s32 @!p0 $0x108  }
0x21: {  	s3 =	sadd.s32 s3, s9;
	s6 =	sadd.s32 @!p0 $0x88, s6;
	s7 =	simm.s32 @p2 $0x1082  }
0x22: {  	[simem:s7], [sflag:s8] =	dma.local @!p0 [hbm:s6], $0xF7A  }
0x23: {  	s9 =	sor.u32 $0xD0000000, s2;
	s6 =	simm.s32 $0x108;
	_ =	swait.ge @!p0 [sflag:s8], $0x0  }
0x24: {  	s3 =	sadd.s32 $0x88, s3;
	s6 =	simm.s32 @!p1 $0x1082;
	[sflag:s4] =	ssyncset.s32 $0xFFFFF086  }
0x25: {  	[simem:s6], [sflag:s4] =	dma.local [hbm:s3], $0xF7A  }
0x26: {  	[smem:$0x3F96] =	sst s1;
	(tag) =	ssettag s2;
	_ =	strace s9  }
0x27: {  	s1 =	sld [smem:$0x3FA6]  }
0x28: {  	s2 =	sld [smem:$0x3FA7]  }
0x29: {  	s4 =	sld [smem:$0x3FA9]  }
0x2a: {  	p0 =	seq.s32 s5, $0x0;
	s5 =	sld [smem:$0x3FAA]  }
0x2b: {  	s6 =	sld [smem:$0x3FAB]  }
0x2c: {  	s7 =	sld [smem:$0x3FAC]  }
0x2d: {  	s3 =	simm.s32 $0x108;
	s8 =	sld [smem:$0x3FAD]  }
0x2e: {  	s3 =	simm.s32 @!p0 $0x1082;
	s9 =	sld [smem:$0x3FAE]  }
0x2f: {  	lr =	sadd.s32 s0, s3;
	s0 =	sld [smem:$0x3FA5]  }
0x30: {  	s3 =	sld [smem:$0x3FA8]  }
0x31: {  	[smem:$0x3FB1] =	sst s10  }
0x32: {  	s10 =	sld [smem:$0x3FAF];
	_ =	sdelay $0x3  }
0x33: {  	p0 =	seq.s32 s10, $0x1;
	s10 =	sld [smem:$0x3FB1];
	_ =	sdelay $0x3  }
0x34: {  	[smem:$0x3FB1] =	sst s10  }
0x35: {  	s10 =	sld [smem:$0x3FB0];
	_ =	sdelay $0x3  }
0x36: {  	p1 =	seq.s32 s10, $0x1;
	s10 =	sld [smem:$0x3FB1];
	_ =	sdelay $0x3  }
0x37: {  	[smem:$0x3FB1] =	sst s10  }
0x38: {  	s10 =	sld [smem:$0x3FB2]  }
0x39: {  	_ = 	snop;
	(pc) =	sbr.ind lr, $3  }
0x3a: {  	_ = 	snop  }
0x3b: {  	_ = 	snop  }
0x3c: {  	p2 =	seq.s32 s10, $0x1;
	s10 =	sld [smem:$0x3FB1]  }
0x3d: {  	_ =	shalt  }
0x3e: {  	_ =	shalt  }
0x3f: {  	_ =	shalt  }
0x40: {  	_ =	shalt  }
0x41: {  	_ =	shalt  }
0x42: {  	_ =	shalt  }
0x43: {  	_ =	shalt  }
0x44: {  	_ =	shalt  }
0x45: {  	_ =	shalt  }
0x46: {  	_ =	shalt  }
0x47: {  	_ =	shalt  }
0x48: {  	_ =	shalt  }
0x49: {  	_ =	shalt  }
0x4a: {  	_ =	shalt  }
0x4b: {  	_ =	shalt  }
0x4c: {  	_ =	shalt  }
0x4d: {  	_ =	shalt  }
0x4e: {  	_ =	shalt  }
0x4f: {  	_ =	shalt  }
0x50: {  	_ =	shalt  }
0x51: {  	_ =	shalt  }
0x52: {  	_ =	shalt  }
0x53: {  	_ =	shalt  }
0x54: {  	_ =	shalt  }
0x55: {  	_ =	shalt  }
0x56: {  	_ =	shalt  }
0x57: {  	_ =	shalt  }
0x58: {  	_ =	shalt  }
0x59: {  	_ =	shalt  }
0x5a: {  	_ =	shalt  }
0x5b: {  	_ =	shalt  }
0x5c: {  	_ =	shalt  }
0x5d: {  	_ =	shalt  }
0x5e: {  	_ =	shalt  }
0x5f: {  	_ =	shalt  }
0x60: {  	_ =	shalt  }
0x61: {  	_ =	shalt  }
0x62: {  	_ =	shalt  }
0x63: {  	_ =	shalt  }
0x64: {  	_ =	shalt  }
0x65: {  	_ =	shalt  }
0x66: {  	_ =	shalt  }
0x67: {  	_ =	shalt  }
0x68: {  	_ =	shalt  }
0x69: {  	_ =	shalt  }
0x6a: {  	_ =	shalt  }
0x6b: {  	_ =	shalt  }
0x6c: {  	_ =	shalt  }
0x6d: {  	_ =	shalt  }
0x6e: {  	_ =	shalt  }
0x6f: {  	_ =	shalt  }
0x70: {  	_ =	shalt  }
0x71: {  	_ =	shalt  }
0x72: {  	_ =	shalt  }
0x73: {  	_ =	shalt  }
0x74: {  	_ =	shalt  }
0x75: {  	_ =	shalt  }
0x76: {  	_ =	shalt  }
0x77: {  	_ =	shalt  }
0x78: {  	_ =	shalt  }
0x79: {  	_ =	shalt  }
0x7a: {  	_ =	shalt  }
0x7b: {  	_ =	shalt  }
0x7c: {  	_ =	shalt  }
0x7d: {  	_ =	shalt  }
0x7e: {  	_ =	shalt  }
0x7f: {  	_ =	shalt  }
0x80: {  	_ =	shalt  }
0x81: {  	_ =	shalt  }
0x82: {  	_ =	shalt  }
0x83: {  	_ =	shalt  }
0x84: {  	_ =	shalt  }
0x85: {  	_ =	shalt  }
0x86: {  	_ =	shalt  }
0x87: {  	_ =	shalt  }
.Lfunc_end0:
.L_simem_size_0:
called_computation.1_lowered:
.L_overlay_start_0:
0x88: {  	s2 =	sld [smem:$0x3FD9]  }
0x89: {  	s3 =	sld [smem:$0x3FFE];
	_ =	sdelay $0x1  }
0x8a: {  	s1 =	srdreg.scid  }
0x8b: {  	s0 =	sand.u32 $0x1, s1  }
0x8c: {  	s16 =	sshll.u32 s0, $0xA;
	s2 =	sadd.s32 s3, s2  }
0x8d: {  	s2 =	sadd.s32 s2, s16  }
0x8e: {  	[smem:$0x3FBD] =	sst s2  }
0x8f: {  	_ = 	snop  }
0x90: {  	(tm) =	ssettm $0x1  }
0x91: {  	s17 =	sld [smem:$0x3FFB];
	_ =	sdelay $0x3  }
0x92: {  	_ =	strace s17  }
0x93: {  	s2 =	sld [smem:$0x3FFC];
	_ =	sdelay $0x3  }
0x94: {  	_ =	strace s2  }
0x95: {  	s2 =	sld [smem:$0x3FFD];
	_ =	sdelay $0x3  }
0x96: {  	_ =	strace s2  }
0x97: {  	_ =	strace $0x8FFFFFFF  }
0x98: {  	s18 =	sld [smem:$0x3FDB];
	_ =	sdelay $0x1  }
0x99: {  	s19 =	simm.s32 $_scs_section_size  }
0x9a: {  	s4 =	simm.s32 $_size__tile_overlayer_lowered;
	s5 =	simm.s32 $_tile_overlayer_lowered  }
0x9b: {  	s22 =	simm.s32 $0x1BFF;
	s21 =	sshll.u32 s5, $0x1;
	s2 =	sadd.s32 s19, s18  }
0x9c: {  	s6 =	simm.s32 $0x0;
	s20 =	sshll.u32 s4, $0x1;
	s4 =	sadd.s32 s21, s2  }
0x9d: {  	[timem:s6], [sflag:s22] =	dma.local [hbm:s4], s20  }
0x9e: {  	_ =	swait.ge [sflag:s22], s20  }
0x9f: {  	s3 =	ssub.s32 $0x0, s20;
	[sflag:s22] =	ssyncset.done $0x0  }
0xa0: {  	[sflag:s22] =	ssyncadd.s32 s3;
	_ =	sdelay $0x1  }
0xa1: {  	s23 =	simm.s32 $0x1B8B  }
0xa2: {  	_ =	swait.ge [sflag:s23], $0x1  }
0xa3: {  	[sflag:s23] =	ssyncset.done $0x0  }
0xa4: {  	s25 =	simm.s32 $0x1B8E;
	s24 =	sld [smem:$0x3FFE];
	[sflag:s23] =	ssyncadd.s32 $0xFFFFFFFF  }
0xa5: {  	s26 =	simm.s32 $execute0_lowered;
	[smem:$0x3FD2] =	sst s25  }
0xa6: {  	s4 =	sshll.u32 s26, $0x1;
	_ =	strace $0x80000046;
	[dreg:$0x1] =	wrdreg $0xFFFFFFFF  }
0xa7: {  	s28 =	simm.s32 $_size_execute0_lowered;
	s2 =	sadd.s32 s2, s4;
	[dreg:$0x0] =	wrdreg $0x0  }
0xa8: {  	s4 =	sshll.u32 s28, $0x1;
	[dreg:$0x2] =	wrdreg s2  }
0xa9: {  	[dreg:$0x3] =	wrdreg s4  }
0xaa: {  	[dreg:$0x4] =	wrdreg $0xC0  }
0xab: {  	_ =	task [dreg:s6], $0x5FFFF  }
0xac: {  	[dreg:$0x1] =	wrdreg $0xFFFFFFFF  }
0xad: {  	[dreg:$0x0] =	wrdreg $0x60  }
0xae: {  	[dreg:$0x2] =	wrdreg s24  }
0xaf: {  	[dreg:$0x3] =	wrdreg $0x0  }
0xb0: {  	[dreg:$0x4] =	wrdreg $0xA  }
0xb1: {  	_ =	task.clear_ibuf [dreg:s6], $0x5FFFF;
	_ =	strace $0x90000046  }
0xb2: {  	s29 =	simm.s32 $0xA;
	_ =	strace $0x80000048  }
0xb3: {  	_ =	swait.ge [sflag:s29], $0x1  }
0xb4: {  	[sflag:s29] =	ssyncadd.s32 $0xFFFFFFFF  }
0xb5: {  	_ =	strace $0x90000048  }
0xb6: {  	_ =	sfence  }
0xb7: {  	s30 =	sld [smem:$0x0];
	_ =	sdelay $0x2  }
0xb8: {  	s31 =	sshll.u32 s1, $0xD;
	s1 =	sshrl.u32 s1, $0x2  }
0xb9: {  	s3 =	sand.u32 $0x4000, s31;
	s1 =	sadd.s32 s1, s30  }
0xba: {  	s0 =	sor.u32 s3, s0;
	s1 =	sshll.u32 s1, $0x11  }
0xbb: {  	s0 =	sor.u32 s1, s0  }
0xbc: {  	s0 =	sadd.s32 $0x8F2B, s0  }
0xbd: {  	[sflag:s0] =	ssyncadd.remote.s32 $0x1  }
0xbe: {  	_ =	sfence.sel $0xFFFF  }
0xbf: {  	[dreg:$0x0] =	wrdreg $0xFFFFFFFF;
	(pc) =	sbr.abs _section_cstart, $3  }
0xc0: {  	[dreg:$0x1] =	wrdreg $0xFFFFFFFF  }
0xc1: {  	_ =	task.clear_ibuf [dreg:s6], $0x2FFFF;
	_ =	strace $0x9FFFFFFF  }
0xc2: {  	(tm) =	ssettm $0x7FFFFFFF  }
0xc3: {  	_ =	shalt  }
tec
execute0_lowered:
.L_overlay_start_1:
0x0: {  	(tag) =	ssettag $0x1  }
0x1: {  	s5 =	rddreg [dreg:$0x0]  }
0x2: {  	s1 =	rddreg [dreg:$0x1];
	s2 =	srdreg.scid  }
0x3: {  	s0 =	rddreg [dreg:$0x2];
	s10 =	stileid.u32  }
0x4: {  	s11 =	simm.s32 $0x1;
	s12 =	simm.s32 $0x2A00;
	s13 =	simm.s32 $0x5180  }
0x5: {  	s14 =	simm.s32 $0x5200;
	s15 =	simm.s32 $0x5280;
	s16 =	simm.s32 $0x50  }
0x6: {  	s17 =	simm.s32 $0x7A80;
	s18 =	simm.s32 $0x0;
	s4 =	sand.u32 $0x1, s2  }
0x7: {  	s2 =	simm.s32 $0x0;
	s3 =	sshll.u32 s10, $0x7;
	p0 =	slt.u32 s10, $0x4  }
0x8: {  	s6 =	sshll.u32 s4, $0x6;
	[smem:$0x7FF] =	sst s2;
	s30 =	smul.u32 $0x500, s4  }
0x9: {  	s7 =	ssub.s32 $0x2, s4;
	s4 =	sadd.s32 $0x1C00, s5;
	s3 =	sor.u32 s6, s3  }
0xa: {  	_ =	strace $0x80000047;
	s31 =	sshrl.u32 s7, $0x1;
	s3 =	sshrl.u32 s3, $0x3  }
0xb: {  	s6 =	sadd.s32 s30, s5;
	s7 =	ssub.s32 s7, s31;
	s9 =	sadd.s32 s3, s5  }
0xc: {  	v0 =	vlaneseq.u32;
	s3 =	sadd.s32 $0x1600, s5;
	s5 =	simm.s32 $0x9D;
	s6 =	sadd.s32 $0x15E00, s6  }
0xd: {  	v1 =	vimm.f32 $0.0e+00;
	v2 =	vor.u32 $0x10, v0;
	s7 =	smax.u32 s7, $0x1;
	s5 =	simm.s32 @!p0 $0x9C;
	s8 =	sadd.s32 $0x2200, s9  }
0xe: {  	v3 =	vor.u32 $0x20, v0;
	v4 =	vor.u32 $0x30, v0;
	v5 =	vor.u32 $0x40, v0;
	s9 =	sadd.s32 $0xC000, s9;
	p0 =	sne.s32 s10, $0x0;
	s10 =	simm.s32 $0x280  }
.LBB2_1:
0xf: {  	s19 =	simm.s32 $0x0;
	s20 =	simm.s32 $0x200  }
.LBB2_2:
0x10: {  	p1 =	sne.s32 s20, $0x9E00;
	[tilespmem:s19+$0x52F0] =	vst v1  }
0x11: {  	[tilespmem:s19+$0x5280] =	vst v1  }
0x12: {  	[tilespmem:s19+$0x5290] =	vst v1  }
.Ltmp0:
0x13: {  	[tilespmem:s19+$0x52A0] =	vst v1;
	(pc) =	sbr.rel @p1 .LBB2_2-.Ltmp0, $4  }
0x14: {  	[tilespmem:s19+$0x52B0] =	vst v1  }
0x15: {  	[tilespmem:s19+$0x52C0] =	vst v1  }
0x16: {  	[tilespmem:s19+$0x52D0] =	vst v1  }
0x17: {  	[tilespmem:s19+$0x52E0] =	vst v1;
	s19 =	sshra.s32 s20, $0x2;
	s20 =	sadd.s32 $0x200, s20  }
0x18: {  	[tilespmem:s19+$0x52F0] =	vst v1  }
0x19: {  	[tilespmem:s19+$0x5280] =	vst v1  }
0x1a: {  	[tilespmem:s19+$0x5290] =	vst v1  }
0x1b: {  	[tilespmem:s19+$0x52A0] =	vst v1  }
0x1c: {  	[tilespmem:s19+$0x52B0] =	vst v1  }
0x1d: {  	[tilespmem:s19+$0x52C0] =	vst v1  }
0x1e: {  	[tilespmem:s19+$0x52D0] =	vst v1  }
0x1f: {  	[tilespmem:s19+$0x52E0] =	vst v1  }
0x20: {  	[tilespmem:$0x7A80] =	vst v0  }
0x21: {  	[tilespmem:$0x7A90] =	vst v2  }
0x22: {  	[tilespmem:$0x7AA0] =	vst v3  }
0x23: {  	[tilespmem:$0x7AB0] =	vst v4  }
0x24: {  	s19 =	simm.s32 @!p0 $0x5280;
	[tilespmem:$0x7AC0] =	vst v5  }
0x25: {  	[spmem:s1] =	stream.linear.scatter @!p0 [tilespmem:s19], [sflag:$0x1], $0x2800, $0x38;
	[tilespmem:$0x7B00] =	vst v63  }
0x26: {  	s19 =	simm.s32 @!p0 $0x1  }
0x27: {  	_ =	swait.ge @!p0 [sflag:s19], $0x2800  }
0x28: {  	[sflag:s19] =	ssyncset.done @!p0 $0x0  }
0x29: {  	[sflag:s19] =	ssyncadd.s32 @!p0 $0xFFFFD800  }
0x2a: {  	[tilespmem:s10], [sflag:$0x1] =	stream.linear.gather [hbm4b:s3+s2], $0x2780, $0x38;
	[tilespmem:$0x7B00] =	vst v63  }
0x2b: {  	_ =	swait.ge [sflag:s11], $0x2780  }
0x2c: {  	[sflag:s11] =	ssyncset.done $0x0  }
0x2d: {  	[sflag:s11] =	ssyncadd.s32 $0xFFFFD880  }
0x2e: {  	[tilespmem:s12], [sflag:$0x1] =	stream.linear.gather [hbm4b:s4+s2], $0x2780, $0x38;
	[tilespmem:$0x7B00] =	vst v63  }
0x2f: {  	_ =	swait.ge [sflag:s11], $0x2780  }
0x30: {  	[sflag:s11] =	ssyncset.done $0x0  }
0x31: {  	s20 =	smov.u32 s8;
	[sflag:s11] =	ssyncadd.s32 $0xFFFFD880  }
0x32: {  	s21 =	smov.u32 s5;
	s19 =	smov.u32 s9;
	[bflag:$0x0] =	sbarrier.arrive $0xFFFF  }
.LBB2_4:
0x33: {  	[tilespmem:s13], [sflag:$0x1] =	stream.linear.gather [hbm4b:s19+s2], $0x40, $0x38;
	[tilespmem:$0x7B00] =	vst v63  }
0x34: {  	_ =	swait.ge [sflag:s11], $0x40  }
0x35: {  	[sflag:s11] =	ssyncset.done $0x0  }
0x36: {  	[sflag:s11] =	ssyncadd.s32 $0xFFFFFFC0  }
0x37: {  	[tilespmem:s14], [sflag:$0x1] =	stream.linear.gather [hbm4b:s20+s2], $0x40, $0x38;
	[tilespmem:$0x7B00] =	vst v63  }
0x38: {  	_ =	swait.ge [sflag:s11], $0x40  }
0x39: {  	[sflag:s11] =	ssyncset.done $0x0  }
0x3a: {  	[sflag:s11] =	ssyncadd.s32 $0xFFFFFFC0  }
0x3b: {  	v6 =	vld [tilespmem:$0x5200]  }
0x3c: {  	v7 =	vld [tilespmem:$0x5180];
	_ =	sdelay $0x6  }
0x3d: {  	v8 =	vld.idx.msk [tilespmem:v6+s10+$0x0], $0xffff  }
0x3e: {  	v9 =	vld.idx.msk [tilespmem:v7+s12+$0x0], $0xffff;
	_ =	sdelay $0x4  }
0x3f: {  	v8 =	vadd.f32 v9, v8;
	_ =	sdelay $0x1  }
0x40: {  	v9 =	vmul.f32 $2.000000030e-01, v8;
	_ =	sdelay $0x1  }
0x41: {  	v8 =	vmax.f32 v8, v9  }
0x42: {  	v8 =	vmul.f32 $1.442695020e+00, v8;
	_ =	sdelay $0x1  }
0x43: {  	(erf) = vpow2.f32 v8;
	_ =	sdelay $0x8  }
0x44: {  	vm0 =	veq.s32 v7, v6;
	v7 =	vpop (erf)  }
0x45: {  	v7 =	vsel vm0, $0x0, v7  }
0x46: {  	[tilespmem:v6+s15+$0x0] =	vst.idx.add.f32.msk $0xffff, v7  }
0x47: {  	v6 =	vld [tilespmem:$0x5210]  }
0x48: {  	v7 =	vld [tilespmem:$0x5190];
	_ =	sdelay $0x6  }
0x49: {  	v58 =	vld.idx.msk [tilespmem:v6+s10+$0x0], $0xffff  }
0x4a: {  	v59 =	vld.idx.msk [tilespmem:v7+s12+$0x0], $0xffff;
	_ =	sdelay $0x4  }
0x4b: {  	v8 =	vadd.f32 v59, v58;
	_ =	sdelay $0x1  }
0x4c: {  	v9 =	vmul.f32 $2.000000030e-01, v8;
	_ =	sdelay $0x1  }
0x4d: {  	v8 =	vmax.f32 v8, v9  }
0x4e: {  	v8 =	vmul.f32 $1.442695020e+00, v8;
	_ =	sdelay $0x1  }
0x4f: {  	(erf) = vpow2.f32 v8;
	_ =	sdelay $0x8  }
0x50: {  	vm13 =	veq.s32 v7, v6;
	v7 =	vpop (erf)  }
0x51: {  	v7 =	vsel vm13, $0x0, v7  }
0x52: {  	[tilespmem:v6+s15+$0x0] =	vst.idx.add.f32.msk $0xffff, v7  }
0x53: {  	v6 =	vld [tilespmem:$0x5220]  }
0x54: {  	v7 =	vld [tilespmem:$0x51A0];
	_ =	sdelay $0x6  }
0x55: {  	v60 =	vld.idx.msk [tilespmem:v6+s10+$0x0], $0xffff  }
0x56: {  	v61 =	vld.idx.msk [tilespmem:v7+s12+$0x0], $0xffff;
	_ =	sdelay $0x4  }
0x57: {  	v8 =	vadd.f32 v61, v60;
	_ =	sdelay $0x1  }
0x58: {  	v9 =	vmul.f32 $2.000000030e-01, v8;
	_ =	sdelay $0x1  }
0x59: {  	v8 =	vmax.f32 v8, v9  }
0x5a: {  	v8 =	vmul.f32 $1.442695020e+00, v8;
	_ =	sdelay $0x1  }
0x5b: {  	(erf) = vpow2.f32 v8;
	_ =	sdelay $0x8  }
0x5c: {  	vm14 =	veq.s32 v7, v6;
	v7 =	vpop (erf)  }
0x5d: {  	v7 =	vsel vm14, $0x0, v7  }
0x5e: {  	[tilespmem:v6+s15+$0x0] =	vst.idx.add.f32.msk $0xffff, v7  }
0x5f: {  	v6 =	vld [tilespmem:$0x5230]  }
0x60: {  	v7 =	vld [tilespmem:$0x51B0];
	_ =	sdelay $0x6  }
0x61: {  	v62 =	vld.idx.msk [tilespmem:v6+s10+$0x0], $0xffff  }
0x62: {  	v63 =	vld.idx.msk [tilespmem:v7+s12+$0x0], $0xffff;
	_ =	sdelay $0x4  }
0x63: {  	v8 =	vadd.f32 v63, v62;
	_ =	sdelay $0x1  }
0x64: {  	v9 =	vmul.f32 $2.000000030e-01, v8;
	_ =	sdelay $0x1  }
0x65: {  	v8 =	vmax.f32 v8, v9  }
0x66: {  	v8 =	vmul.f32 $1.442695020e+00, v8;
	_ =	sdelay $0x1  }
0x67: {  	(erf) = vpow2.f32 v8;
	_ =	sdelay $0x5  }
0x68: {  	p1 =	sne.s32 s21, $0x1  }
.Ltmp1:
0x69: {  	_ = 	snop;
	(pc) =	sbr.rel @p1 .LBB2_4-.Ltmp1, $4  }
0x6a: {  	_ = 	snop  }
0x6b: {  	vm15 =	veq.s32 v7, v6;
	v7 =	vpop (erf)  }
0x6c: {  	v7 =	vsel vm15, $0x0, v7  }
0x6d: {  	s19 =	sadd.s32 $0x100, s19;
	s21 =	sadd.s32 $0xFFFFFFFF, s21;
	s20 =	sadd.s32 $0x100, s20;
	[tilespmem:v6+s15+$0x0] =	vst.idx.add.f32.msk $0xffff, v7  }
0x6e: {  	[bflag:$0x0] =	sbarrier.arrive $0xFFFF  }
0x6f: {  	[spmem:s1] =	stream.indirect.scatter.add.f32 [tilespmem:s15], [sflag:$0x1], $0x80, s17, s16, $0xb8;
	[tilespmem:$0x7B00] =	vst v63  }
0x70: {  	_ =	swait.ge [sflag:s11], $0x2800  }
0x71: {  	[sflag:s11] =	ssyncset.done $0x0  }
0x72: {  	[sflag:s11] =	ssyncadd.s32 $0xFFFFD800  }
0x73: {  	s19 =	simm.s32 @!p0 $0x5280;
	s20 =	simm.s32 @!p0 $0x1;
	[bflag:$0x0] =	sbarrier.arrive $0xFFFF  }
0x74: {  	[tilespmem:s19], [sflag:$0x1] =	stream.linear.gather @!p0 [spmem:s1], $0x2800, $0x38;
	[tilespmem:$0x7B00] =	vst v63  }
0x75: {  	s18 =	sadd.s32 $0x1, s18;
	_ =	swait.ge @!p0 [sflag:s20], $0x2800  }
0x76: {  	p1 =	sne.s32 s18, s7;
	[sflag:s20] =	ssyncset.done @!p0 $0x0  }
.Ltmp2:
0x77: {  	s21 =	simm.s32 @!p0 $0x0;
	[sflag:s20] =	ssyncadd.s32 @!p0 $0xFFFFD800;
	(pc) =	sbr.rel @p1 .LBB2_1-.Ltmp2, $4  }
0x78: {  	[hbm4b:s6+s21] =	stream.linear.scatter @!p0 [tilespmem:s19], [sflag:$0x1], $0x2800, $0x38;
	[tilespmem:$0x7B00] =	vst v63  }
0x79: {  	_ =	swait.ge @!p0 [sflag:s20], $0x2800  }
0x7a: {  	[sflag:s20] =	ssyncset.done @!p0 $0x0  }
0x7b: {  	[sflag:s20] =	ssyncadd.s32 @!p0 $0xFFFFD800  }
0x7c: {  	_ =	sfence.sel $0x180000  }
0x7d: {  	[bflag:$0x0] =	sbarrier.arrive $0xFFFF  }
0x7e: {  	_ =	strace $0x90000047  }
0x7f: {  	s0 =	sadd.s32 @!p0 $0x100000, s0;
	[bflag:$0x2] =	sbarrier.arrive $0xFFFF  }
0x80: {  	[sflag:s0] =	ssyncadd.tile.s32 @!p0 $0x1;
	_ =	shalt  }
.Lfunc_end2:
_tile_overlayer_lowered:
.L_overlay_start_2:
0x81: {  	(tag) =	ssettag $0x2  }
0x82: {  	s0 =	rddreg [dreg:$0x0];
	s2 =	stileid.u32  }
0x83: {  	s1 =	rddreg [dreg:$0x1];
	p0 =	sne.s32 s2, $0x0  }
0x84: {  	s3 =	rddreg [dreg:$0x2];
	[bflag:$0x3] =	sbarrier.arrive $0xFFFF;
	s2 =	simm.s32 @!p0 $0x1C01  }
0x85: {  	[timem:s3], [sflag:s2] =	dma.local @!p0 [hbm:s0], s1  }
0x86: {  	s0 =	simm.s32 @!p0 $0x1  }
0x87: {  	_ =	swait.ge @!p0 [sflag:s0], s1  }
0x88: {  	s1 =	ssub.s32 @!p0 $0x0, s1;
	[sflag:s0] =	ssyncset.done @!p0 $0x0  }
0x89: {  	[sflag:s0] =	ssyncadd.s32 @!p0 s1  }
0x8a: {  	[bflag:$0x3] =	sbarrier.arrive $0xFFFF  }
0x8b: {  	_ =	shalt  }

</sc_bundles>
